<compile_context>
chip_gen: v7x
topology: tpu7x:2x2x1
jax: 0.10.2.dev20260603
libtpu: 0.0.44.dev20260713+nightly
codegen_flags: <defaults>
</compile_context>

<pallas_src>
import jax
import jax.numpy as jnp
from jax import lax
from jax.experimental import pallas as pl
from jax.experimental.pallas import tpu as pltpu
from jax.experimental.pallas import tpu_sc as plsc

B = 16
H = 512
W = 512
NPIX = H * W
CHR = 64
CH = CHR * W
NCH = (NPIX // 2) // CH
NBINS = 256
NUM_ITERS = 8
L = 16
NVREG = CH // L
VPR = W // L


def _sc_hist_body(v_hbm, hist_hbm, mm_hbm,
                  buf0, buf1, subhist, hh, tmp, mmb, mmo, wbuf,
                  sh_mm, sh_h, sem0, sem1):
    c = lax.axis_index("c")
    s = lax.axis_index("s")
    b = c * 8 + s // 2
    half = s % 2
    row_base = half * (H // 2)

    bufs = (buf0, buf1)
    sems = (sem0, sem1)

    def chunk_copy(k, which):
        src = v_hbm.at[b, 0, pl.ds(row_base + k * CHR, CHR), :]
        return pltpu.make_async_copy(src, bufs[which], sems[which])

    def mm_chunk(cur, accs):
        @plsc.parallel_loop(0, NVREG, step=4, unroll=2, carry=accs)
        def _mmloop(i, carry):
            out = []
            for u in range(4):
                j = i + u
                v = cur[j // VPR, pl.ds((j % VPR) * L, L)]
                out.append(jnp.minimum(carry[2 * u], v))
                out.append(jnp.maximum(carry[2 * u + 1], v))
            return tuple(out)

        return _mmloop

    chunk_copy(0, 0).start()
    big = jnp.full((L,), jnp.inf, jnp.float32)
    accs = (big, -big, big, -big, big, -big, big, -big)

    def pair_a(p, accs):
        k0 = p * 2
        chunk_copy(k0 + 1, 1).start()
        chunk_copy(k0, 0).wait()
        accs = mm_chunk(buf0, accs)

        @pl.when(p + 1 < NCH // 2)
        def _():
            chunk_copy(k0 + 2, 0).start()

        chunk_copy(k0 + 1, 1).wait()
        return mm_chunk(buf1, accs)

    accs = lax.fori_loop(0, NCH // 2, pair_a, accs)

    mnv = jnp.minimum(jnp.minimum(accs[0], accs[2]),
                      jnp.minimum(accs[4], accs[6]))
    mxv = jnp.maximum(jnp.maximum(accs[1], accs[3]),
                      jnp.maximum(accs[5], accs[7]))

    chunk_copy(0, 0).start()

    mmb[pl.ds(0, L)] = mnv
    mmb[pl.ds(L, L)] = mxv
    pltpu.sync_copy(mmb, sh_mm.at[s])
    plsc.subcore_barrier()
    pltpu.sync_copy(sh_mm.at[s ^ 1], mmo)

    mv = jnp.minimum(mnv, mmo[pl.ds(0, L)])
    xv = jnp.maximum(mxv, mmo[pl.ds(L, L)])
    mn_all = mv[0]
    mx_all = xv[0]
    for j in range(1, L):
        mn_all = jnp.minimum(mn_all, mv[j])
        mx_all = jnp.maximum(mx_all, xv[j])

    rng = mx_all - mn_all
    safe = jnp.where(rng == 0.0, 1.0, rng)
    safe_v = jnp.full((L,), 1.0, jnp.float32) * safe
    a_v = jnp.full((L,), float(NBINS), jnp.float32) / safe_v
    lane_f = lax.iota(jnp.int32, L).astype(jnp.float32) * float(NBINS + 1)
    b_v = lane_f - (jnp.full((L,), 1.0, jnp.float32) * mn_all) * a_v
    ones = jnp.full((L,), 1.0, jnp.float32)

    @plsc.parallel_loop(0, ((NBINS + 1) * L) // L + 1, step=1, unroll=4)
    def _zloop(i):
        subhist[pl.ds(i * L, L)] = jnp.zeros((L,), jnp.float32)

    cpb1 = chunk_copy(1, 1)
    cpb1.start()

    def hist_chunk(cur):
        @plsc.parallel_loop(0, NVREG, step=4, unroll=2)
        def _hloop(i):
            for u in range(4):
                j = i + u
                v = cur[j // VPR, pl.ds((j % VPR) * L, L)]
                ti = (v * a_v + b_v).astype(jnp.int32)
                plsc.addupdate_scatter(subhist, [ti], ones)

    def pair_b(p, carry):
        k0 = p * 2
        chunk_copy(k0, 0).wait()
        hist_chunk(buf0)

        @pl.when(p + 1 < NCH // 2)
        def _():
            chunk_copy(k0 + 2, 0).start()

        chunk_copy(k0 + 1, 1).wait()
        hist_chunk(buf1)

        @pl.when(p + 1 < NCH // 2)
        def _():
            chunk_copy(k0 + 3, 1).start()

        return carry

    lax.fori_loop(0, NCH // 2, pair_b, 0)

    def merge_g(g, carry):
        acc = jnp.zeros((L,), jnp.float32)
        for l in range(L):
            acc = acc + subhist[pl.ds(l * (NBINS + 1) + g * L, L)]
        hh[pl.ds(g * L, L)] = acc
        return carry

    lax.fori_loop(0, NBINS // L, merge_g, 0)

    pltpu.sync_copy(hh, sh_h.at[s])
    plsc.subcore_barrier()

    @pl.when(half == 0)
    def _():
        pltpu.sync_copy(sh_h.at[s + 1], tmp)
        inv = jnp.float32(1.0 / NPIX)
        for g in range(NBINS // L):
            tot = (hh[pl.ds(g * L, L)] + tmp[pl.ds(g * L, L)]) * inv
            hh[pl.ds(g * L, L)] = tot
        pltpu.sync_copy(hh, hist_hbm.at[b])
        iota16 = lax.iota(jnp.int32, L)
        wbuf[...] = jnp.where(iota16 == 0, mn_all, mx_all)
        pltpu.sync_copy(wbuf, mm_hbm.at[b])


def _sc_hist(v4):
    f = pl.kernel(
        _sc_hist_body,
        out_type=[jax.ShapeDtypeStruct((B, NBINS), jnp.float32),
                  jax.ShapeDtypeStruct((B, L), jnp.float32)],
        mesh=plsc.VectorSubcoreMesh(core_axis_name="c", subcore_axis_name="s"),
        compiler_params=pltpu.CompilerParams(needs_layout_passes=False),
        scratch_types=[
            pltpu.VMEM((CHR, W), jnp.float32),
            pltpu.VMEM((CHR, W), jnp.float32),
            pltpu.VMEM(((NBINS + 1) * L + L,), jnp.float32),
            pltpu.VMEM((NBINS,), jnp.float32),
            pltpu.VMEM((NBINS,), jnp.float32),
            pltpu.VMEM((2 * L,), jnp.float32),
            pltpu.VMEM((2 * L,), jnp.float32),
            pltpu.VMEM((L,), jnp.float32),
            pltpu.VMEM_SHARED((L, 2 * L), jnp.float32),
            pltpu.VMEM_SHARED((L, NBINS), jnp.float32),
            pltpu.SemaphoreType.DMA,
            pltpu.SemaphoreType.DMA,
        ],
    )
    return f(v4)


def _lrelu(x):
    return jnp.where(x >= 0, x, 0.01 * x)


def _mlp_body(hist_ref, mm_ref, mu_ref,
              w1h_ref, w1t_ref, b1_ref, w2_ref, b2_ref,
              w3a_ref, w3h_ref, w3t_ref, b3_ref,
              w4_ref, b4_ref, w5_ref, b5_ref, al_ref):
    h = hist_ref[...]
    mn = mm_ref[:, 0:1]
    mx = mm_ref[:, 1:2]
    mu = mu_ref[...]

    def tail(wt_ref):
        return (mn * wt_ref[0:1, :] + mx * wt_ref[1:2, :]
                + mu * wt_ref[2:3, :])

    x = _lrelu(jnp.dot(h, w1h_ref[...]) + tail(w1t_ref) + b1_ref[...])
    x = _lrelu(jnp.dot(x, w2_ref[...]) + b2_ref[...])
    x = _lrelu(jnp.dot(x, w3a_ref[...]) + jnp.dot(h, w3h_ref[...])
               + tail(w3t_ref) + b3_ref[...])
    x = _lrelu(jnp.dot(x, w4_ref[...]) + b4_ref[...])
    al_ref[...] = _lrelu(jnp.dot(x, w5_ref[...]) + b5_ref[...])


def _mlp(hist, mm, mu, W1, b1, W2, b2, W3, b3, W4, b4, W5, b5):
    args = (hist, mm, mu,
            W1[:NBINS], W1[NBINS:], b1[None, :], W2, b2[None, :],
            W3[:64], W3[64:64 + NBINS], W3[64 + NBINS:], b3[None, :],
            W4, b4[None, :], W5, b5[None, :])
    return pl.pallas_call(
        _mlp_body,
        out_shape=jax.ShapeDtypeStruct((B, NUM_ITERS), jnp.float32),
        in_specs=[pl.BlockSpec(memory_space=pltpu.VMEM)] * len(args),
        out_specs=pl.BlockSpec(memory_space=pltpu.VMEM),
    )(*args)


PIXB = 4


def _pix_body(al_ref, v_ref, o_ref):
    g = pl.program_id(0)
    for p in range(PIXB):
        b = g * PIXB + p
        x = v_ref[p, 0]
        for i in range(NUM_ITERS):
            a = al_ref[b, i]
            x = x * ((1.0 + a) - a * x)
        o_ref[p, 0] = x


def _pix_update(v4, alphas):
    return pl.pallas_call(
        _pix_body,
        grid=(B // PIXB,),
        in_specs=[pl.BlockSpec(memory_space=pltpu.SMEM),
                  pl.BlockSpec((PIXB, 1, H, W), lambda g: (g, 0, 0, 0))],
        out_specs=pl.BlockSpec((PIXB, 1, H, W), lambda g: (g, 0, 0, 0)),
        out_shape=jax.ShapeDtypeStruct((B, 1, H, W), jnp.float32),
    )(alphas, v4)


def kernel(V_chanel, mu, W1, b1, W2, b2, W3, b3, W4, b4, W5, b5):
    hist, mm = _sc_hist(V_chanel)
    alphas = _mlp(hist, mm, mu, W1, b1, W2, b2, W3, b3, W4, b4, W5, b5)
    return _pix_update(V_chanel, alphas)

# --- scband reference (transcript-rebuilt; emitter-appended) ---
"""Pipeline reference for scband-hist-branch-16939351016189 (READ-ONLY COPY).

The authoritative reference and input builder live on the scoring server;
editing this copy changes nothing except your own understanding.
"""

import jax, jax.numpy as jnp
import numpy as np

NBINS = 256
MID = 64
NUM_ITERS = 8


def get_histogram(imgs, nbins):
    # imgs: [B, C, H, W]; per-image histc between per-image min and max
    def per_image(img):
        mn = jnp.min(img)
        mx = jnp.max(img)
        rng = mx - mn
        safe = jnp.where(rng == 0, 1.0, rng)
        idx = jnp.floor((img - mn) / safe * nbins).astype(jnp.int32)
        idx = jnp.clip(idx, 0, nbins - 1)
        counts = jnp.bincount(idx.reshape(-1), length=nbins).astype(jnp.float32)
        h = counts / jnp.sum(counts)
        return jnp.concatenate([h, jnp.stack([mn, mx])])
    return jax.vmap(per_image)(imgs)


def _lrelu(x):
    return jnp.where(x >= 0, x, 0.01 * x)


def setup_inputs(seed: int = 0) -> dict:
    key = jax.random.key(seed)
    ks = jax.random.split(key, 12)
    B, C, H, W = 16, 1, 512, 512
    V_chanel = jax.random.uniform(ks[0], (B, C, H, W), dtype=jnp.float32)
    mu = jax.random.uniform(ks[1], (B, 1), dtype=jnp.float32)
    d_in = NBINS + 3
    def lin(k, fan_in, fan_out):
        bound = 1.0 / np.sqrt(fan_in)
        kw, kb = jax.random.split(k)
        Wm = jax.random.uniform(kw, (fan_in, fan_out), minval=-bound, maxval=bound, dtype=jnp.float32)
        bv = jax.random.uniform(kb, (fan_out,), minval=-bound, maxval=bound, dtype=jnp.float32)
        return Wm, bv
    W1, b1 = lin(ks[2], d_in, MID)
    W2, b2 = lin(ks[3], MID, MID)
    W3, b3 = lin(ks[4], MID + d_in, MID)
    W4, b4 = lin(ks[5], MID, MID)
    W5, b5 = lin(ks[6], MID, NUM_ITERS)
    return {"V_chanel": V_chanel, "mu": mu,
            "W1": W1, "b1": b1, "W2": W2, "b2": b2,
            "W3": W3, "b3": b3, "W4": W4, "b4": b4,
            "W5": W5, "b5": b5}


def reference(V_chanel, mu, W1, b1, W2, b2, W3, b3, W4, b4, W5, b5):
    hist = jax.lax.stop_gradient(get_histogram(V_chanel, NBINS))  # torch version is non-differentiable
    vec = jnp.concatenate([hist, mu], axis=-1)
    hbf = _lrelu(vec @ W1 + b1)
    hbf = _lrelu(hbf @ W2 + b2)
    hbf = _lrelu(jnp.concatenate([hbf, vec], axis=1) @ W3 + b3)
    hbf = _lrelu(hbf @ W4 + b4)
    alphas = _lrelu(hbf @ W5 + b5)  # [B, NUM_ITERS]
    out = V_chanel
    for i in range(NUM_ITERS):
        alpha = alphas[:, i:i + 1]  # [B, 1]
        out = out + alpha[..., None, None] * (out - out ** 2)
    return out

if __name__ == "__main__":
    import jax
    _d = setup_inputs()
    print(jax.jit(kernel)(*tuple(_d.values())))

</pallas_src>

<mosaic_0001>
#map = affine_map<(d0, d1) -> (0, 0, 0, 0)>
#map1 = affine_map<(d0, d1) -> (0, 0)>
module attributes {stable_mosaic.version = 14 : i64} {
  func.func @_sc_hist_body(%arg0: i32, %arg1: i32, %arg2: memref<16x1x512x512xf32, #tpu.memory_space<hbm>>, %arg3: memref<16x256xf32, #tpu.memory_space<hbm>>, %arg4: memref<16x16xf32, #tpu.memory_space<hbm>>, %arg5: memref<64x512xf32, #tpu.memory_space<vmem>>, %arg6: memref<64x512xf32, #tpu.memory_space<vmem>>, %arg7: memref<4128xf32, #tpu.memory_space<vmem>>, %arg8: memref<256xf32, #tpu.memory_space<vmem>>, %arg9: memref<256xf32, #tpu.memory_space<vmem>>, %arg10: memref<32xf32, #tpu.memory_space<vmem>>, %arg11: memref<32xf32, #tpu.memory_space<vmem>>, %arg12: memref<16xf32, #tpu.memory_space<vmem>>, %arg13: memref<16x32xf32, #tpu.memory_space<vmem_shared>>, %arg14: memref<16x256xf32, #tpu.memory_space<vmem_shared>>, %arg15: memref<!tpu.dma_semaphore, #tpu.memory_space<semaphore_mem>>, %arg16: memref<!tpu.dma_semaphore, #tpu.memory_space<semaphore_mem>>) attributes {dimension_semantics = [#tpu.dimension_semantics<core_parallel>, #tpu.dimension_semantics<subcore_parallel>], iteration_bounds = array<i64: 2, 16>, scalar_prefetch = 0 : i64, scratch_operands = 12 : i64, tpu.core_type = #tpu.core_type<sc_vector_subcore>, window_params = [{transform_indices = #map}, {transform_indices = #map1}, {transform_indices = #map1}]} {
    %mul3A = arith.constant 8 : i32
    %mul3A_0 = arith.muli %arg0, %mul3A : i32
    %jit3A = arith.constant 2 : i32
    %div3A = arith.divsi %arg1, %jit3A : i32
    %sign3A = arith.constant 0 : i32
    %sign3A_1 = arith.cmpi sgt, %arg1, %sign3A : i32
    %sign3A_2 = arith.extui %sign3A_1 : i1 to i32
    %sign3A_3 = arith.constant 0 : i32
    %sign3A_4 = arith.cmpi slt, %arg1, %sign3A_3 : i32
    %sign3A_5 = arith.extui %sign3A_4 : i1 to i32
    %sign3A_6 = arith.subi %sign3A_2, %sign3A_5 : i32
    %sign3A_7 = arith.constant 0 : i32
    %sign3A_8 = arith.cmpi sgt, %jit3A, %sign3A_7 : i32
    %sign3A_9 = arith.extui %sign3A_8 : i1 to i32
    %sign3A_10 = arith.constant 0 : i32
    %sign3A_11 = arith.cmpi slt, %jit3A, %sign3A_10 : i32
    %sign3A_12 = arith.extui %sign3A_11 : i1 to i32
    %sign3A_13 = arith.subi %sign3A_9, %sign3A_12 : i32
    %ne3A = arith.cmpi ne, %sign3A_6, %sign3A_13 : i32
    %rem3A = arith.remsi %arg1, %jit3A : i32
    %ne3A_14 = arith.constant 0 : i32
    %ne3A_15 = arith.cmpi ne, %rem3A, %ne3A_14 : i32
    %and3A = arith.andi %ne3A, %ne3A_15 : i1
    %sub3A = arith.constant 1 : i32
    %sub3A_16 = arith.subi %div3A, %sub3A : i32
    %select_n3A = arith.select %and3A, %sub3A_16, %div3A : i32
    %add3A = arith.addi %mul3A_0, %select_n3A : i32
    %jit3A_17 = arith.constant 2 : i32
    %eq3A = arith.constant 0 : i32
    %eq3A_18 = arith.cmpi eq, %jit3A_17, %eq3A : i32
    %jit3A_19 = arith.constant 1 : i32
    %select_n3A_20 = arith.select %eq3A_18, %jit3A_19, %jit3A_17 : i32
    %rem3A_21 = arith.remsi %arg1, %select_n3A_20 : i32
    %ne3A_22 = arith.constant 0 : i32
    %ne3A_23 = arith.cmpi ne, %rem3A_21, %ne3A_22 : i32
    %lt3A = arith.constant 0 : i32
    %lt3A_24 = arith.cmpi slt, %rem3A_21, %lt3A : i32
    %lt3A_25 = arith.constant 0 : i32
    %lt3A_26 = arith.cmpi slt, %select_n3A_20, %lt3A_25 : i32
    %ne3A_27 = arith.xori %lt3A_24, %lt3A_26 : i1
    %and3A_28 = arith.andi %ne3A_27, %ne3A_23 : i1
    %add3A_29 = arith.addi %rem3A_21, %select_n3A_20 : i32
    %select_n3A_30 = arith.select %and3A_28, %add3A_29, %rem3A_21 : i32
    %mul3A_31 = arith.constant 256 : i32
    %mul3A_32 = arith.muli %select_n3A_30, %mul3A_31 : i32
    %add3A_33 = arith.constant 0 : i32
    %add3A_34 = arith.addi %mul3A_32, %add3A_33 : i32
    %dma_start3A = arith.constant 0 : i32
    %dma_start3A_35 = arith.constant 0 : i32
    %dma_start3A_36 = tpu.memref_slice %arg2[%add3A, %dma_start3A, %add3A_34, %dma_start3A_35] : memref<16x1x512x512xf32, #tpu.memory_space<hbm>> -> memref<1x1x64x512xf32, #tpu.memory_space<hbm>>
    %dma_start3A_37 = tpu.memref_squeeze %dma_start3A_36 : memref<1x1x64x512xf32, #tpu.memory_space<hbm>> -> memref<64x512xf32, #tpu.memory_space<hbm>>
    %dma_start3A_38 = arith.constant 0 : i32
    %dma_start3A_39 = tpu.memref_slice %arg2[%add3A, %dma_start3A, %add3A_34, %dma_start3A_38] : memref<16x1x512x512xf32, #tpu.memory_space<hbm>> -> memref<1x1x64x512xf32, #tpu.memory_space<hbm>>
    %dma_start3A_40 = tpu.memref_squeeze %dma_start3A_39 : memref<1x1x64x512xf32, #tpu.memory_space<hbm>> -> memref<64x512xf32, #tpu.memory_space<hbm>>
    tpu.enqueue_dma source(%dma_start3A_40 : memref<64x512xf32, #tpu.memory_space<hbm>>) target(%arg5 : memref<64x512xf32, #tpu.memory_space<vmem>>) target_semaphore(%arg15 : memref<!tpu.dma_semaphore, #tpu.memory_space<semaphore_mem>>)
    %broadcast_in_dim3A = arith.constant 0x7F800000 : f32
    %broadcast_in_dim3A_41 = vector.broadcast %broadcast_in_dim3A : f32 to vector<16xf32>
    %neg3A = arith.constant 0.000000e+00 : f32
    %neg3A_42 = vector.broadcast %neg3A : f32 to vector<16xf32>
    %neg3A_43 = arith.subf %neg3A_42, %broadcast_in_dim3A_41 : vector<16xf32>
    %neg3A_44 = arith.constant 0.000000e+00 : f32
    %neg3A_45 = vector.broadcast %neg3A_44 : f32 to vector<16xf32>
    %neg3A_46 = arith.subf %neg3A_45, %broadcast_in_dim3A_41 : vector<16xf32>
    %neg3A_47 = arith.constant 0.000000e+00 : f32
    %neg3A_48 = vector.broadcast %neg3A_47 : f32 to vector<16xf32>
    %neg3A_49 = arith.subf %neg3A_48, %broadcast_in_dim3A_41 : vector<16xf32>
    %neg3A_50 = arith.constant 0.000000e+00 : f32
    %neg3A_51 = vector.broadcast %neg3A_50 : f32 to vector<16xf32>
    %neg3A_52 = arith.subf %neg3A_51, %broadcast_in_dim3A_41 : vector<16xf32>
    %scan3A = arith.constant 0 : i32
    %scan3A_53 = arith.constant 2 : i32
    %scan3A_54 = arith.addi %scan3A, %scan3A_53 : i32
    %scan3A_55 = arith.constant 1 : i32
    %scan3A_56:8 = scf.for %scan3A_223 = %scan3A to %scan3A_54 step %scan3A_55 iter_args(%scan3A_224 = %broadcast_in_dim3A_41, %scan3A_225 = %neg3A_43, %scan3A_226 = %broadcast_in_dim3A_41, %scan3A_227 = %neg3A_46, %scan3A_228 = %broadcast_in_dim3A_41, %scan3A_229 = %neg3A_49, %scan3A_230 = %broadcast_in_dim3A_41, %scan3A_231 = %neg3A_52) -> (vector<16xf32>, vector<16xf32>, vector<16xf32>, vector<16xf32>, vector<16xf32>, vector<16xf32>, vector<16xf32>, vector<16xf32>)  : i32 {
      %mul3A_232 = arith.constant 2 : i32
      %mul3A_233 = arith.muli %scan3A_223, %mul3A_232 : i32
      %add3A_234 = arith.constant 1 : i32
      %add3A_235 = arith.addi %mul3A_233, %add3A_234 : i32
      %mul3A_236 = arith.constant 64 : i32
      %mul3A_237 = arith.muli %add3A_235, %mul3A_236 : i32
      %add3A_238 = arith.addi %mul3A_32, %mul3A_237 : i32
      %dma_start3A_239 = arith.constant 0 : i32
      %dma_start3A_240 = arith.constant 0 : i32
      %dma_start3A_241 = tpu.memref_slice %arg2[%add3A, %dma_start3A_239, %add3A_238, %dma_start3A_240] : memref<16x1x512x512xf32, #tpu.memory_space<hbm>> -> memref<1x1x64x512xf32, #tpu.memory_space<hbm>>
      %dma_start3A_242 = tpu.memref_squeeze %dma_start3A_241 : memref<1x1x64x512xf32, #tpu.memory_space<hbm>> -> memref<64x512xf32, #tpu.memory_space<hbm>>
      %dma_start3A_243 = arith.constant 0 : i32
      %dma_start3A_244 = tpu.memref_slice %arg2[%add3A, %dma_start3A_239, %add3A_238, %dma_start3A_243] : memref<16x1x512x512xf32, #tpu.memory_space<hbm>> -> memref<1x1x64x512xf32, #tpu.memory_space<hbm>>
      %dma_start3A_245 = tpu.memref_squeeze %dma_start3A_244 : memref<1x1x64x512xf32, #tpu.memory_space<hbm>> -> memref<64x512xf32, #tpu.memory_space<hbm>>
      tpu.enqueue_dma source(%dma_start3A_245 : memref<64x512xf32, #tpu.memory_space<hbm>>) target(%arg6 : memref<64x512xf32, #tpu.memory_space<vmem>>) target_semaphore(%arg16 : memref<!tpu.dma_semaphore, #tpu.memory_space<semaphore_mem>>)
      %mul3A_246 = arith.constant 64 : i32
      %mul3A_247 = arith.muli %mul3A_233, %mul3A_246 : i32
      %add3A_248 = arith.addi %mul3A_32, %mul3A_247 : i32
      %dma_wait3A = arith.constant 0 : i32
      %dma_wait3A_249 = arith.constant 0 : i32
      %dma_wait3A_250 = tpu.memref_slice %arg2[%add3A, %dma_wait3A, %add3A_248, %dma_wait3A_249] : memref<16x1x512x512xf32, #tpu.memory_space<hbm>> -> memref<1x1x64x512xf32, #tpu.memory_space<hbm>>
      %dma_wait3A_251 = tpu.memref_squeeze %dma_wait3A_250 : memref<1x1x64x512xf32, #tpu.memory_space<hbm>> -> memref<64x512xf32, #tpu.memory_space<hbm>>
      %dma_wait3A_252 = arith.constant 0 : i32
      %dma_wait3A_253 = tpu.memref_slice %arg2[%add3A, %dma_wait3A, %add3A_248, %dma_wait3A_252] : memref<16x1x512x512xf32, #tpu.memory_space<hbm>> -> memref<1x1x64x512xf32, #tpu.memory_space<hbm>>
      %dma_wait3A_254 = tpu.memref_squeeze %dma_wait3A_253 : memref<1x1x64x512xf32, #tpu.memory_space<hbm>> -> memref<64x512xf32, #tpu.memory_space<hbm>>
      tpu.wait_dma2 semaphore(%arg15 : memref<!tpu.dma_semaphore, #tpu.memory_space<semaphore_mem>>) src(%dma_wait3A_254 : memref<64x512xf32, #tpu.memory_space<hbm>>) dst(%arg5 : memref<64x512xf32, #tpu.memory_space<vmem>>)
      %parallel_loop3A_255 = arith.constant 0 : i32
      %parallel_loop3A_256 = arith.constant 2048 : i32
      %parallel_loop3A_257 = arith.constant 4 : i32
      %parallel_loop3A_258:8 = scf.for %parallel_loop3A_282 = %parallel_loop3A_255 to %parallel_loop3A_256 step %parallel_loop3A_257 iter_args(%parallel_loop3A_283 = %scan3A_224, %parallel_loop3A_284 = %scan3A_225, %parallel_loop3A_285 = %scan3A_226, %parallel_loop3A_286 = %scan3A_227, %parallel_loop3A_287 = %scan3A_228, %parallel_loop3A_288 = %scan3A_229, %parallel_loop3A_289 = %scan3A_230, %parallel_loop3A_290 = %scan3A_231) -> (vector<16xf32>, vector<16xf32>, vector<16xf32>, vector<16xf32>, vector<16xf32>, vector<16xf32>, vector<16xf32>, vector<16xf32>)  : i32 {
        %parallel_loop3A_291 = arith.constant 0 : i32
        %parallel_loop3A_292 = arith.addi %parallel_loop3A_282, %parallel_loop3A_291 : i32
        %parallel_loop3A_293 = arith.constant 32 : i32
        %parallel_loop3A_294 = arith.divsi %parallel_loop3A_292, %parallel_loop3A_293 : i32
        %parallel_loop3A_295 = arith.constant 0 : i32
        %parallel_loop3A_296 = arith.cmpi sgt, %parallel_loop3A_292, %parallel_loop3A_295 : i32
        %parallel_loop3A_297 = arith.extui %parallel_loop3A_296 : i1 to i32
        %parallel_loop3A_298 = arith.constant 0 : i32
        %parallel_loop3A_299 = arith.cmpi slt, %parallel_loop3A_292, %parallel_loop3A_298 : i32
        %parallel_loop3A_300 = arith.extui %parallel_loop3A_299 : i1 to i32
        %parallel_loop3A_301 = arith.subi %parallel_loop3A_297, %parallel_loop3A_300 : i32
        %parallel_loop3A_302 = arith.constant 0 : i32
        %parallel_loop3A_303 = arith.cmpi sgt, %parallel_loop3A_293, %parallel_loop3A_302 : i32
        %parallel_loop3A_304 = arith.extui %parallel_loop3A_303 : i1 to i32
        %parallel_loop3A_305 = arith.constant 0 : i32
        %parallel_loop3A_306 = arith.cmpi slt, %parallel_loop3A_293, %parallel_loop3A_305 : i32
        %parallel_loop3A_307 = arith.extui %parallel_loop3A_306 : i1 to i32
        %parallel_loop3A_308 = arith.subi %parallel_loop3A_304, %parallel_loop3A_307 : i32
        %parallel_loop3A_309 = arith.cmpi ne, %parallel_loop3A_301, %parallel_loop3A_308 : i32
        %parallel_loop3A_310 = arith.remsi %parallel_loop3A_292, %parallel_loop3A_293 : i32
        %parallel_loop3A_311 = arith.constant 0 : i32
        %parallel_loop3A_312 = arith.cmpi ne, %parallel_loop3A_310, %parallel_loop3A_311 : i32
        %parallel_loop3A_313 = arith.andi %parallel_loop3A_309, %parallel_loop3A_312 : i1
        %parallel_loop3A_314 = arith.constant 1 : i32
        %parallel_loop3A_315 = arith.subi %parallel_loop3A_294, %parallel_loop3A_314 : i32
        %parallel_loop3A_316 = arith.select %parallel_loop3A_313, %parallel_loop3A_315, %parallel_loop3A_294 : i32
        %parallel_loop3A_317 = arith.constant 32 : i32
        %parallel_loop3A_318 = arith.constant 0 : i32
        %parallel_loop3A_319 = arith.cmpi eq, %parallel_loop3A_317, %parallel_loop3A_318 : i32
        %parallel_loop3A_320 = arith.constant 1 : i32
        %parallel_loop3A_321 = arith.select %parallel_loop3A_319, %parallel_loop3A_320, %parallel_loop3A_317 : i32
        %parallel_loop3A_322 = arith.remsi %parallel_loop3A_292, %parallel_loop3A_321 : i32
        %parallel_loop3A_323 = arith.constant 0 : i32
        %parallel_loop3A_324 = arith.cmpi ne, %parallel_loop3A_322, %parallel_loop3A_323 : i32
        %parallel_loop3A_325 = arith.constant 0 : i32
        %parallel_loop3A_326 = arith.cmpi slt, %parallel_loop3A_322, %parallel_loop3A_325 : i32
        %parallel_loop3A_327 = arith.constant 0 : i32
        %parallel_loop3A_328 = arith.cmpi slt, %parallel_loop3A_321, %parallel_loop3A_327 : i32
        %parallel_loop3A_329 = arith.xori %parallel_loop3A_326, %parallel_loop3A_328 : i1
        %parallel_loop3A_330 = arith.andi %parallel_loop3A_329, %parallel_loop3A_324 : i1
        %parallel_loop3A_331 = arith.addi %parallel_loop3A_322, %parallel_loop3A_321 : i32
        %parallel_loop3A_332 = arith.select %parallel_loop3A_330, %parallel_loop3A_331, %parallel_loop3A_322 : i32
        %parallel_loop3A_333 = arith.constant 16 : i32
        %parallel_loop3A_334 = arith.muli %parallel_loop3A_332, %parallel_loop3A_333 : i32
        %parallel_loop3A_335 = arith.index_cast %parallel_loop3A_316 : i32 to index
        %parallel_loop3A_336 = arith.index_cast %parallel_loop3A_334 : i32 to index
        %parallel_loop3A_337 = tpu.vector_load %arg5[%parallel_loop3A_335, %parallel_loop3A_336] {strides = array<i32>} : memref<64x512xf32, #tpu.memory_space<vmem>>, vector<16xf32>,
        %parallel_loop3A_338 = arith.minimumf %parallel_loop3A_283, %parallel_loop3A_337 : vector<16xf32>
        %parallel_loop3A_339 = arith.maximumf %parallel_loop3A_284, %parallel_loop3A_337 : vector<16xf32>
        %parallel_loop3A_340 = arith.constant 1 : i32
        %parallel_loop3A_341 = arith.addi %parallel_loop3A_282, %parallel_loop3A_340 : i32
        %parallel_loop3A_342 = arith.constant 32 : i32
        %parallel_loop3A_343 = arith.divsi %parallel_loop3A_341, %parallel_loop3A_342 : i32
        %parallel_loop3A_344 = arith.constant 0 : i32
        %parallel_loop3A_345 = arith.cmpi sgt, %parallel_loop3A_341, %parallel_loop3A_344 : i32
        %parallel_loop3A_346 = arith.extui %parallel_loop3A_345 : i1 to i32
        %parallel_loop3A_347 = arith.constant 0 : i32
        %parallel_loop3A_348 = arith.cmpi slt, %parallel_loop3A_341, %parallel_loop3A_347 : i32
        %parallel_loop3A_349 = arith.extui %parallel_loop3A_348 : i1 to i32
        %parallel_loop3A_350 = arith.subi %parallel_loop3A_346, %parallel_loop3A_349 : i32
        %parallel_loop3A_351 = arith.constant 0 : i32
        %parallel_loop3A_352 = arith.cmpi sgt, %parallel_loop3A_342, %parallel_loop3A_351 : i32
        %parallel_loop3A_353 = arith.extui %parallel_loop3A_352 : i1 to i32
        %parallel_loop3A_354 = arith.constant 0 : i32
        %parallel_loop3A_355 = arith.cmpi slt, %parallel_loop3A_342, %parallel_loop3A_354 : i32
        %parallel_loop3A_356 = arith.extui %parallel_loop3A_355 : i1 to i32
        %parallel_loop3A_357 = arith.subi %parallel_loop3A_353, %parallel_loop3A_356 : i32
        %parallel_loop3A_358 = arith.cmpi ne, %parallel_loop3A_350, %parallel_loop3A_357 : i32
        %parallel_loop3A_359 = arith.remsi %parallel_loop3A_341, %parallel_loop3A_342 : i32
        %parallel_loop3A_360 = arith.constant 0 : i32
        %parallel_loop3A_361 = arith.cmpi ne, %parallel_loop3A_359, %parallel_loop3A_360 : i32
        %parallel_loop3A_362 = arith.andi %parallel_loop3A_358, %parallel_loop3A_361 : i1
        %parallel_loop3A_363 = arith.constant 1 : i32
        %parallel_loop3A_364 = arith.subi %parallel_loop3A_343, %parallel_loop3A_363 : i32
        %parallel_loop3A_365 = arith.select %parallel_loop3A_362, %parallel_loop3A_364, %parallel_loop3A_343 : i32
        %parallel_loop3A_366 = arith.constant 32 : i32
        %parallel_loop3A_367 = arith.constant 0 : i32
        %parallel_loop3A_368 = arith.cmpi eq, %parallel_loop3A_366, %parallel_loop3A_367 : i32
        %parallel_loop3A_369 = arith.constant 1 : i32
        %parallel_loop3A_370 = arith.select %parallel_loop3A_368, %parallel_loop3A_369, %parallel_loop3A_366 : i32
        %parallel_loop3A_371 = arith.remsi %parallel_loop3A_341, %parallel_loop3A_370 : i32
        %parallel_loop3A_372 = arith.constant 0 : i32
        %parallel_loop3A_373 = arith.cmpi ne, %parallel_loop3A_371, %parallel_loop3A_372 : i32
        %parallel_loop3A_374 = arith.constant 0 : i32
        %parallel_loop3A_375 = arith.cmpi slt, %parallel_loop3A_371, %parallel_loop3A_374 : i32
        %parallel_loop3A_376 = arith.constant 0 : i32
        %parallel_loop3A_377 = arith.cmpi slt, %parallel_loop3A_370, %parallel_loop3A_376 : i32
        %parallel_loop3A_378 = arith.xori %parallel_loop3A_375, %parallel_loop3A_377 : i1
        %parallel_loop3A_379 = arith.andi %parallel_loop3A_378, %parallel_loop3A_373 : i1
        %parallel_loop3A_380 = arith.addi %parallel_loop3A_371, %parallel_loop3A_370 : i32
        %parallel_loop3A_381 = arith.select %parallel_loop3A_379, %parallel_loop3A_380, %parallel_loop3A_371 : i32
        %parallel_loop3A_382 = arith.constant 16 : i32
        %parallel_loop3A_383 = arith.muli %parallel_loop3A_381, %parallel_loop3A_382 : i32
        %parallel_loop3A_384 = arith.index_cast %parallel_loop3A_365 : i32 to index
        %parallel_loop3A_385 = arith.index_cast %parallel_loop3A_383 : i32 to index
        %parallel_loop3A_386 = tpu.vector_load %arg5[%parallel_loop3A_384, %parallel_loop3A_385] {strides = array<i32>} : memref<64x512xf32, #tpu.memory_space<vmem>>, vector<16xf32>,
        %parallel_loop3A_387 = arith.minimumf %parallel_loop3A_285, %parallel_loop3A_386 : vector<16xf32>
        %parallel_loop3A_388 = arith.maximumf %parallel_loop3A_286, %parallel_loop3A_386 : vector<16xf32>
        %parallel_loop3A_389 = arith.constant 2 : i32
        %parallel_loop3A_390 = arith.addi %parallel_loop3A_282, %parallel_loop3A_389 : i32
        %parallel_loop3A_391 = arith.constant 32 : i32
        %parallel_loop3A_392 = arith.divsi %parallel_loop3A_390, %parallel_loop3A_391 : i32
        %parallel_loop3A_393 = arith.constant 0 : i32
        %parallel_loop3A_394 = arith.cmpi sgt, %parallel_loop3A_390, %parallel_loop3A_393 : i32
        %parallel_loop3A_395 = arith.extui %parallel_loop3A_394 : i1 to i32
        %parallel_loop3A_396 = arith.constant 0 : i32
        %parallel_loop3A_397 = arith.cmpi slt, %parallel_loop3A_390, %parallel_loop3A_396 : i32
        %parallel_loop3A_398 = arith.extui %parallel_loop3A_397 : i1 to i32
        %parallel_loop3A_399 = arith.subi %parallel_loop3A_395, %parallel_loop3A_398 : i32
        %parallel_loop3A_400 = arith.constant 0 : i32
        %parallel_loop3A_401 = arith.cmpi sgt, %parallel_loop3A_391, %parallel_loop3A_400 : i32
        %parallel_loop3A_402 = arith.extui %parallel_loop3A_401 : i1 to i32
        %parallel_loop3A_403 = arith.constant 0 : i32
        %parallel_loop3A_404 = arith.cmpi slt, %parallel_loop3A_391, %parallel_loop3A_403 : i32
        %parallel_loop3A_405 = arith.extui %parallel_loop3A_404 : i1 to i32
        %parallel_loop3A_406 = arith.subi %parallel_loop3A_402, %parallel_loop3A_405 : i32
        %parallel_loop3A_407 = arith.cmpi ne, %parallel_loop3A_399, %parallel_loop3A_406 : i32
        %parallel_loop3A_408 = arith.remsi %parallel_loop3A_390, %parallel_loop3A_391 : i32
        %parallel_loop3A_409 = arith.constant 0 : i32
        %parallel_loop3A_410 = arith.cmpi ne, %parallel_loop3A_408, %parallel_loop3A_409 : i32
        %parallel_loop3A_411 = arith.andi %parallel_loop3A_407, %parallel_loop3A_410 : i1
        %parallel_loop3A_412 = arith.constant 1 : i32
        %parallel_loop3A_413 = arith.subi %parallel_loop3A_392, %parallel_loop3A_412 : i32
        %parallel_loop3A_414 = arith.select %parallel_loop3A_411, %parallel_loop3A_413, %parallel_loop3A_392 : i32
        %parallel_loop3A_415 = arith.constant 32 : i32
        %parallel_loop3A_416 = arith.constant 0 : i32
        %parallel_loop3A_417 = arith.cmpi eq, %parallel_loop3A_415, %parallel_loop3A_416 : i32
        %parallel_loop3A_418 = arith.constant 1 : i32
        %parallel_loop3A_419 = arith.select %parallel_loop3A_417, %parallel_loop3A_418, %parallel_loop3A_415 : i32
        %parallel_loop3A_420 = arith.remsi %parallel_loop3A_390, %parallel_loop3A_419 : i32
        %parallel_loop3A_421 = arith.constant 0 : i32
        %parallel_loop3A_422 = arith.cmpi ne, %parallel_loop3A_420, %parallel_loop3A_421 : i32
        %parallel_loop3A_423 = arith.constant 0 : i32
        %parallel_loop3A_424 = arith.cmpi slt, %parallel_loop3A_420, %parallel_loop3A_423 : i32
        %parallel_loop3A_425 = arith.constant 0 : i32
        %parallel_loop3A_426 = arith.cmpi slt, %parallel_loop3A_419, %parallel_loop3A_425 : i32
        %parallel_loop3A_427 = arith.xori %parallel_loop3A_424, %parallel_loop3A_426 : i1
        %parallel_loop3A_428 = arith.andi %parallel_loop3A_427, %parallel_loop3A_422 : i1
        %parallel_loop3A_429 = arith.addi %parallel_loop3A_420, %parallel_loop3A_419 : i32
        %parallel_loop3A_430 = arith.select %parallel_loop3A_428, %parallel_loop3A_429, %parallel_loop3A_420 : i32
        %parallel_loop3A_431 = arith.constant 16 : i32
        %parallel_loop3A_432 = arith.muli %parallel_loop3A_430, %parallel_loop3A_431 : i32
        %parallel_loop3A_433 = arith.index_cast %parallel_loop3A_414 : i32 to index
        %parallel_loop3A_434 = arith.index_cast %parallel_loop3A_432 : i32 to index
        %parallel_loop3A_435 = tpu.vector_load %arg5[%parallel_loop3A_433, %parallel_loop3A_434] {strides = array<i32>} : memref<64x512xf32, #tpu.memory_space<vmem>>, vector<16xf32>,
        %parallel_loop3A_436 = arith.minimumf %parallel_loop3A_287, %parallel_loop3A_435 : vector<16xf32>
        %parallel_loop3A_437 = arith.maximumf %parallel_loop3A_288, %parallel_loop3A_435 : vector<16xf32>
        %parallel_loop3A_438 = arith.constant 3 : i32
        %parallel_loop3A_439 = arith.addi %parallel_loop3A_282, %parallel_loop3A_438 : i32
        %parallel_loop3A_440 = arith.constant 32 : i32
        %parallel_loop3A_441 = arith.divsi %parallel_loop3A_439, %parallel_loop3A_440 : i32
        %parallel_loop3A_442 = arith.constant 0 : i32
        %parallel_loop3A_443 = arith.cmpi sgt, %parallel_loop3A_439, %parallel_loop3A_442 : i32
        %parallel_loop3A_444 = arith.extui %parallel_loop3A_443 : i1 to i32
        %parallel_loop3A_445 = arith.constant 0 : i32
        %parallel_loop3A_446 = arith.cmpi slt, %parallel_loop3A_439, %parallel_loop3A_445 : i32
        %parallel_loop3A_447 = arith.extui %parallel_loop3A_446 : i1 to i32
        %parallel_loop3A_448 = arith.subi %parallel_loop3A_444, %parallel_loop3A_447 : i32
        %parallel_loop3A_449 = arith.constant 0 : i32
        %parallel_loop3A_450 = arith.cmpi sgt, %parallel_loop3A_440, %parallel_loop3A_449 : i32
        %parallel_loop3A_451 = arith.extui %parallel_loop3A_450 : i1 to i32
        %parallel_loop3A_452 = arith.constant 0 : i32
        %parallel_loop3A_453 = arith.cmpi slt, %parallel_loop3A_440, %parallel_loop3A_452 : i32
        %parallel_loop3A_454 = arith.extui %parallel_loop3A_453 : i1 to i32
        %parallel_loop3A_455 = arith.subi %parallel_loop3A_451, %parallel_loop3A_454 : i32
        %parallel_loop3A_456 = arith.cmpi ne, %parallel_loop3A_448, %parallel_loop3A_455 : i32
        %parallel_loop3A_457 = arith.remsi %parallel_loop3A_439, %parallel_loop3A_440 : i32
        %parallel_loop3A_458 = arith.constant 0 : i32
        %parallel_loop3A_459 = arith.cmpi ne, %parallel_loop3A_457, %parallel_loop3A_458 : i32
        %parallel_loop3A_460 = arith.andi %parallel_loop3A_456, %parallel_loop3A_459 : i1
        %parallel_loop3A_461 = arith.constant 1 : i32
        %parallel_loop3A_462 = arith.subi %parallel_loop3A_441, %parallel_loop3A_461 : i32
        %parallel_loop3A_463 = arith.select %parallel_loop3A_460, %parallel_loop3A_462, %parallel_loop3A_441 : i32
        %parallel_loop3A_464 = arith.constant 32 : i32
        %parallel_loop3A_465 = arith.constant 0 : i32
        %parallel_loop3A_466 = arith.cmpi eq, %parallel_loop3A_464, %parallel_loop3A_465 : i32
        %parallel_loop3A_467 = arith.constant 1 : i32
        %parallel_loop3A_468 = arith.select %parallel_loop3A_466, %parallel_loop3A_467, %parallel_loop3A_464 : i32
        %parallel_loop3A_469 = arith.remsi %parallel_loop3A_439, %parallel_loop3A_468 : i32
        %parallel_loop3A_470 = arith.constant 0 : i32
        %parallel_loop3A_471 = arith.cmpi ne, %parallel_loop3A_469, %parallel_loop3A_470 : i32
        %parallel_loop3A_472 = arith.constant 0 : i32
        %parallel_loop3A_473 = arith.cmpi slt, %parallel_loop3A_469, %parallel_loop3A_472 : i32
        %parallel_loop3A_474 = arith.constant 0 : i32
        %parallel_loop3A_475 = arith.cmpi slt, %parallel_loop3A_468, %parallel_loop3A_474 : i32
        %parallel_loop3A_476 = arith.xori %parallel_loop3A_473, %parallel_loop3A_475 : i1
        %parallel_loop3A_477 = arith.andi %parallel_loop3A_476, %parallel_loop3A_471 : i1
        %parallel_loop3A_478 = arith.addi %parallel_loop3A_469, %parallel_loop3A_468 : i32
        %parallel_loop3A_479 = arith.select %parallel_loop3A_477, %parallel_loop3A_478, %parallel_loop3A_469 : i32
        %parallel_loop3A_480 = arith.constant 16 : i32
        %parallel_loop3A_481 = arith.muli %parallel_loop3A_479, %parallel_loop3A_480 : i32
        %parallel_loop3A_482 = arith.index_cast %parallel_loop3A_463 : i32 to index
        %parallel_loop3A_483 = arith.index_cast %parallel_loop3A_481 : i32 to index
        %parallel_loop3A_484 = tpu.vector_load %arg5[%parallel_loop3A_482, %parallel_loop3A_483] {strides = array<i32>} : memref<64x512xf32, #tpu.memory_space<vmem>>, vector<16xf32>,
        %parallel_loop3A_485 = arith.minimumf %parallel_loop3A_289, %parallel_loop3A_484 : vector<16xf32>
        %parallel_loop3A_486 = arith.maximumf %parallel_loop3A_290, %parallel_loop3A_484 : vector<16xf32>
        scf.yield %parallel_loop3A_338, %parallel_loop3A_339, %parallel_loop3A_387, %parallel_loop3A_388, %parallel_loop3A_436, %parallel_loop3A_437, %parallel_loop3A_485, %parallel_loop3A_486 : vector<16xf32>, vector<16xf32>, vector<16xf32>, vector<16xf32>, vector<16xf32>, vector<16xf32>, vector<16xf32>, vector<16xf32>
      } {sc.loop_unroll_factor = 2 : i64, sc.parallel_access}
      %add3A_259 = arith.constant 1 : i32
      %add3A_260 = arith.addi %scan3A_223, %add3A_259 : i32
      %lt3A_261 = arith.constant 2 : i32
      %lt3A_262 = arith.cmpi slt, %add3A_260, %lt3A_261 : i32
      %convert_element_type3A_263 = arith.extui %lt3A_262 : i1 to i32
      %cond3A_264 = arith.constant 0 : i32
      %cond3A_265 = arith.cmpi ne, %convert_element_type3A_263, %cond3A_264 : i32
      scf.if %cond3A_265 {
        %add3A_282 = arith.constant 2 : i32
        %add3A_283 = arith.addi %mul3A_233, %add3A_282 : i32
        %mul3A_284 = arith.constant 64 : i32
        %mul3A_285 = arith.muli %add3A_283, %mul3A_284 : i32
        %add3A_286 = arith.addi %mul3A_32, %mul3A_285 : i32
        %dma_start3A_287 = arith.constant 0 : i32
        %dma_start3A_288 = arith.constant 0 : i32
        %dma_start3A_289 = tpu.memref_slice %arg2[%add3A, %dma_start3A_287, %add3A_286, %dma_start3A_288] : memref<16x1x512x512xf32, #tpu.memory_space<hbm>> -> memref<1x1x64x512xf32, #tpu.memory_space<hbm>>
        %dma_start3A_290 = tpu.memref_squeeze %dma_start3A_289 : memref<1x1x64x512xf32, #tpu.memory_space<hbm>> -> memref<64x512xf32, #tpu.memory_space<hbm>>
        %dma_start3A_291 = arith.constant 0 : i32
        %dma_start3A_292 = tpu.memref_slice %arg2[%add3A, %dma_start3A_287, %add3A_286, %dma_start3A_291] : memref<16x1x512x512xf32, #tpu.memory_space<hbm>> -> memref<1x1x64x512xf32, #tpu.memory_space<hbm>>
        %dma_start3A_293 = tpu.memref_squeeze %dma_start3A_292 : memref<1x1x64x512xf32, #tpu.memory_space<hbm>> -> memref<64x512xf32, #tpu.memory_space<hbm>>
        tpu.enqueue_dma source(%dma_start3A_293 : memref<64x512xf32, #tpu.memory_space<hbm>>) target(%arg5 : memref<64x512xf32, #tpu.memory_space<vmem>>) target_semaphore(%arg15 : memref<!tpu.dma_semaphore, #tpu.memory_space<semaphore_mem>>)
      } else {
      }
      %add3A_266 = arith.constant 1 : i32
      %add3A_267 = arith.addi %mul3A_233, %add3A_266 : i32
      %mul3A_268 = arith.constant 64 : i32
      %mul3A_269 = arith.muli %add3A_267, %mul3A_268 : i32
      %add3A_270 = arith.addi %mul3A_32, %mul3A_269 : i32
      %dma_wait3A_271 = arith.constant 0 : i32
      %dma_wait3A_272 = arith.constant 0 : i32
      %dma_wait3A_273 = tpu.memref_slice %arg2[%add3A, %dma_wait3A_271, %add3A_270, %dma_wait3A_272] : memref<16x1x512x512xf32, #tpu.memory_space<hbm>> -> memref<1x1x64x512xf32, #tpu.memory_space<hbm>>
      %dma_wait3A_274 = tpu.memref_squeeze %dma_wait3A_273 : memref<1x1x64x512xf32, #tpu.memory_space<hbm>> -> memref<64x512xf32, #tpu.memory_space<hbm>>
      %dma_wait3A_275 = arith.constant 0 : i32
      %dma_wait3A_276 = tpu.memref_slice %arg2[%add3A, %dma_wait3A_271, %add3A_270, %dma_wait3A_275] : memref<16x1x512x512xf32, #tpu.memory_space<hbm>> -> memref<1x1x64x512xf32, #tpu.memory_space<hbm>>
      %dma_wait3A_277 = tpu.memref_squeeze %dma_wait3A_276 : memref<1x1x64x512xf32, #tpu.memory_space<hbm>> -> memref<64x512xf32, #tpu.memory_space<hbm>>
      tpu.wait_dma2 semaphore(%arg16 : memref<!tpu.dma_semaphore, #tpu.memory_space<semaphore_mem>>) src(%dma_wait3A_277 : memref<64x512xf32, #tpu.memory_space<hbm>>) dst(%arg6 : memref<64x512xf32, #tpu.memory_space<vmem>>)
      %parallel_loop3A_278 = arith.constant 0 : i32
      %parallel_loop3A_279 = arith.constant 2048 : i32
      %parallel_loop3A_280 = arith.constant 4 : i32
      %parallel_loop3A_281:8 = scf.for %parallel_loop3A_282 = %parallel_loop3A_278 to %parallel_loop3A_279 step %parallel_loop3A_280 iter_args(%parallel_loop3A_283 = %parallel_loop3A_258#0, %parallel_loop3A_284 = %parallel_loop3A_258#1, %parallel_loop3A_285 = %parallel_loop3A_258#2, %parallel_loop3A_286 = %parallel_loop3A_258#3, %parallel_loop3A_287 = %parallel_loop3A_258#4, %parallel_loop3A_288 = %parallel_loop3A_258#5, %parallel_loop3A_289 = %parallel_loop3A_258#6, %parallel_loop3A_290 = %parallel_loop3A_258#7) -> (vector<16xf32>, vector<16xf32>, vector<16xf32>, vector<16xf32>, vector<16xf32>, vector<16xf32>, vector<16xf32>, vector<16xf32>)  : i32 {
        %parallel_loop3A_291 = arith.constant 0 : i32
        %parallel_loop3A_292 = arith.addi %parallel_loop3A_282, %parallel_loop3A_291 : i32
        %parallel_loop3A_293 = arith.constant 32 : i32
        %parallel_loop3A_294 = arith.divsi %parallel_loop3A_292, %parallel_loop3A_293 : i32
        %parallel_loop3A_295 = arith.constant 0 : i32
        %parallel_loop3A_296 = arith.cmpi sgt, %parallel_loop3A_292, %parallel_loop3A_295 : i32
        %parallel_loop3A_297 = arith.extui %parallel_loop3A_296 : i1 to i32
        %parallel_loop3A_298 = arith.constant 0 : i32
        %parallel_loop3A_299 = arith.cmpi slt, %parallel_loop3A_292, %parallel_loop3A_298 : i32
        %parallel_loop3A_300 = arith.extui %parallel_loop3A_299 : i1 to i32
        %parallel_loop3A_301 = arith.subi %parallel_loop3A_297, %parallel_loop3A_300 : i32
        %parallel_loop3A_302 = arith.constant 0 : i32
        %parallel_loop3A_303 = arith.cmpi sgt, %parallel_loop3A_293, %parallel_loop3A_302 : i32
        %parallel_loop3A_304 = arith.extui %parallel_loop3A_303 : i1 to i32
        %parallel_loop3A_305 = arith.constant 0 : i32
        %parallel_loop3A_306 = arith.cmpi slt, %parallel_loop3A_293, %parallel_loop3A_305 : i32
        %parallel_loop3A_307 = arith.extui %parallel_loop3A_306 : i1 to i32
        %parallel_loop3A_308 = arith.subi %parallel_loop3A_304, %parallel_loop3A_307 : i32
        %parallel_loop3A_309 = arith.cmpi ne, %parallel_loop3A_301, %parallel_loop3A_308 : i32
        %parallel_loop3A_310 = arith.remsi %parallel_loop3A_292, %parallel_loop3A_293 : i32
        %parallel_loop3A_311 = arith.constant 0 : i32
        %parallel_loop3A_312 = arith.cmpi ne, %parallel_loop3A_310, %parallel_loop3A_311 : i32
        %parallel_loop3A_313 = arith.andi %parallel_loop3A_309, %parallel_loop3A_312 : i1
        %parallel_loop3A_314 = arith.constant 1 : i32
        %parallel_loop3A_315 = arith.subi %parallel_loop3A_294, %parallel_loop3A_314 : i32
        %parallel_loop3A_316 = arith.select %parallel_loop3A_313, %parallel_loop3A_315, %parallel_loop3A_294 : i32
        %parallel_loop3A_317 = arith.constant 32 : i32
        %parallel_loop3A_318 = arith.constant 0 : i32
        %parallel_loop3A_319 = arith.cmpi eq, %parallel_loop3A_317, %parallel_loop3A_318 : i32
        %parallel_loop3A_320 = arith.constant 1 : i32
        %parallel_loop3A_321 = arith.select %parallel_loop3A_319, %parallel_loop3A_320, %parallel_loop3A_317 : i32
        %parallel_loop3A_322 = arith.remsi %parallel_loop3A_292, %parallel_loop3A_321 : i32
        %parallel_loop3A_323 = arith.constant 0 : i32
        %parallel_loop3A_324 = arith.cmpi ne, %parallel_loop3A_322, %parallel_loop3A_323 : i32
        %parallel_loop3A_325 = arith.constant 0 : i32
        %parallel_loop3A_326 = arith.cmpi slt, %parallel_loop3A_322, %parallel_loop3A_325 : i32
        %parallel_loop3A_327 = arith.constant 0 : i32
        %parallel_loop3A_328 = arith.cmpi slt, %parallel_loop3A_321, %parallel_loop3A_327 : i32
        %parallel_loop3A_329 = arith.xori %parallel_loop3A_326, %parallel_loop3A_328 : i1
        %parallel_loop3A_330 = arith.andi %parallel_loop3A_329, %parallel_loop3A_324 : i1
        %parallel_loop3A_331 = arith.addi %parallel_loop3A_322, %parallel_loop3A_321 : i32
        %parallel_loop3A_332 = arith.select %parallel_loop3A_330, %parallel_loop3A_331, %parallel_loop3A_322 : i32
        %parallel_loop3A_333 = arith.constant 16 : i32
        %parallel_loop3A_334 = arith.muli %parallel_loop3A_332, %parallel_loop3A_333 : i32
        %parallel_loop3A_335 = arith.index_cast %parallel_loop3A_316 : i32 to index
        %parallel_loop3A_336 = arith.index_cast %parallel_loop3A_334 : i32 to index
        %parallel_loop3A_337 = tpu.vector_load %arg6[%parallel_loop3A_335, %parallel_loop3A_336] {strides = array<i32>} : memref<64x512xf32, #tpu.memory_space<vmem>>, vector<16xf32>,
        %parallel_loop3A_338 = arith.minimumf %parallel_loop3A_283, %parallel_loop3A_337 : vector<16xf32>
        %parallel_loop3A_339 = arith.maximumf %parallel_loop3A_284, %parallel_loop3A_337 : vector<16xf32>
        %parallel_loop3A_340 = arith.constant 1 : i32
        %parallel_loop3A_341 = arith.addi %parallel_loop3A_282, %parallel_loop3A_340 : i32
        %parallel_loop3A_342 = arith.constant 32 : i32
        %parallel_loop3A_343 = arith.divsi %parallel_loop3A_341, %parallel_loop3A_342 : i32
        %parallel_loop3A_344 = arith.constant 0 : i32
        %parallel_loop3A_345 = arith.cmpi sgt, %parallel_loop3A_341, %parallel_loop3A_344 : i32
        %parallel_loop3A_346 = arith.extui %parallel_loop3A_345 : i1 to i32
        %parallel_loop3A_347 = arith.constant 0 : i32
        %parallel_loop3A_348 = arith.cmpi slt, %parallel_loop3A_341, %parallel_loop3A_347 : i32
        %parallel_loop3A_349 = arith.extui %parallel_loop3A_348 : i1 to i32
        %parallel_loop3A_350 = arith.subi %parallel_loop3A_346, %parallel_loop3A_349 : i32
        %parallel_loop3A_351 = arith.constant 0 : i32
        %parallel_loop3A_352 = arith.cmpi sgt, %parallel_loop3A_342, %parallel_loop3A_351 : i32
        %parallel_loop3A_353 = arith.extui %parallel_loop3A_352 : i1 to i32
        %parallel_loop3A_354 = arith.constant 0 : i32
        %parallel_loop3A_355 = arith.cmpi slt, %parallel_loop3A_342, %parallel_loop3A_354 : i32
        %parallel_loop3A_356 = arith.extui %parallel_loop3A_355 : i1 to i32
        %parallel_loop3A_357 = arith.subi %parallel_loop3A_353, %parallel_loop3A_356 : i32
        %parallel_loop3A_358 = arith.cmpi ne, %parallel_loop3A_350, %parallel_loop3A_357 : i32
        %parallel_loop3A_359 = arith.remsi %parallel_loop3A_341, %parallel_loop3A_342 : i32
        %parallel_loop3A_360 = arith.constant 0 : i32
        %parallel_loop3A_361 = arith.cmpi ne, %parallel_loop3A_359, %parallel_loop3A_360 : i32
        %parallel_loop3A_362 = arith.andi %parallel_loop3A_358, %parallel_loop3A_361 : i1
        %parallel_loop3A_363 = arith.constant 1 : i32
        %parallel_loop3A_364 = arith.subi %parallel_loop3A_343, %parallel_loop3A_363 : i32
        %parallel_loop3A_365 = arith.select %parallel_loop3A_362, %parallel_loop3A_364, %parallel_loop3A_343 : i32
        %parallel_loop3A_366 = arith.constant 32 : i32
        %parallel_loop3A_367 = arith.constant 0 : i32
        %parallel_loop3A_368 = arith.cmpi eq, %parallel_loop3A_366, %parallel_loop3A_367 : i32
        %parallel_loop3A_369 = arith.constant 1 : i32
        %parallel_loop3A_370 = arith.select %parallel_loop3A_368, %parallel_loop3A_369, %parallel_loop3A_366 : i32
        %parallel_loop3A_371 = arith.remsi %parallel_loop3A_341, %parallel_loop3A_370 : i32
        %parallel_loop3A_372 = arith.constant 0 : i32
        %parallel_loop3A_373 = arith.cmpi ne, %parallel_loop3A_371, %parallel_loop3A_372 : i32
        %parallel_loop3A_374 = arith.constant 0 : i32
        %parallel_loop3A_375 = arith.cmpi slt, %parallel_loop3A_371, %parallel_loop3A_374 : i32
        %parallel_loop3A_376 = arith.constant 0 : i32
        %parallel_loop3A_377 = arith.cmpi slt, %parallel_loop3A_370, %parallel_loop3A_376 : i32
        %parallel_loop3A_378 = arith.xori %parallel_loop3A_375, %parallel_loop3A_377 : i1
        %parallel_loop3A_379 = arith.andi %parallel_loop3A_378, %parallel_loop3A_373 : i1
        %parallel_loop3A_380 = arith.addi %parallel_loop3A_371, %parallel_loop3A_370 : i32
        %parallel_loop3A_381 = arith.select %parallel_loop3A_379, %parallel_loop3A_380, %parallel_loop3A_371 : i32
        %parallel_loop3A_382 = arith.constant 16 : i32
        %parallel_loop3A_383 = arith.muli %parallel_loop3A_381, %parallel_loop3A_382 : i32
        %parallel_loop3A_384 = arith.index_cast %parallel_loop3A_365 : i32 to index
        %parallel_loop3A_385 = arith.index_cast %parallel_loop3A_383 : i32 to index
        %parallel_loop3A_386 = tpu.vector_load %arg6[%parallel_loop3A_384, %parallel_loop3A_385] {strides = array<i32>} : memref<64x512xf32, #tpu.memory_space<vmem>>, vector<16xf32>,
        %parallel_loop3A_387 = arith.minimumf %parallel_loop3A_285, %parallel_loop3A_386 : vector<16xf32>
        %parallel_loop3A_388 = arith.maximumf %parallel_loop3A_286, %parallel_loop3A_386 : vector<16xf32>
        %parallel_loop3A_389 = arith.constant 2 : i32
        %parallel_loop3A_390 = arith.addi %parallel_loop3A_282, %parallel_loop3A_389 : i32
        %parallel_loop3A_391 = arith.constant 32 : i32
        %parallel_loop3A_392 = arith.divsi %parallel_loop3A_390, %parallel_loop3A_391 : i32
        %parallel_loop3A_393 = arith.constant 0 : i32
        %parallel_loop3A_394 = arith.cmpi sgt, %parallel_loop3A_390, %parallel_loop3A_393 : i32
        %parallel_loop3A_395 = arith.extui %parallel_loop3A_394 : i1 to i32
        %parallel_loop3A_396 = arith.constant 0 : i32
        %parallel_loop3A_397 = arith.cmpi slt, %parallel_loop3A_390, %parallel_loop3A_396 : i32
        %parallel_loop3A_398 = arith.extui %parallel_loop3A_397 : i1 to i32
        %parallel_loop3A_399 = arith.subi %parallel_loop3A_395, %parallel_loop3A_398 : i32
        %parallel_loop3A_400 = arith.constant 0 : i32
        %parallel_loop3A_401 = arith.cmpi sgt, %parallel_loop3A_391, %parallel_loop3A_400 : i32
        %parallel_loop3A_402 = arith.extui %parallel_loop3A_401 : i1 to i32
        %parallel_loop3A_403 = arith.constant 0 : i32
        %parallel_loop3A_404 = arith.cmpi slt, %parallel_loop3A_391, %parallel_loop3A_403 : i32
        %parallel_loop3A_405 = arith.extui %parallel_loop3A_404 : i1 to i32
        %parallel_loop3A_406 = arith.subi %parallel_loop3A_402, %parallel_loop3A_405 : i32
        %parallel_loop3A_407 = arith.cmpi ne, %parallel_loop3A_399, %parallel_loop3A_406 : i32
        %parallel_loop3A_408 = arith.remsi %parallel_loop3A_390, %parallel_loop3A_391 : i32
        %parallel_loop3A_409 = arith.constant 0 : i32
        %parallel_loop3A_410 = arith.cmpi ne, %parallel_loop3A_408, %parallel_loop3A_409 : i32
        %parallel_loop3A_411 = arith.andi %parallel_loop3A_407, %parallel_loop3A_410 : i1
        %parallel_loop3A_412 = arith.constant 1 : i32
        %parallel_loop3A_413 = arith.subi %parallel_loop3A_392, %parallel_loop3A_412 : i32
        %parallel_loop3A_414 = arith.select %parallel_loop3A_411, %parallel_loop3A_413, %parallel_loop3A_392 : i32
        %parallel_loop3A_415 = arith.constant 32 : i32
        %parallel_loop3A_416 = arith.constant 0 : i32
        %parallel_loop3A_417 = arith.cmpi eq, %parallel_loop3A_415, %parallel_loop3A_416 : i32
        %parallel_loop3A_418 = arith.constant 1 : i32
        %parallel_loop3A_419 = arith.select %parallel_loop3A_417, %parallel_loop3A_418, %parallel_loop3A_415 : i32
        %parallel_loop3A_420 = arith.remsi %parallel_loop3A_390, %parallel_loop3A_419 : i32
        %parallel_loop3A_421 = arith.constant 0 : i32
        %parallel_loop3A_422 = arith.cmpi ne, %parallel_loop3A_420, %parallel_loop3A_421 : i32
        %parallel_loop3A_423 = arith.constant 0 : i32
        %parallel_loop3A_424 = arith.cmpi slt, %parallel_loop3A_420, %parallel_loop3A_423 : i32
        %parallel_loop3A_425 = arith.constant 0 : i32
        %parallel_loop3A_426 = arith.cmpi slt, %parallel_loop3A_419, %parallel_loop3A_425 : i32
        %parallel_loop3A_427 = arith.xori %parallel_loop3A_424, %parallel_loop3A_426 : i1
        %parallel_loop3A_428 = arith.andi %parallel_loop3A_427, %parallel_loop3A_422 : i1
        %parallel_loop3A_429 = arith.addi %parallel_loop3A_420, %parallel_loop3A_419 : i32
        %parallel_loop3A_430 = arith.select %parallel_loop3A_428, %parallel_loop3A_429, %parallel_loop3A_420 : i32
        %parallel_loop3A_431 = arith.constant 16 : i32
        %parallel_loop3A_432 = arith.muli %parallel_loop3A_430, %parallel_loop3A_431 : i32
        %parallel_loop3A_433 = arith.index_cast %parallel_loop3A_414 : i32 to index
        %parallel_loop3A_434 = arith.index_cast %parallel_loop3A_432 : i32 to index
        %parallel_loop3A_435 = tpu.vector_load %arg6[%parallel_loop3A_433, %parallel_loop3A_434] {strides = array<i32>} : memref<64x512xf32, #tpu.memory_space<vmem>>, vector<16xf32>,
        %parallel_loop3A_436 = arith.minimumf %parallel_loop3A_287, %parallel_loop3A_435 : vector<16xf32>
        %parallel_loop3A_437 = arith.maximumf %parallel_loop3A_288, %parallel_loop3A_435 : vector<16xf32>
        %parallel_loop3A_438 = arith.constant 3 : i32
        %parallel_loop3A_439 = arith.addi %parallel_loop3A_282, %parallel_loop3A_438 : i32
        %parallel_loop3A_440 = arith.constant 32 : i32
        %parallel_loop3A_441 = arith.divsi %parallel_loop3A_439, %parallel_loop3A_440 : i32
        %parallel_loop3A_442 = arith.constant 0 : i32
        %parallel_loop3A_443 = arith.cmpi sgt, %parallel_loop3A_439, %parallel_loop3A_442 : i32
        %parallel_loop3A_444 = arith.extui %parallel_loop3A_443 : i1 to i32
        %parallel_loop3A_445 = arith.constant 0 : i32
        %parallel_loop3A_446 = arith.cmpi slt, %parallel_loop3A_439, %parallel_loop3A_445 : i32
        %parallel_loop3A_447 = arith.extui %parallel_loop3A_446 : i1 to i32
        %parallel_loop3A_448 = arith.subi %parallel_loop3A_444, %parallel_loop3A_447 : i32
        %parallel_loop3A_449 = arith.constant 0 : i32
        %parallel_loop3A_450 = arith.cmpi sgt, %parallel_loop3A_440, %parallel_loop3A_449 : i32
        %parallel_loop3A_451 = arith.extui %parallel_loop3A_450 : i1 to i32
        %parallel_loop3A_452 = arith.constant 0 : i32
        %parallel_loop3A_453 = arith.cmpi slt, %parallel_loop3A_440, %parallel_loop3A_452 : i32
        %parallel_loop3A_454 = arith.extui %parallel_loop3A_453 : i1 to i32
        %parallel_loop3A_455 = arith.subi %parallel_loop3A_451, %parallel_loop3A_454 : i32
        %parallel_loop3A_456 = arith.cmpi ne, %parallel_loop3A_448, %parallel_loop3A_455 : i32
        %parallel_loop3A_457 = arith.remsi %parallel_loop3A_439, %parallel_loop3A_440 : i32
        %parallel_loop3A_458 = arith.constant 0 : i32
        %parallel_loop3A_459 = arith.cmpi ne, %parallel_loop3A_457, %parallel_loop3A_458 : i32
        %parallel_loop3A_460 = arith.andi %parallel_loop3A_456, %parallel_loop3A_459 : i1
        %parallel_loop3A_461 = arith.constant 1 : i32
        %parallel_loop3A_462 = arith.subi %parallel_loop3A_441, %parallel_loop3A_461 : i32
        %parallel_loop3A_463 = arith.select %parallel_loop3A_460, %parallel_loop3A_462, %parallel_loop3A_441 : i32
        %parallel_loop3A_464 = arith.constant 32 : i32
        %parallel_loop3A_465 = arith.constant 0 : i32
        %parallel_loop3A_466 = arith.cmpi eq, %parallel_loop3A_464, %parallel_loop3A_465 : i32
        %parallel_loop3A_467 = arith.constant 1 : i32
        %parallel_loop3A_468 = arith.select %parallel_loop3A_466, %parallel_loop3A_467, %parallel_loop3A_464 : i32
        %parallel_loop3A_469 = arith.remsi %parallel_loop3A_439, %parallel_loop3A_468 : i32
        %parallel_loop3A_470 = arith.constant 0 : i32
        %parallel_loop3A_471 = arith.cmpi ne, %parallel_loop3A_469, %parallel_loop3A_470 : i32
        %parallel_loop3A_472 = arith.constant 0 : i32
        %parallel_loop3A_473 = arith.cmpi slt, %parallel_loop3A_469, %parallel_loop3A_472 : i32
        %parallel_loop3A_474 = arith.constant 0 : i32
        %parallel_loop3A_475 = arith.cmpi slt, %parallel_loop3A_468, %parallel_loop3A_474 : i32
        %parallel_loop3A_476 = arith.xori %parallel_loop3A_473, %parallel_loop3A_475 : i1
        %parallel_loop3A_477 = arith.andi %parallel_loop3A_476, %parallel_loop3A_471 : i1
        %parallel_loop3A_478 = arith.addi %parallel_loop3A_469, %parallel_loop3A_468 : i32
        %parallel_loop3A_479 = arith.select %parallel_loop3A_477, %parallel_loop3A_478, %parallel_loop3A_469 : i32
        %parallel_loop3A_480 = arith.constant 16 : i32
        %parallel_loop3A_481 = arith.muli %parallel_loop3A_479, %parallel_loop3A_480 : i32
        %parallel_loop3A_482 = arith.index_cast %parallel_loop3A_463 : i32 to index
        %parallel_loop3A_483 = arith.index_cast %parallel_loop3A_481 : i32 to index
        %parallel_loop3A_484 = tpu.vector_load %arg6[%parallel_loop3A_482, %parallel_loop3A_483] {strides = array<i32>} : memref<64x512xf32, #tpu.memory_space<vmem>>, vector<16xf32>,
        %parallel_loop3A_485 = arith.minimumf %parallel_loop3A_289, %parallel_loop3A_484 : vector<16xf32>
        %parallel_loop3A_486 = arith.maximumf %parallel_loop3A_290, %parallel_loop3A_484 : vector<16xf32>
        scf.yield %parallel_loop3A_338, %parallel_loop3A_339, %parallel_loop3A_387, %parallel_loop3A_388, %parallel_loop3A_436, %parallel_loop3A_437, %parallel_loop3A_485, %parallel_loop3A_486 : vector<16xf32>, vector<16xf32>, vector<16xf32>, vector<16xf32>, vector<16xf32>, vector<16xf32>, vector<16xf32>, vector<16xf32>
      } {sc.loop_unroll_factor = 2 : i64, sc.parallel_access}
      scf.yield %parallel_loop3A_281#0, %parallel_loop3A_281#1, %parallel_loop3A_281#2, %parallel_loop3A_281#3, %parallel_loop3A_281#4, %parallel_loop3A_281#5, %parallel_loop3A_281#6, %parallel_loop3A_281#7 : vector<16xf32>, vector<16xf32>, vector<16xf32>, vector<16xf32>, vector<16xf32>, vector<16xf32>, vector<16xf32>, vector<16xf32>
    }
    %scan3A_57 = arith.constant 2 : i32
    %min3A = arith.minimumf %scan3A_56#0, %scan3A_56#2 : vector<16xf32>
    %min3A_58 = arith.minimumf %scan3A_56#4, %scan3A_56#6 : vector<16xf32>
    %min3A_59 = arith.minimumf %min3A, %min3A_58 : vector<16xf32>
    %max3A = arith.maximumf %scan3A_56#1, %scan3A_56#3 : vector<16xf32>
    %max3A_60 = arith.maximumf %scan3A_56#5, %scan3A_56#7 : vector<16xf32>
    %max3A_61 = arith.maximumf %max3A, %max3A_60 : vector<16xf32>
    %add3A_62 = arith.constant 0 : i32
    %add3A_63 = arith.addi %mul3A_32, %add3A_62 : i32
    %dma_start3A_64 = arith.constant 0 : i32
    %dma_start3A_65 = arith.constant 0 : i32
    %dma_start3A_66 = tpu.memref_slice %arg2[%add3A, %dma_start3A_64, %add3A_63, %dma_start3A_65] : memref<16x1x512x512xf32, #tpu.memory_space<hbm>> -> memref<1x1x64x512xf32, #tpu.memory_space<hbm>>
    %dma_start3A_67 = tpu.memref_squeeze %dma_start3A_66 : memref<1x1x64x512xf32, #tpu.memory_space<hbm>> -> memref<64x512xf32, #tpu.memory_space<hbm>>
    %dma_start3A_68 = arith.constant 0 : i32
    %dma_start3A_69 = tpu.memref_slice %arg2[%add3A, %dma_start3A_64, %add3A_63, %dma_start3A_68] : memref<16x1x512x512xf32, #tpu.memory_space<hbm>> -> memref<1x1x64x512xf32, #tpu.memory_space<hbm>>
    %dma_start3A_70 = tpu.memref_squeeze %dma_start3A_69 : memref<1x1x64x512xf32, #tpu.memory_space<hbm>> -> memref<64x512xf32, #tpu.memory_space<hbm>>
    tpu.enqueue_dma source(%dma_start3A_70 : memref<64x512xf32, #tpu.memory_space<hbm>>) target(%arg5 : memref<64x512xf32, #tpu.memory_space<vmem>>) target_semaphore(%arg15 : memref<!tpu.dma_semaphore, #tpu.memory_space<semaphore_mem>>)
    %swap3A = arith.constant 0 : index
    %swap3A_71 = tpu.vector_load %arg10[%swap3A] {strides = array<i32>} : memref<32xf32, #tpu.memory_space<vmem>>, vector<16xf32>,
    tpu.vector_store %arg10[%swap3A], %min3A_59 {strides = array<i32>} : memref<32xf32, #tpu.memory_space<vmem>>, vector<16xf32>,
    %swap3A_72 = arith.constant 16 : index
    %swap3A_73 = tpu.vector_load %arg10[%swap3A_72] {strides = array<i32>} : memref<32xf32, #tpu.memory_space<vmem>>, vector<16xf32>,
    tpu.vector_store %arg10[%swap3A_72], %max3A_61 {strides = array<i32>} : memref<32xf32, #tpu.memory_space<vmem>>, vector<16xf32>,
    "tpu.region"() ({
      %run_scoped3A = tpu.sem_alloc : memref<!tpu.dma_semaphore, #tpu.memory_space<semaphore_mem>>
      %dma_start3A_223 = arith.constant 0 : i32
      %dma_start3A_224 = tpu.memref_slice %arg13[%arg1, %dma_start3A_223] : memref<16x32xf32, #tpu.memory_space<vmem_shared>> -> memref<1x32xf32, #tpu.memory_space<vmem_shared>>
      %dma_start3A_225 = tpu.memref_squeeze %dma_start3A_224 : memref<1x32xf32, #tpu.memory_space<vmem_shared>> -> memref<32xf32, #tpu.memory_space<vmem_shared>>
      %dma_start3A_226 = arith.constant 0 : i32
      %dma_start3A_227 = tpu.memref_slice %arg13[%arg1, %dma_start3A_226] : memref<16x32xf32, #tpu.memory_space<vmem_shared>> -> memref<1x32xf32, #tpu.memory_space<vmem_shared>>
      %dma_start3A_228 = tpu.memref_squeeze %dma_start3A_227 : memref<1x32xf32, #tpu.memory_space<vmem_shared>> -> memref<32xf32, #tpu.memory_space<vmem_shared>>
      tpu.enqueue_dma source(%arg10 : memref<32xf32, #tpu.memory_space<vmem>>) target(%dma_start3A_228 : memref<32xf32, #tpu.memory_space<vmem_shared>>) target_semaphore(%run_scoped3A : memref<!tpu.dma_semaphore, #tpu.memory_space<semaphore_mem>>)
      %dma_wait3A = arith.constant 0 : i32
      %dma_wait3A_229 = tpu.memref_slice %arg13[%arg1, %dma_wait3A] : memref<16x32xf32, #tpu.memory_space<vmem_shared>> -> memref<1x32xf32, #tpu.memory_space<vmem_shared>>
      %dma_wait3A_230 = tpu.memref_squeeze %dma_wait3A_229 : memref<1x32xf32, #tpu.memory_space<vmem_shared>> -> memref<32xf32, #tpu.memory_space<vmem_shared>>
      %dma_wait3A_231 = arith.constant 0 : i32
      %dma_wait3A_232 = tpu.memref_slice %arg13[%arg1, %dma_wait3A_231] : memref<16x32xf32, #tpu.memory_space<vmem_shared>> -> memref<1x32xf32, #tpu.memory_space<vmem_shared>>
      %dma_wait3A_233 = tpu.memref_squeeze %dma_wait3A_232 : memref<1x32xf32, #tpu.memory_space<vmem_shared>> -> memref<32xf32, #tpu.memory_space<vmem_shared>>
      tpu.wait_dma2 semaphore(%run_scoped3A : memref<!tpu.dma_semaphore, #tpu.memory_space<semaphore_mem>>) src(%arg10 : memref<32xf32, #tpu.memory_space<vmem>>) dst(%dma_wait3A_233 : memref<32xf32, #tpu.memory_space<vmem_shared>>)
      tpu.yield
    }) : () -> ()
    %barrier3A = arith.constant 0 : index
    tpu.barrier barrier_id(%barrier3A)
    %xor3A = arith.constant 1 : i32
    %xor3A_74 = arith.xori %arg1, %xor3A : i32
    "tpu.region"() ({
      %run_scoped3A = tpu.sem_alloc : memref<!tpu.dma_semaphore, #tpu.memory_space<semaphore_mem>>
      %dma_start3A_223 = arith.constant 0 : i32
      %dma_start3A_224 = tpu.memref_slice %arg13[%xor3A_74, %dma_start3A_223] : memref<16x32xf32, #tpu.memory_space<vmem_shared>> -> memref<1x32xf32, #tpu.memory_space<vmem_shared>>
      %dma_start3A_225 = tpu.memref_squeeze %dma_start3A_224 : memref<1x32xf32, #tpu.memory_space<vmem_shared>> -> memref<32xf32, #tpu.memory_space<vmem_shared>>
      %dma_start3A_226 = arith.constant 0 : i32
      %dma_start3A_227 = tpu.memref_slice %arg13[%xor3A_74, %dma_start3A_226] : memref<16x32xf32, #tpu.memory_space<vmem_shared>> -> memref<1x32xf32, #tpu.memory_space<vmem_shared>>
      %dma_start3A_228 = tpu.memref_squeeze %dma_start3A_227 : memref<1x32xf32, #tpu.memory_space<vmem_shared>> -> memref<32xf32, #tpu.memory_space<vmem_shared>>
      tpu.enqueue_dma source(%dma_start3A_228 : memref<32xf32, #tpu.memory_space<vmem_shared>>) target(%arg11 : memref<32xf32, #tpu.memory_space<vmem>>) target_semaphore(%run_scoped3A : memref<!tpu.dma_semaphore, #tpu.memory_space<semaphore_mem>>)
      %dma_wait3A = arith.constant 0 : i32
      %dma_wait3A_229 = tpu.memref_slice %arg13[%xor3A_74, %dma_wait3A] : memref<16x32xf32, #tpu.memory_space<vmem_shared>> -> memref<1x32xf32, #tpu.memory_space<vmem_shared>>
      %dma_wait3A_230 = tpu.memref_squeeze %dma_wait3A_229 : memref<1x32xf32, #tpu.memory_space<vmem_shared>> -> memref<32xf32, #tpu.memory_space<vmem_shared>>
      %dma_wait3A_231 = arith.constant 0 : i32
      %dma_wait3A_232 = tpu.memref_slice %arg13[%xor3A_74, %dma_wait3A_231] : memref<16x32xf32, #tpu.memory_space<vmem_shared>> -> memref<1x32xf32, #tpu.memory_space<vmem_shared>>
      %dma_wait3A_233 = tpu.memref_squeeze %dma_wait3A_232 : memref<1x32xf32, #tpu.memory_space<vmem_shared>> -> memref<32xf32, #tpu.memory_space<vmem_shared>>
      tpu.wait_dma2 semaphore(%run_scoped3A : memref<!tpu.dma_semaphore, #tpu.memory_space<semaphore_mem>>) src(%dma_wait3A_233 : memref<32xf32, #tpu.memory_space<vmem_shared>>) dst(%arg11 : memref<32xf32, #tpu.memory_space<vmem>>)
      tpu.yield
    }) : () -> ()
    %get3A = arith.constant 0 : index
    %get3A_75 = tpu.vector_load %arg11[%get3A] {strides = array<i32>} : memref<32xf32, #tpu.memory_space<vmem>>, vector<16xf32>,
    %min3A_76 = arith.minimumf %min3A_59, %get3A_75 : vector<16xf32>
    %get3A_77 = arith.constant 16 : index
    %get3A_78 = tpu.vector_load %arg11[%get3A_77] {strides = array<i32>} : memref<32xf32, #tpu.memory_space<vmem>>, vector<16xf32>,
    %max3A_79 = arith.maximumf %max3A_61, %get3A_78 : vector<16xf32>
    %slice3A = vector.extract_strided_slice %min3A_76 {offsets = [0], sizes = [1], strides = [1]} : vector<16xf32> to vector<1xf32>
    %squeeze3A = vector.extract %slice3A[0] : f32 from vector<1xf32>
    %slice3A_80 = vector.extract_strided_slice %max3A_79 {offsets = [0], sizes = [1], strides = [1]} : vector<16xf32> to vector<1xf32>
    %squeeze3A_81 = vector.extract %slice3A_80[0] : f32 from vector<1xf32>
    %slice3A_82 = vector.extract_strided_slice %min3A_76 {offsets = [1], sizes = [1], strides = [1]} : vector<16xf32> to vector<1xf32>
    %squeeze3A_83 = vector.extract %slice3A_82[0] : f32 from vector<1xf32>
    %min3A_84 = arith.minimumf %squeeze3A, %squeeze3A_83 : f32
    %slice3A_85 = vector.extract_strided_slice %max3A_79 {offsets = [1], sizes = [1], strides = [1]} : vector<16xf32> to vector<1xf32>
    %squeeze3A_86 = vector.extract %slice3A_85[0] : f32 from vector<1xf32>
    %max3A_87 = arith.maximumf %squeeze3A_81, %squeeze3A_86 : f32
    %slice3A_88 = vector.extract_strided_slice %min3A_76 {offsets = [2], sizes = [1], strides = [1]} : vector<16xf32> to vector<1xf32>
    %squeeze3A_89 = vector.extract %slice3A_88[0] : f32 from vector<1xf32>
    %min3A_90 = arith.minimumf %min3A_84, %squeeze3A_89 : f32
    %slice3A_91 = vector.extract_strided_slice %max3A_79 {offsets = [2], sizes = [1], strides = [1]} : vector<16xf32> to vector<1xf32>
    %squeeze3A_92 = vector.extract %slice3A_91[0] : f32 from vector<1xf32>
    %max3A_93 = arith.maximumf %max3A_87, %squeeze3A_92 : f32
    %slice3A_94 = vector.extract_strided_slice %min3A_76 {offsets = [3], sizes = [1], strides = [1]} : vector<16xf32> to vector<1xf32>
    %squeeze3A_95 = vector.extract %slice3A_94[0] : f32 from vector<1xf32>
    %min3A_96 = arith.minimumf %min3A_90, %squeeze3A_95 : f32
    %slice3A_97 = vector.extract_strided_slice %max3A_79 {offsets = [3], sizes = [1], strides = [1]} : vector<16xf32> to vector<1xf32>
    %squeeze3A_98 = vector.extract %slice3A_97[0] : f32 from vector<1xf32>
    %max3A_99 = arith.maximumf %max3A_93, %squeeze3A_98 : f32
    %slice3A_100 = vector.extract_strided_slice %min3A_76 {offsets = [4], sizes = [1], strides = [1]} : vector<16xf32> to vector<1xf32>
    %squeeze3A_101 = vector.extract %slice3A_100[0] : f32 from vector<1xf32>
    %min3A_102 = arith.minimumf %min3A_96, %squeeze3A_101 : f32
    %slice3A_103 = vector.extract_strided_slice %max3A_79 {offsets = [4], sizes = [1], strides = [1]} : vector<16xf32> to vector<1xf32>
    %squeeze3A_104 = vector.extract %slice3A_103[0] : f32 from vector<1xf32>
    %max3A_105 = arith.maximumf %max3A_99, %squeeze3A_104 : f32
    %slice3A_106 = vector.extract_strided_slice %min3A_76 {offsets = [5], sizes = [1], strides = [1]} : vector<16xf32> to vector<1xf32>
    %squeeze3A_107 = vector.extract %slice3A_106[0] : f32 from vector<1xf32>
    %min3A_108 = arith.minimumf %min3A_102, %squeeze3A_107 : f32
    %slice3A_109 = vector.extract_strided_slice %max3A_79 {offsets = [5], sizes = [1], strides = [1]} : vector<16xf32> to vector<1xf32>
    %squeeze3A_110 = vector.extract %slice3A_109[0] : f32 from vector<1xf32>
    %max3A_111 = arith.maximumf %max3A_105, %squeeze3A_110 : f32
    %slice3A_112 = vector.extract_strided_slice %min3A_76 {offsets = [6], sizes = [1], strides = [1]} : vector<16xf32> to vector<1xf32>
    %squeeze3A_113 = vector.extract %slice3A_112[0] : f32 from vector<1xf32>
    %min3A_114 = arith.minimumf %min3A_108, %squeeze3A_113 : f32
    %slice3A_115 = vector.extract_strided_slice %max3A_79 {offsets = [6], sizes = [1], strides = [1]} : vector<16xf32> to vector<1xf32>
    %squeeze3A_116 = vector.extract %slice3A_115[0] : f32 from vector<1xf32>
    %max3A_117 = arith.maximumf %max3A_111, %squeeze3A_116 : f32
    %slice3A_118 = vector.extract_strided_slice %min3A_76 {offsets = [7], sizes = [1], strides = [1]} : vector<16xf32> to vector<1xf32>
    %squeeze3A_119 = vector.extract %slice3A_118[0] : f32 from vector<1xf32>
    %min3A_120 = arith.minimumf %min3A_114, %squeeze3A_119 : f32
    %slice3A_121 = vector.extract_strided_slice %max3A_79 {offsets = [7], sizes = [1], strides = [1]} : vector<16xf32> to vector<1xf32>
    %squeeze3A_122 = vector.extract %slice3A_121[0] : f32 from vector<1xf32>
    %max3A_123 = arith.maximumf %max3A_117, %squeeze3A_122 : f32
    %slice3A_124 = vector.extract_strided_slice %min3A_76 {offsets = [8], sizes = [1], strides = [1]} : vector<16xf32> to vector<1xf32>
    %squeeze3A_125 = vector.extract %slice3A_124[0] : f32 from vector<1xf32>
    %min3A_126 = arith.minimumf %min3A_120, %squeeze3A_125 : f32
    %slice3A_127 = vector.extract_strided_slice %max3A_79 {offsets = [8], sizes = [1], strides = [1]} : vector<16xf32> to vector<1xf32>
    %squeeze3A_128 = vector.extract %slice3A_127[0] : f32 from vector<1xf32>
    %max3A_129 = arith.maximumf %max3A_123, %squeeze3A_128 : f32
    %slice3A_130 = vector.extract_strided_slice %min3A_76 {offsets = [9], sizes = [1], strides = [1]} : vector<16xf32> to vector<1xf32>
    %squeeze3A_131 = vector.extract %slice3A_130[0] : f32 from vector<1xf32>
    %min3A_132 = arith.minimumf %min3A_126, %squeeze3A_131 : f32
    %slice3A_133 = vector.extract_strided_slice %max3A_79 {offsets = [9], sizes = [1], strides = [1]} : vector<16xf32> to vector<1xf32>
    %squeeze3A_134 = vector.extract %slice3A_133[0] : f32 from vector<1xf32>
    %max3A_135 = arith.maximumf %max3A_129, %squeeze3A_134 : f32
    %slice3A_136 = vector.extract_strided_slice %min3A_76 {offsets = [10], sizes = [1], strides = [1]} : vector<16xf32> to vector<1xf32>
    %squeeze3A_137 = vector.extract %slice3A_136[0] : f32 from vector<1xf32>
    %min3A_138 = arith.minimumf %min3A_132, %squeeze3A_137 : f32
    %slice3A_139 = vector.extract_strided_slice %max3A_79 {offsets = [10], sizes = [1], strides = [1]} : vector<16xf32> to vector<1xf32>
    %squeeze3A_140 = vector.extract %slice3A_139[0] : f32 from vector<1xf32>
    %max3A_141 = arith.maximumf %max3A_135, %squeeze3A_140 : f32
    %slice3A_142 = vector.extract_strided_slice %min3A_76 {offsets = [11], sizes = [1], strides = [1]} : vector<16xf32> to vector<1xf32>
    %squeeze3A_143 = vector.extract %slice3A_142[0] : f32 from vector<1xf32>
    %min3A_144 = arith.minimumf %min3A_138, %squeeze3A_143 : f32
    %slice3A_145 = vector.extract_strided_slice %max3A_79 {offsets = [11], sizes = [1], strides = [1]} : vector<16xf32> to vector<1xf32>
    %squeeze3A_146 = vector.extract %slice3A_145[0] : f32 from vector<1xf32>
    %max3A_147 = arith.maximumf %max3A_141, %squeeze3A_146 : f32
    %slice3A_148 = vector.extract_strided_slice %min3A_76 {offsets = [12], sizes = [1], strides = [1]} : vector<16xf32> to vector<1xf32>
    %squeeze3A_149 = vector.extract %slice3A_148[0] : f32 from vector<1xf32>
    %min3A_150 = arith.minimumf %min3A_144, %squeeze3A_149 : f32
    %slice3A_151 = vector.extract_strided_slice %max3A_79 {offsets = [12], sizes = [1], strides = [1]} : vector<16xf32> to vector<1xf32>
    %squeeze3A_152 = vector.extract %slice3A_151[0] : f32 from vector<1xf32>
    %max3A_153 = arith.maximumf %max3A_147, %squeeze3A_152 : f32
    %slice3A_154 = vector.extract_strided_slice %min3A_76 {offsets = [13], sizes = [1], strides = [1]} : vector<16xf32> to vector<1xf32>
    %squeeze3A_155 = vector.extract %slice3A_154[0] : f32 from vector<1xf32>
    %min3A_156 = arith.minimumf %min3A_150, %squeeze3A_155 : f32
    %slice3A_157 = vector.extract_strided_slice %max3A_79 {offsets = [13], sizes = [1], strides = [1]} : vector<16xf32> to vector<1xf32>
    %squeeze3A_158 = vector.extract %slice3A_157[0] : f32 from vector<1xf32>
    %max3A_159 = arith.maximumf %max3A_153, %squeeze3A_158 : f32
    %slice3A_160 = vector.extract_strided_slice %min3A_76 {offsets = [14], sizes = [1], strides = [1]} : vector<16xf32> to vector<1xf32>
    %squeeze3A_161 = vector.extract %slice3A_160[0] : f32 from vector<1xf32>
    %min3A_162 = arith.minimumf %min3A_156, %squeeze3A_161 : f32
    %slice3A_163 = vector.extract_strided_slice %max3A_79 {offsets = [14], sizes = [1], strides = [1]} : vector<16xf32> to vector<1xf32>
    %squeeze3A_164 = vector.extract %slice3A_163[0] : f32 from vector<1xf32>
    %max3A_165 = arith.maximumf %max3A_159, %squeeze3A_164 : f32
    %slice3A_166 = vector.extract_strided_slice %min3A_76 {offsets = [15], sizes = [1], strides = [1]} : vector<16xf32> to vector<1xf32>
    %squeeze3A_167 = vector.extract %slice3A_166[0] : f32 from vector<1xf32>
    %min3A_168 = arith.minimumf %min3A_162, %squeeze3A_167 : f32
    %slice3A_169 = vector.extract_strided_slice %max3A_79 {offsets = [15], sizes = [1], strides = [1]} : vector<16xf32> to vector<1xf32>
    %squeeze3A_170 = vector.extract %slice3A_169[0] : f32 from vector<1xf32>
    %max3A_171 = arith.maximumf %max3A_165, %squeeze3A_170 : f32
    %sub3A_172 = arith.subf %max3A_171, %min3A_168 : f32
    %eq3A_173 = arith.constant 0.000000e+00 : f32
    %eq3A_174 = arith.cmpf oeq, %sub3A_172, %eq3A_173 : f32
    %jit3A_175 = arith.constant 1.000000e+00 : f32
    %select_n3A_176 = arith.select %eq3A_174, %jit3A_175, %sub3A_172 : f32
    %broadcast_in_dim3A_177 = arith.constant 1.000000e+00 : f32
    %broadcast_in_dim3A_178 = vector.broadcast %broadcast_in_dim3A_177 : f32 to vector<16xf32>
    %mul3A_179 = vector.broadcast %select_n3A_176 : f32 to vector<16xf32>
    %mul3A_180 = arith.mulf %broadcast_in_dim3A_178, %mul3A_179 : vector<16xf32>
    %broadcast_in_dim3A_181 = arith.constant 2.560000e+02 : f32
    %broadcast_in_dim3A_182 = vector.broadcast %broadcast_in_dim3A_181 : f32 to vector<16xf32>
    %div3A_183 = arith.divf %broadcast_in_dim3A_182, %mul3A_180 : vector<16xf32>
    %iota3A = tpu.iota {dimensions = array<i32: 0>} : vector<16xi32>
    %convert_element_type3A = arith.sitofp %iota3A : vector<16xi32> to vector<16xf32>
    %mul3A_184 = arith.constant 2.570000e+02 : f32
    %mul3A_185 = vector.broadcast %mul3A_184 : f32 to vector<16xf32>
    %mul3A_186 = arith.mulf %convert_element_type3A, %mul3A_185 : vector<16xf32>
    %broadcast_in_dim3A_187 = arith.constant 1.000000e+00 : f32
    %broadcast_in_dim3A_188 = vector.broadcast %broadcast_in_dim3A_187 : f32 to vector<16xf32>
    %mul3A_189 = vector.broadcast %min3A_168 : f32 to vector<16xf32>
    %mul3A_190 = arith.mulf %broadcast_in_dim3A_188, %mul3A_189 : vector<16xf32>
    %mul3A_191 = arith.mulf %mul3A_190, %div3A_183 : vector<16xf32>
    %sub3A_192 = arith.subf %mul3A_186, %mul3A_191 : vector<16xf32>
    %broadcast_in_dim3A_193 = arith.constant 1.000000e+00 : f32
    %broadcast_in_dim3A_194 = vector.broadcast %broadcast_in_dim3A_193 : f32 to vector<16xf32>
    %parallel_loop3A = arith.constant 0 : i32
    %parallel_loop3A_195 = arith.constant 258 : i32
    %parallel_loop3A_196 = arith.constant 1 : i32
    scf.for %parallel_loop3A_223 = %parallel_loop3A to %parallel_loop3A_195 step %parallel_loop3A_196  : i32 {
      %parallel_loop3A_224 = arith.constant 0.000000e+00 : f32
      %parallel_loop3A_225 = vector.broadcast %parallel_loop3A_224 : f32 to vector<16xf32>
      %parallel_loop3A_226 = arith.constant 16 : i32
      %parallel_loop3A_227 = arith.muli %parallel_loop3A_223, %parallel_loop3A_226 : i32
      %parallel_loop3A_228 = arith.index_cast %parallel_loop3A_227 : i32 to index
      %parallel_loop3A_229 = tpu.vector_load %arg7[%parallel_loop3A_228] {strides = array<i32>} : memref<4128xf32, #tpu.memory_space<vmem>>, vector<16xf32>,
      tpu.vector_store %arg7[%parallel_loop3A_228], %parallel_loop3A_225 {strides = array<i32>} : memref<4128xf32, #tpu.memory_space<vmem>>, vector<16xf32>,
    } {sc.loop_unroll_factor = 4 : i64, sc.parallel_access}
    %add3A_197 = arith.constant 64 : i32
    %add3A_198 = arith.addi %mul3A_32, %add3A_197 : i32
    %dma_start3A_199 = arith.constant 0 : i32
    %dma_start3A_200 = arith.constant 0 : i32
    %dma_start3A_201 = tpu.memref_slice %arg2[%add3A, %dma_start3A_199, %add3A_198, %dma_start3A_200] : memref<16x1x512x512xf32, #tpu.memory_space<hbm>> -> memref<1x1x64x512xf32, #tpu.memory_space<hbm>>
    %dma_start3A_202 = tpu.memref_squeeze %dma_start3A_201 : memref<1x1x64x512xf32, #tpu.memory_space<hbm>> -> memref<64x512xf32, #tpu.memory_space<hbm>>
    %dma_start3A_203 = arith.constant 0 : i32
    %dma_start3A_204 = tpu.memref_slice %arg2[%add3A, %dma_start3A_199, %add3A_198, %dma_start3A_203] : memref<16x1x512x512xf32, #tpu.memory_space<hbm>> -> memref<1x1x64x512xf32, #tpu.memory_space<hbm>>
    %dma_start3A_205 = tpu.memref_squeeze %dma_start3A_204 : memref<1x1x64x512xf32, #tpu.memory_space<hbm>> -> memref<64x512xf32, #tpu.memory_space<hbm>>
    tpu.enqueue_dma source(%dma_start3A_205 : memref<64x512xf32, #tpu.memory_space<hbm>>) target(%arg6 : memref<64x512xf32, #tpu.memory_space<vmem>>) target_semaphore(%arg16 : memref<!tpu.dma_semaphore, #tpu.memory_space<semaphore_mem>>)
    %scan3A_206 = arith.constant 0 : i32
    %scan3A_207 = arith.constant 0 : i32
    %scan3A_208 = arith.constant 2 : i32
    %scan3A_209 = arith.addi %scan3A_207, %scan3A_208 : i32
    %scan3A_210 = arith.constant 1 : i32
    scf.for %scan3A_223 = %scan3A_207 to %scan3A_209 step %scan3A_210  : i32 {
      %mul3A_224 = arith.constant 2 : i32
      %mul3A_225 = arith.muli %scan3A_223, %mul3A_224 : i32
      %mul3A_226 = arith.constant 64 : i32
      %mul3A_227 = arith.muli %mul3A_225, %mul3A_226 : i32
      %add3A_228 = arith.addi %mul3A_32, %mul3A_227 : i32
      %dma_wait3A = arith.constant 0 : i32
      %dma_wait3A_229 = arith.constant 0 : i32
      %dma_wait3A_230 = tpu.memref_slice %arg2[%add3A, %dma_wait3A, %add3A_228, %dma_wait3A_229] : memref<16x1x512x512xf32, #tpu.memory_space<hbm>> -> memref<1x1x64x512xf32, #tpu.memory_space<hbm>>
      %dma_wait3A_231 = tpu.memref_squeeze %dma_wait3A_230 : memref<1x1x64x512xf32, #tpu.memory_space<hbm>> -> memref<64x512xf32, #tpu.memory_space<hbm>>
      %dma_wait3A_232 = arith.constant 0 : i32
      %dma_wait3A_233 = tpu.memref_slice %arg2[%add3A, %dma_wait3A, %add3A_228, %dma_wait3A_232] : memref<16x1x512x512xf32, #tpu.memory_space<hbm>> -> memref<1x1x64x512xf32, #tpu.memory_space<hbm>>
      %dma_wait3A_234 = tpu.memref_squeeze %dma_wait3A_233 : memref<1x1x64x512xf32, #tpu.memory_space<hbm>> -> memref<64x512xf32, #tpu.memory_space<hbm>>
      tpu.wait_dma2 semaphore(%arg15 : memref<!tpu.dma_semaphore, #tpu.memory_space<semaphore_mem>>) src(%dma_wait3A_234 : memref<64x512xf32, #tpu.memory_space<hbm>>) dst(%arg5 : memref<64x512xf32, #tpu.memory_space<vmem>>)
      %parallel_loop3A_235 = arith.constant 0 : i32
      %parallel_loop3A_236 = arith.constant 2048 : i32
      %parallel_loop3A_237 = arith.constant 4 : i32
      scf.for %parallel_loop3A_267 = %parallel_loop3A_235 to %parallel_loop3A_236 step %parallel_loop3A_237  : i32 {
        %parallel_loop3A_268 = arith.constant 0 : i32
        %parallel_loop3A_269 = arith.addi %parallel_loop3A_267, %parallel_loop3A_268 : i32
        %parallel_loop3A_270 = arith.constant 32 : i32
        %parallel_loop3A_271 = arith.divsi %parallel_loop3A_269, %parallel_loop3A_270 : i32
        %parallel_loop3A_272 = arith.constant 0 : i32
        %parallel_loop3A_273 = arith.cmpi sgt, %parallel_loop3A_269, %parallel_loop3A_272 : i32
        %parallel_loop3A_274 = arith.extui %parallel_loop3A_273 : i1 to i32
        %parallel_loop3A_275 = arith.constant 0 : i32
        %parallel_loop3A_276 = arith.cmpi slt, %parallel_loop3A_269, %parallel_loop3A_275 : i32
        %parallel_loop3A_277 = arith.extui %parallel_loop3A_276 : i1 to i32
        %parallel_loop3A_278 = arith.subi %parallel_loop3A_274, %parallel_loop3A_277 : i32
        %parallel_loop3A_279 = arith.constant 0 : i32
        %parallel_loop3A_280 = arith.cmpi sgt, %parallel_loop3A_270, %parallel_loop3A_279 : i32
        %parallel_loop3A_281 = arith.extui %parallel_loop3A_280 : i1 to i32
        %parallel_loop3A_282 = arith.constant 0 : i32
        %parallel_loop3A_283 = arith.cmpi slt, %parallel_loop3A_270, %parallel_loop3A_282 : i32
        %parallel_loop3A_284 = arith.extui %parallel_loop3A_283 : i1 to i32
        %parallel_loop3A_285 = arith.subi %parallel_loop3A_281, %parallel_loop3A_284 : i32
        %parallel_loop3A_286 = arith.cmpi ne, %parallel_loop3A_278, %parallel_loop3A_285 : i32
        %parallel_loop3A_287 = arith.remsi %parallel_loop3A_269, %parallel_loop3A_270 : i32
        %parallel_loop3A_288 = arith.constant 0 : i32
        %parallel_loop3A_289 = arith.cmpi ne, %parallel_loop3A_287, %parallel_loop3A_288 : i32
        %parallel_loop3A_290 = arith.andi %parallel_loop3A_286, %parallel_loop3A_289 : i1
        %parallel_loop3A_291 = arith.constant 1 : i32
        %parallel_loop3A_292 = arith.subi %parallel_loop3A_271, %parallel_loop3A_291 : i32
        %parallel_loop3A_293 = arith.select %parallel_loop3A_290, %parallel_loop3A_292, %parallel_loop3A_271 : i32
        %parallel_loop3A_294 = arith.constant 32 : i32
        %parallel_loop3A_295 = arith.constant 0 : i32
        %parallel_loop3A_296 = arith.cmpi eq, %parallel_loop3A_294, %parallel_loop3A_295 : i32
        %parallel_loop3A_297 = arith.constant 1 : i32
        %parallel_loop3A_298 = arith.select %parallel_loop3A_296, %parallel_loop3A_297, %parallel_loop3A_294 : i32
        %parallel_loop3A_299 = arith.remsi %parallel_loop3A_269, %parallel_loop3A_298 : i32
        %parallel_loop3A_300 = arith.constant 0 : i32
        %parallel_loop3A_301 = arith.cmpi ne, %parallel_loop3A_299, %parallel_loop3A_300 : i32
        %parallel_loop3A_302 = arith.constant 0 : i32
        %parallel_loop3A_303 = arith.cmpi slt, %parallel_loop3A_299, %parallel_loop3A_302 : i32
        %parallel_loop3A_304 = arith.constant 0 : i32
        %parallel_loop3A_305 = arith.cmpi slt, %parallel_loop3A_298, %parallel_loop3A_304 : i32
        %parallel_loop3A_306 = arith.xori %parallel_loop3A_303, %parallel_loop3A_305 : i1
        %parallel_loop3A_307 = arith.andi %parallel_loop3A_306, %parallel_loop3A_301 : i1
        %parallel_loop3A_308 = arith.addi %parallel_loop3A_299, %parallel_loop3A_298 : i32
        %parallel_loop3A_309 = arith.select %parallel_loop3A_307, %parallel_loop3A_308, %parallel_loop3A_299 : i32
        %parallel_loop3A_310 = arith.constant 16 : i32
        %parallel_loop3A_311 = arith.muli %parallel_loop3A_309, %parallel_loop3A_310 : i32
        %parallel_loop3A_312 = arith.index_cast %parallel_loop3A_293 : i32 to index
        %parallel_loop3A_313 = arith.index_cast %parallel_loop3A_311 : i32 to index
        %parallel_loop3A_314 = tpu.vector_load %arg5[%parallel_loop3A_312, %parallel_loop3A_313] {strides = array<i32>} : memref<64x512xf32, #tpu.memory_space<vmem>>, vector<16xf32>,
        %parallel_loop3A_315 = arith.mulf %parallel_loop3A_314, %div3A_183 : vector<16xf32>
        %parallel_loop3A_316 = arith.addf %parallel_loop3A_315, %sub3A_192 : vector<16xf32>
        %parallel_loop3A_317 = arith.fptosi %parallel_loop3A_316 : vector<16xf32> to vector<16xi32>
        tpu.vector_store_idx %arg7[%parallel_loop3A_317], %broadcast_in_dim3A_194 {add = true} : memref<4128xf32, #tpu.memory_space<vmem>>[vector<16xi32>], vector<16xf32>,
        %parallel_loop3A_318 = arith.constant 1 : i32
        %parallel_loop3A_319 = arith.addi %parallel_loop3A_267, %parallel_loop3A_318 : i32
        %parallel_loop3A_320 = arith.constant 32 : i32
        %parallel_loop3A_321 = arith.divsi %parallel_loop3A_319, %parallel_loop3A_320 : i32
        %parallel_loop3A_322 = arith.constant 0 : i32
        %parallel_loop3A_323 = arith.cmpi sgt, %parallel_loop3A_319, %parallel_loop3A_322 : i32
        %parallel_loop3A_324 = arith.extui %parallel_loop3A_323 : i1 to i32
        %parallel_loop3A_325 = arith.constant 0 : i32
        %parallel_loop3A_326 = arith.cmpi slt, %parallel_loop3A_319, %parallel_loop3A_325 : i32
        %parallel_loop3A_327 = arith.extui %parallel_loop3A_326 : i1 to i32
        %parallel_loop3A_328 = arith.subi %parallel_loop3A_324, %parallel_loop3A_327 : i32
        %parallel_loop3A_329 = arith.constant 0 : i32
        %parallel_loop3A_330 = arith.cmpi sgt, %parallel_loop3A_320, %parallel_loop3A_329 : i32
        %parallel_loop3A_331 = arith.extui %parallel_loop3A_330 : i1 to i32
        %parallel_loop3A_332 = arith.constant 0 : i32
        %parallel_loop3A_333 = arith.cmpi slt, %parallel_loop3A_320, %parallel_loop3A_332 : i32
        %parallel_loop3A_334 = arith.extui %parallel_loop3A_333 : i1 to i32
        %parallel_loop3A_335 = arith.subi %parallel_loop3A_331, %parallel_loop3A_334 : i32
        %parallel_loop3A_336 = arith.cmpi ne, %parallel_loop3A_328, %parallel_loop3A_335 : i32
        %parallel_loop3A_337 = arith.remsi %parallel_loop3A_319, %parallel_loop3A_320 : i32
        %parallel_loop3A_338 = arith.constant 0 : i32
        %parallel_loop3A_339 = arith.cmpi ne, %parallel_loop3A_337, %parallel_loop3A_338 : i32
        %parallel_loop3A_340 = arith.andi %parallel_loop3A_336, %parallel_loop3A_339 : i1
        %parallel_loop3A_341 = arith.constant 1 : i32
        %parallel_loop3A_342 = arith.subi %parallel_loop3A_321, %parallel_loop3A_341 : i32
        %parallel_loop3A_343 = arith.select %parallel_loop3A_340, %parallel_loop3A_342, %parallel_loop3A_321 : i32
        %parallel_loop3A_344 = arith.constant 32 : i32
        %parallel_loop3A_345 = arith.constant 0 : i32
        %parallel_loop3A_346 = arith.cmpi eq, %parallel_loop3A_344, %parallel_loop3A_345 : i32
        %parallel_loop3A_347 = arith.constant 1 : i32
        %parallel_loop3A_348 = arith.select %parallel_loop3A_346, %parallel_loop3A_347, %parallel_loop3A_344 : i32
        %parallel_loop3A_349 = arith.remsi %parallel_loop3A_319, %parallel_loop3A_348 : i32
        %parallel_loop3A_350 = arith.constant 0 : i32
        %parallel_loop3A_351 = arith.cmpi ne, %parallel_loop3A_349, %parallel_loop3A_350 : i32
        %parallel_loop3A_352 = arith.constant 0 : i32
        %parallel_loop3A_353 = arith.cmpi slt, %parallel_loop3A_349, %parallel_loop3A_352 : i32
        %parallel_loop3A_354 = arith.constant 0 : i32
        %parallel_loop3A_355 = arith.cmpi slt, %parallel_loop3A_348, %parallel_loop3A_354 : i32
        %parallel_loop3A_356 = arith.xori %parallel_loop3A_353, %parallel_loop3A_355 : i1
        %parallel_loop3A_357 = arith.andi %parallel_loop3A_356, %parallel_loop3A_351 : i1
        %parallel_loop3A_358 = arith.addi %parallel_loop3A_349, %parallel_loop3A_348 : i32
        %parallel_loop3A_359 = arith.select %parallel_loop3A_357, %parallel_loop3A_358, %parallel_loop3A_349 : i32
        %parallel_loop3A_360 = arith.constant 16 : i32
        %parallel_loop3A_361 = arith.muli %parallel_loop3A_359, %parallel_loop3A_360 : i32
        %parallel_loop3A_362 = arith.index_cast %parallel_loop3A_343 : i32 to index
        %parallel_loop3A_363 = arith.index_cast %parallel_loop3A_361 : i32 to index
        %parallel_loop3A_364 = tpu.vector_load %arg5[%parallel_loop3A_362, %parallel_loop3A_363] {strides = array<i32>} : memref<64x512xf32, #tpu.memory_space<vmem>>, vector<16xf32>,
        %parallel_loop3A_365 = arith.mulf %parallel_loop3A_364, %div3A_183 : vector<16xf32>
        %parallel_loop3A_366 = arith.addf %parallel_loop3A_365, %sub3A_192 : vector<16xf32>
        %parallel_loop3A_367 = arith.fptosi %parallel_loop3A_366 : vector<16xf32> to vector<16xi32>
        tpu.vector_store_idx %arg7[%parallel_loop3A_367], %broadcast_in_dim3A_194 {add = true} : memref<4128xf32, #tpu.memory_space<vmem>>[vector<16xi32>], vector<16xf32>,
        %parallel_loop3A_368 = arith.constant 2 : i32
        %parallel_loop3A_369 = arith.addi %parallel_loop3A_267, %parallel_loop3A_368 : i32
        %parallel_loop3A_370 = arith.constant 32 : i32
        %parallel_loop3A_371 = arith.divsi %parallel_loop3A_369, %parallel_loop3A_370 : i32
        %parallel_loop3A_372 = arith.constant 0 : i32
        %parallel_loop3A_373 = arith.cmpi sgt, %parallel_loop3A_369, %parallel_loop3A_372 : i32
        %parallel_loop3A_374 = arith.extui %parallel_loop3A_373 : i1 to i32
        %parallel_loop3A_375 = arith.constant 0 : i32
        %parallel_loop3A_376 = arith.cmpi slt, %parallel_loop3A_369, %parallel_loop3A_375 : i32
        %parallel_loop3A_377 = arith.extui %parallel_loop3A_376 : i1 to i32
        %parallel_loop3A_378 = arith.subi %parallel_loop3A_374, %parallel_loop3A_377 : i32
        %parallel_loop3A_379 = arith.constant 0 : i32
        %parallel_loop3A_380 = arith.cmpi sgt, %parallel_loop3A_370, %parallel_loop3A_379 : i32
        %parallel_loop3A_381 = arith.extui %parallel_loop3A_380 : i1 to i32
        %parallel_loop3A_382 = arith.constant 0 : i32
        %parallel_loop3A_383 = arith.cmpi slt, %parallel_loop3A_370, %parallel_loop3A_382 : i32
        %parallel_loop3A_384 = arith.extui %parallel_loop3A_383 : i1 to i32
        %parallel_loop3A_385 = arith.subi %parallel_loop3A_381, %parallel_loop3A_384 : i32
        %parallel_loop3A_386 = arith.cmpi ne, %parallel_loop3A_378, %parallel_loop3A_385 : i32
        %parallel_loop3A_387 = arith.remsi %parallel_loop3A_369, %parallel_loop3A_370 : i32
        %parallel_loop3A_388 = arith.constant 0 : i32
        %parallel_loop3A_389 = arith.cmpi ne, %parallel_loop3A_387, %parallel_loop3A_388 : i32
        %parallel_loop3A_390 = arith.andi %parallel_loop3A_386, %parallel_loop3A_389 : i1
        %parallel_loop3A_391 = arith.constant 1 : i32
        %parallel_loop3A_392 = arith.subi %parallel_loop3A_371, %parallel_loop3A_391 : i32
        %parallel_loop3A_393 = arith.select %parallel_loop3A_390, %parallel_loop3A_392, %parallel_loop3A_371 : i32
        %parallel_loop3A_394 = arith.constant 32 : i32
        %parallel_loop3A_395 = arith.constant 0 : i32
        %parallel_loop3A_396 = arith.cmpi eq, %parallel_loop3A_394, %parallel_loop3A_395 : i32
        %parallel_loop3A_397 = arith.constant 1 : i32
        %parallel_loop3A_398 = arith.select %parallel_loop3A_396, %parallel_loop3A_397, %parallel_loop3A_394 : i32
        %parallel_loop3A_399 = arith.remsi %parallel_loop3A_369, %parallel_loop3A_398 : i32
        %parallel_loop3A_400 = arith.constant 0 : i32
        %parallel_loop3A_401 = arith.cmpi ne, %parallel_loop3A_399, %parallel_loop3A_400 : i32
        %parallel_loop3A_402 = arith.constant 0 : i32
        %parallel_loop3A_403 = arith.cmpi slt, %parallel_loop3A_399, %parallel_loop3A_402 : i32
        %parallel_loop3A_404 = arith.constant 0 : i32
        %parallel_loop3A_405 = arith.cmpi slt, %parallel_loop3A_398, %parallel_loop3A_404 : i32
        %parallel_loop3A_406 = arith.xori %parallel_loop3A_403, %parallel_loop3A_405 : i1
        %parallel_loop3A_407 = arith.andi %parallel_loop3A_406, %parallel_loop3A_401 : i1
        %parallel_loop3A_408 = arith.addi %parallel_loop3A_399, %parallel_loop3A_398 : i32
        %parallel_loop3A_409 = arith.select %parallel_loop3A_407, %parallel_loop3A_408, %parallel_loop3A_399 : i32
        %parallel_loop3A_410 = arith.constant 16 : i32
        %parallel_loop3A_411 = arith.muli %parallel_loop3A_409, %parallel_loop3A_410 : i32
        %parallel_loop3A_412 = arith.index_cast %parallel_loop3A_393 : i32 to index
        %parallel_loop3A_413 = arith.index_cast %parallel_loop3A_411 : i32 to index
        %parallel_loop3A_414 = tpu.vector_load %arg5[%parallel_loop3A_412, %parallel_loop3A_413] {strides = array<i32>} : memref<64x512xf32, #tpu.memory_space<vmem>>, vector<16xf32>,
        %parallel_loop3A_415 = arith.mulf %parallel_loop3A_414, %div3A_183 : vector<16xf32>
        %parallel_loop3A_416 = arith.addf %parallel_loop3A_415, %sub3A_192 : vector<16xf32>
        %parallel_loop3A_417 = arith.fptosi %parallel_loop3A_416 : vector<16xf32> to vector<16xi32>
        tpu.vector_store_idx %arg7[%parallel_loop3A_417], %broadcast_in_dim3A_194 {add = true} : memref<4128xf32, #tpu.memory_space<vmem>>[vector<16xi32>], vector<16xf32>,
        %parallel_loop3A_418 = arith.constant 3 : i32
        %parallel_loop3A_419 = arith.addi %parallel_loop3A_267, %parallel_loop3A_418 : i32
        %parallel_loop3A_420 = arith.constant 32 : i32
        %parallel_loop3A_421 = arith.divsi %parallel_loop3A_419, %parallel_loop3A_420 : i32
        %parallel_loop3A_422 = arith.constant 0 : i32
        %parallel_loop3A_423 = arith.cmpi sgt, %parallel_loop3A_419, %parallel_loop3A_422 : i32
        %parallel_loop3A_424 = arith.extui %parallel_loop3A_423 : i1 to i32
        %parallel_loop3A_425 = arith.constant 0 : i32
        %parallel_loop3A_426 = arith.cmpi slt, %parallel_loop3A_419, %parallel_loop3A_425 : i32
        %parallel_loop3A_427 = arith.extui %parallel_loop3A_426 : i1 to i32
        %parallel_loop3A_428 = arith.subi %parallel_loop3A_424, %parallel_loop3A_427 : i32
        %parallel_loop3A_429 = arith.constant 0 : i32
        %parallel_loop3A_430 = arith.cmpi sgt, %parallel_loop3A_420, %parallel_loop3A_429 : i32
        %parallel_loop3A_431 = arith.extui %parallel_loop3A_430 : i1 to i32
        %parallel_loop3A_432 = arith.constant 0 : i32
        %parallel_loop3A_433 = arith.cmpi slt, %parallel_loop3A_420, %parallel_loop3A_432 : i32
        %parallel_loop3A_434 = arith.extui %parallel_loop3A_433 : i1 to i32
        %parallel_loop3A_435 = arith.subi %parallel_loop3A_431, %parallel_loop3A_434 : i32
        %parallel_loop3A_436 = arith.cmpi ne, %parallel_loop3A_428, %parallel_loop3A_435 : i32
        %parallel_loop3A_437 = arith.remsi %parallel_loop3A_419, %parallel_loop3A_420 : i32
        %parallel_loop3A_438 = arith.constant 0 : i32
        %parallel_loop3A_439 = arith.cmpi ne, %parallel_loop3A_437, %parallel_loop3A_438 : i32
        %parallel_loop3A_440 = arith.andi %parallel_loop3A_436, %parallel_loop3A_439 : i1
        %parallel_loop3A_441 = arith.constant 1 : i32
        %parallel_loop3A_442 = arith.subi %parallel_loop3A_421, %parallel_loop3A_441 : i32
        %parallel_loop3A_443 = arith.select %parallel_loop3A_440, %parallel_loop3A_442, %parallel_loop3A_421 : i32
        %parallel_loop3A_444 = arith.constant 32 : i32
        %parallel_loop3A_445 = arith.constant 0 : i32
        %parallel_loop3A_446 = arith.cmpi eq, %parallel_loop3A_444, %parallel_loop3A_445 : i32
        %parallel_loop3A_447 = arith.constant 1 : i32
        %parallel_loop3A_448 = arith.select %parallel_loop3A_446, %parallel_loop3A_447, %parallel_loop3A_444 : i32
        %parallel_loop3A_449 = arith.remsi %parallel_loop3A_419, %parallel_loop3A_448 : i32
        %parallel_loop3A_450 = arith.constant 0 : i32
        %parallel_loop3A_451 = arith.cmpi ne, %parallel_loop3A_449, %parallel_loop3A_450 : i32
        %parallel_loop3A_452 = arith.constant 0 : i32
        %parallel_loop3A_453 = arith.cmpi slt, %parallel_loop3A_449, %parallel_loop3A_452 : i32
        %parallel_loop3A_454 = arith.constant 0 : i32
        %parallel_loop3A_455 = arith.cmpi slt, %parallel_loop3A_448, %parallel_loop3A_454 : i32
        %parallel_loop3A_456 = arith.xori %parallel_loop3A_453, %parallel_loop3A_455 : i1
        %parallel_loop3A_457 = arith.andi %parallel_loop3A_456, %parallel_loop3A_451 : i1
        %parallel_loop3A_458 = arith.addi %parallel_loop3A_449, %parallel_loop3A_448 : i32
        %parallel_loop3A_459 = arith.select %parallel_loop3A_457, %parallel_loop3A_458, %parallel_loop3A_449 : i32
        %parallel_loop3A_460 = arith.constant 16 : i32
        %parallel_loop3A_461 = arith.muli %parallel_loop3A_459, %parallel_loop3A_460 : i32
        %parallel_loop3A_462 = arith.index_cast %parallel_loop3A_443 : i32 to index
        %parallel_loop3A_463 = arith.index_cast %parallel_loop3A_461 : i32 to index
        %parallel_loop3A_464 = tpu.vector_load %arg5[%parallel_loop3A_462, %parallel_loop3A_463] {strides = array<i32>} : memref<64x512xf32, #tpu.memory_space<vmem>>, vector<16xf32>,
        %parallel_loop3A_465 = arith.mulf %parallel_loop3A_464, %div3A_183 : vector<16xf32>
        %parallel_loop3A_466 = arith.addf %parallel_loop3A_465, %sub3A_192 : vector<16xf32>
        %parallel_loop3A_467 = arith.fptosi %parallel_loop3A_466 : vector<16xf32> to vector<16xi32>
        tpu.vector_store_idx %arg7[%parallel_loop3A_467], %broadcast_in_dim3A_194 {add = true} : memref<4128xf32, #tpu.memory_space<vmem>>[vector<16xi32>], vector<16xf32>,
      } {sc.loop_unroll_factor = 2 : i64, sc.parallel_access}
      %add3A_238 = arith.constant 1 : i32
      %add3A_239 = arith.addi %scan3A_223, %add3A_238 : i32
      %lt3A_240 = arith.constant 2 : i32
      %lt3A_241 = arith.cmpi slt, %add3A_239, %lt3A_240 : i32
      %convert_element_type3A_242 = arith.extui %lt3A_241 : i1 to i32
      %cond3A_243 = arith.constant 0 : i32
      %cond3A_244 = arith.cmpi ne, %convert_element_type3A_242, %cond3A_243 : i32
      scf.if %cond3A_244 {
        %add3A_267 = arith.constant 2 : i32
        %add3A_268 = arith.addi %mul3A_225, %add3A_267 : i32
        %mul3A_269 = arith.constant 64 : i32
        %mul3A_270 = arith.muli %add3A_268, %mul3A_269 : i32
        %add3A_271 = arith.addi %mul3A_32, %mul3A_270 : i32
        %dma_start3A_272 = arith.constant 0 : i32
        %dma_start3A_273 = arith.constant 0 : i32
        %dma_start3A_274 = tpu.memref_slice %arg2[%add3A, %dma_start3A_272, %add3A_271, %dma_start3A_273] : memref<16x1x512x512xf32, #tpu.memory_space<hbm>> -> memref<1x1x64x512xf32, #tpu.memory_space<hbm>>
        %dma_start3A_275 = tpu.memref_squeeze %dma_start3A_274 : memref<1x1x64x512xf32, #tpu.memory_space<hbm>> -> memref<64x512xf32, #tpu.memory_space<hbm>>
        %dma_start3A_276 = arith.constant 0 : i32
        %dma_start3A_277 = tpu.memref_slice %arg2[%add3A, %dma_start3A_272, %add3A_271, %dma_start3A_276] : memref<16x1x512x512xf32, #tpu.memory_space<hbm>> -> memref<1x1x64x512xf32, #tpu.memory_space<hbm>>
        %dma_start3A_278 = tpu.memref_squeeze %dma_start3A_277 : memref<1x1x64x512xf32, #tpu.memory_space<hbm>> -> memref<64x512xf32, #tpu.memory_space<hbm>>
        tpu.enqueue_dma source(%dma_start3A_278 : memref<64x512xf32, #tpu.memory_space<hbm>>) target(%arg5 : memref<64x512xf32, #tpu.memory_space<vmem>>) target_semaphore(%arg15 : memref<!tpu.dma_semaphore, #tpu.memory_space<semaphore_mem>>)
      } else {
      }
      %add3A_245 = arith.constant 1 : i32
      %add3A_246 = arith.addi %mul3A_225, %add3A_245 : i32
      %mul3A_247 = arith.constant 64 : i32
      %mul3A_248 = arith.muli %add3A_246, %mul3A_247 : i32
      %add3A_249 = arith.addi %mul3A_32, %mul3A_248 : i32
      %dma_wait3A_250 = arith.constant 0 : i32
      %dma_wait3A_251 = arith.constant 0 : i32
      %dma_wait3A_252 = tpu.memref_slice %arg2[%add3A, %dma_wait3A_250, %add3A_249, %dma_wait3A_251] : memref<16x1x512x512xf32, #tpu.memory_space<hbm>> -> memref<1x1x64x512xf32, #tpu.memory_space<hbm>>
      %dma_wait3A_253 = tpu.memref_squeeze %dma_wait3A_252 : memref<1x1x64x512xf32, #tpu.memory_space<hbm>> -> memref<64x512xf32, #tpu.memory_space<hbm>>
      %dma_wait3A_254 = arith.constant 0 : i32
      %dma_wait3A_255 = tpu.memref_slice %arg2[%add3A, %dma_wait3A_250, %add3A_249, %dma_wait3A_254] : memref<16x1x512x512xf32, #tpu.memory_space<hbm>> -> memref<1x1x64x512xf32, #tpu.memory_space<hbm>>
      %dma_wait3A_256 = tpu.memref_squeeze %dma_wait3A_255 : memref<1x1x64x512xf32, #tpu.memory_space<hbm>> -> memref<64x512xf32, #tpu.memory_space<hbm>>
      tpu.wait_dma2 semaphore(%arg16 : memref<!tpu.dma_semaphore, #tpu.memory_space<semaphore_mem>>) src(%dma_wait3A_256 : memref<64x512xf32, #tpu.memory_space<hbm>>) dst(%arg6 : memref<64x512xf32, #tpu.memory_space<vmem>>)
      %parallel_loop3A_257 = arith.constant 0 : i32
      %parallel_loop3A_258 = arith.constant 2048 : i32
      %parallel_loop3A_259 = arith.constant 4 : i32
      scf.for %parallel_loop3A_267 = %parallel_loop3A_257 to %parallel_loop3A_258 step %parallel_loop3A_259  : i32 {
        %parallel_loop3A_268 = arith.constant 0 : i32
        %parallel_loop3A_269 = arith.addi %parallel_loop3A_267, %parallel_loop3A_268 : i32
        %parallel_loop3A_270 = arith.constant 32 : i32
        %parallel_loop3A_271 = arith.divsi %parallel_loop3A_269, %parallel_loop3A_270 : i32
        %parallel_loop3A_272 = arith.constant 0 : i32
        %parallel_loop3A_273 = arith.cmpi sgt, %parallel_loop3A_269, %parallel_loop3A_272 : i32
        %parallel_loop3A_274 = arith.extui %parallel_loop3A_273 : i1 to i32
        %parallel_loop3A_275 = arith.constant 0 : i32
        %parallel_loop3A_276 = arith.cmpi slt, %parallel_loop3A_269, %parallel_loop3A_275 : i32
        %parallel_loop3A_277 = arith.extui %parallel_loop3A_276 : i1 to i32
        %parallel_loop3A_278 = arith.subi %parallel_loop3A_274, %parallel_loop3A_277 : i32
        %parallel_loop3A_279 = arith.constant 0 : i32
        %parallel_loop3A_280 = arith.cmpi sgt, %parallel_loop3A_270, %parallel_loop3A_279 : i32
        %parallel_loop3A_281 = arith.extui %parallel_loop3A_280 : i1 to i32
        %parallel_loop3A_282 = arith.constant 0 : i32
        %parallel_loop3A_283 = arith.cmpi slt, %parallel_loop3A_270, %parallel_loop3A_282 : i32
        %parallel_loop3A_284 = arith.extui %parallel_loop3A_283 : i1 to i32
        %parallel_loop3A_285 = arith.subi %parallel_loop3A_281, %parallel_loop3A_284 : i32
        %parallel_loop3A_286 = arith.cmpi ne, %parallel_loop3A_278, %parallel_loop3A_285 : i32
        %parallel_loop3A_287 = arith.remsi %parallel_loop3A_269, %parallel_loop3A_270 : i32
        %parallel_loop3A_288 = arith.constant 0 : i32
        %parallel_loop3A_289 = arith.cmpi ne, %parallel_loop3A_287, %parallel_loop3A_288 : i32
        %parallel_loop3A_290 = arith.andi %parallel_loop3A_286, %parallel_loop3A_289 : i1
        %parallel_loop3A_291 = arith.constant 1 : i32
        %parallel_loop3A_292 = arith.subi %parallel_loop3A_271, %parallel_loop3A_291 : i32
        %parallel_loop3A_293 = arith.select %parallel_loop3A_290, %parallel_loop3A_292, %parallel_loop3A_271 : i32
        %parallel_loop3A_294 = arith.constant 32 : i32
        %parallel_loop3A_295 = arith.constant 0 : i32
        %parallel_loop3A_296 = arith.cmpi eq, %parallel_loop3A_294, %parallel_loop3A_295 : i32
        %parallel_loop3A_297 = arith.constant 1 : i32
        %parallel_loop3A_298 = arith.select %parallel_loop3A_296, %parallel_loop3A_297, %parallel_loop3A_294 : i32
        %parallel_loop3A_299 = arith.remsi %parallel_loop3A_269, %parallel_loop3A_298 : i32
        %parallel_loop3A_300 = arith.constant 0 : i32
        %parallel_loop3A_301 = arith.cmpi ne, %parallel_loop3A_299, %parallel_loop3A_300 : i32
        %parallel_loop3A_302 = arith.constant 0 : i32
        %parallel_loop3A_303 = arith.cmpi slt, %parallel_loop3A_299, %parallel_loop3A_302 : i32
        %parallel_loop3A_304 = arith.constant 0 : i32
        %parallel_loop3A_305 = arith.cmpi slt, %parallel_loop3A_298, %parallel_loop3A_304 : i32
        %parallel_loop3A_306 = arith.xori %parallel_loop3A_303, %parallel_loop3A_305 : i1
        %parallel_loop3A_307 = arith.andi %parallel_loop3A_306, %parallel_loop3A_301 : i1
        %parallel_loop3A_308 = arith.addi %parallel_loop3A_299, %parallel_loop3A_298 : i32
        %parallel_loop3A_309 = arith.select %parallel_loop3A_307, %parallel_loop3A_308, %parallel_loop3A_299 : i32
        %parallel_loop3A_310 = arith.constant 16 : i32
        %parallel_loop3A_311 = arith.muli %parallel_loop3A_309, %parallel_loop3A_310 : i32
        %parallel_loop3A_312 = arith.index_cast %parallel_loop3A_293 : i32 to index
        %parallel_loop3A_313 = arith.index_cast %parallel_loop3A_311 : i32 to index
        %parallel_loop3A_314 = tpu.vector_load %arg6[%parallel_loop3A_312, %parallel_loop3A_313] {strides = array<i32>} : memref<64x512xf32, #tpu.memory_space<vmem>>, vector<16xf32>,
        %parallel_loop3A_315 = arith.mulf %parallel_loop3A_314, %div3A_183 : vector<16xf32>
        %parallel_loop3A_316 = arith.addf %parallel_loop3A_315, %sub3A_192 : vector<16xf32>
        %parallel_loop3A_317 = arith.fptosi %parallel_loop3A_316 : vector<16xf32> to vector<16xi32>
        tpu.vector_store_idx %arg7[%parallel_loop3A_317], %broadcast_in_dim3A_194 {add = true} : memref<4128xf32, #tpu.memory_space<vmem>>[vector<16xi32>], vector<16xf32>,
        %parallel_loop3A_318 = arith.constant 1 : i32
        %parallel_loop3A_319 = arith.addi %parallel_loop3A_267, %parallel_loop3A_318 : i32
        %parallel_loop3A_320 = arith.constant 32 : i32
        %parallel_loop3A_321 = arith.divsi %parallel_loop3A_319, %parallel_loop3A_320 : i32
        %parallel_loop3A_322 = arith.constant 0 : i32
        %parallel_loop3A_323 = arith.cmpi sgt, %parallel_loop3A_319, %parallel_loop3A_322 : i32
        %parallel_loop3A_324 = arith.extui %parallel_loop3A_323 : i1 to i32
        %parallel_loop3A_325 = arith.constant 0 : i32
        %parallel_loop3A_326 = arith.cmpi slt, %parallel_loop3A_319, %parallel_loop3A_325 : i32
        %parallel_loop3A_327 = arith.extui %parallel_loop3A_326 : i1 to i32
        %parallel_loop3A_328 = arith.subi %parallel_loop3A_324, %parallel_loop3A_327 : i32
        %parallel_loop3A_329 = arith.constant 0 : i32
        %parallel_loop3A_330 = arith.cmpi sgt, %parallel_loop3A_320, %parallel_loop3A_329 : i32
        %parallel_loop3A_331 = arith.extui %parallel_loop3A_330 : i1 to i32
        %parallel_loop3A_332 = arith.constant 0 : i32
        %parallel_loop3A_333 = arith.cmpi slt, %parallel_loop3A_320, %parallel_loop3A_332 : i32
        %parallel_loop3A_334 = arith.extui %parallel_loop3A_333 : i1 to i32
        %parallel_loop3A_335 = arith.subi %parallel_loop3A_331, %parallel_loop3A_334 : i32
        %parallel_loop3A_336 = arith.cmpi ne, %parallel_loop3A_328, %parallel_loop3A_335 : i32
        %parallel_loop3A_337 = arith.remsi %parallel_loop3A_319, %parallel_loop3A_320 : i32
        %parallel_loop3A_338 = arith.constant 0 : i32
        %parallel_loop3A_339 = arith.cmpi ne, %parallel_loop3A_337, %parallel_loop3A_338 : i32
        %parallel_loop3A_340 = arith.andi %parallel_loop3A_336, %parallel_loop3A_339 : i1
        %parallel_loop3A_341 = arith.constant 1 : i32
        %parallel_loop3A_342 = arith.subi %parallel_loop3A_321, %parallel_loop3A_341 : i32
        %parallel_loop3A_343 = arith.select %parallel_loop3A_340, %parallel_loop3A_342, %parallel_loop3A_321 : i32
        %parallel_loop3A_344 = arith.constant 32 : i32
        %parallel_loop3A_345 = arith.constant 0 : i32
        %parallel_loop3A_346 = arith.cmpi eq, %parallel_loop3A_344, %parallel_loop3A_345 : i32
        %parallel_loop3A_347 = arith.constant 1 : i32
        %parallel_loop3A_348 = arith.select %parallel_loop3A_346, %parallel_loop3A_347, %parallel_loop3A_344 : i32
        %parallel_loop3A_349 = arith.remsi %parallel_loop3A_319, %parallel_loop3A_348 : i32
        %parallel_loop3A_350 = arith.constant 0 : i32
        %parallel_loop3A_351 = arith.cmpi ne, %parallel_loop3A_349, %parallel_loop3A_350 : i32
        %parallel_loop3A_352 = arith.constant 0 : i32
        %parallel_loop3A_353 = arith.cmpi slt, %parallel_loop3A_349, %parallel_loop3A_352 : i32
        %parallel_loop3A_354 = arith.constant 0 : i32
        %parallel_loop3A_355 = arith.cmpi slt, %parallel_loop3A_348, %parallel_loop3A_354 : i32
        %parallel_loop3A_356 = arith.xori %parallel_loop3A_353, %parallel_loop3A_355 : i1
        %parallel_loop3A_357 = arith.andi %parallel_loop3A_356, %parallel_loop3A_351 : i1
        %parallel_loop3A_358 = arith.addi %parallel_loop3A_349, %parallel_loop3A_348 : i32
        %parallel_loop3A_359 = arith.select %parallel_loop3A_357, %parallel_loop3A_358, %parallel_loop3A_349 : i32
        %parallel_loop3A_360 = arith.constant 16 : i32
        %parallel_loop3A_361 = arith.muli %parallel_loop3A_359, %parallel_loop3A_360 : i32
        %parallel_loop3A_362 = arith.index_cast %parallel_loop3A_343 : i32 to index
        %parallel_loop3A_363 = arith.index_cast %parallel_loop3A_361 : i32 to index
        %parallel_loop3A_364 = tpu.vector_load %arg6[%parallel_loop3A_362, %parallel_loop3A_363] {strides = array<i32>} : memref<64x512xf32, #tpu.memory_space<vmem>>, vector<16xf32>,
        %parallel_loop3A_365 = arith.mulf %parallel_loop3A_364, %div3A_183 : vector<16xf32>
        %parallel_loop3A_366 = arith.addf %parallel_loop3A_365, %sub3A_192 : vector<16xf32>
        %parallel_loop3A_367 = arith.fptosi %parallel_loop3A_366 : vector<16xf32> to vector<16xi32>
        tpu.vector_store_idx %arg7[%parallel_loop3A_367], %broadcast_in_dim3A_194 {add = true} : memref<4128xf32, #tpu.memory_space<vmem>>[vector<16xi32>], vector<16xf32>,
        %parallel_loop3A_368 = arith.constant 2 : i32
        %parallel_loop3A_369 = arith.addi %parallel_loop3A_267, %parallel_loop3A_368 : i32
        %parallel_loop3A_370 = arith.constant 32 : i32
        %parallel_loop3A_371 = arith.divsi %parallel_loop3A_369, %parallel_loop3A_370 : i32
        %parallel_loop3A_372 = arith.constant 0 : i32
        %parallel_loop3A_373 = arith.cmpi sgt, %parallel_loop3A_369, %parallel_loop3A_372 : i32
        %parallel_loop3A_374 = arith.extui %parallel_loop3A_373 : i1 to i32
        %parallel_loop3A_375 = arith.constant 0 : i32
        %parallel_loop3A_376 = arith.cmpi slt, %parallel_loop3A_369, %parallel_loop3A_375 : i32
        %parallel_loop3A_377 = arith.extui %parallel_loop3A_376 : i1 to i32
        %parallel_loop3A_378 = arith.subi %parallel_loop3A_374, %parallel_loop3A_377 : i32
        %parallel_loop3A_379 = arith.constant 0 : i32
        %parallel_loop3A_380 = arith.cmpi sgt, %parallel_loop3A_370, %parallel_loop3A_379 : i32
        %parallel_loop3A_381 = arith.extui %parallel_loop3A_380 : i1 to i32
        %parallel_loop3A_382 = arith.constant 0 : i32
        %parallel_loop3A_383 = arith.cmpi slt, %parallel_loop3A_370, %parallel_loop3A_382 : i32
        %parallel_loop3A_384 = arith.extui %parallel_loop3A_383 : i1 to i32
        %parallel_loop3A_385 = arith.subi %parallel_loop3A_381, %parallel_loop3A_384 : i32
        %parallel_loop3A_386 = arith.cmpi ne, %parallel_loop3A_378, %parallel_loop3A_385 : i32
        %parallel_loop3A_387 = arith.remsi %parallel_loop3A_369, %parallel_loop3A_370 : i32
        %parallel_loop3A_388 = arith.constant 0 : i32
        %parallel_loop3A_389 = arith.cmpi ne, %parallel_loop3A_387, %parallel_loop3A_388 : i32
        %parallel_loop3A_390 = arith.andi %parallel_loop3A_386, %parallel_loop3A_389 : i1
        %parallel_loop3A_391 = arith.constant 1 : i32
        %parallel_loop3A_392 = arith.subi %parallel_loop3A_371, %parallel_loop3A_391 : i32
        %parallel_loop3A_393 = arith.select %parallel_loop3A_390, %parallel_loop3A_392, %parallel_loop3A_371 : i32
        %parallel_loop3A_394 = arith.constant 32 : i32
        %parallel_loop3A_395 = arith.constant 0 : i32
        %parallel_loop3A_396 = arith.cmpi eq, %parallel_loop3A_394, %parallel_loop3A_395 : i32
        %parallel_loop3A_397 = arith.constant 1 : i32
        %parallel_loop3A_398 = arith.select %parallel_loop3A_396, %parallel_loop3A_397, %parallel_loop3A_394 : i32
        %parallel_loop3A_399 = arith.remsi %parallel_loop3A_369, %parallel_loop3A_398 : i32
        %parallel_loop3A_400 = arith.constant 0 : i32
        %parallel_loop3A_401 = arith.cmpi ne, %parallel_loop3A_399, %parallel_loop3A_400 : i32
        %parallel_loop3A_402 = arith.constant 0 : i32
        %parallel_loop3A_403 = arith.cmpi slt, %parallel_loop3A_399, %parallel_loop3A_402 : i32
        %parallel_loop3A_404 = arith.constant 0 : i32
        %parallel_loop3A_405 = arith.cmpi slt, %parallel_loop3A_398, %parallel_loop3A_404 : i32
        %parallel_loop3A_406 = arith.xori %parallel_loop3A_403, %parallel_loop3A_405 : i1
        %parallel_loop3A_407 = arith.andi %parallel_loop3A_406, %parallel_loop3A_401 : i1
        %parallel_loop3A_408 = arith.addi %parallel_loop3A_399, %parallel_loop3A_398 : i32
        %parallel_loop3A_409 = arith.select %parallel_loop3A_407, %parallel_loop3A_408, %parallel_loop3A_399 : i32
        %parallel_loop3A_410 = arith.constant 16 : i32
        %parallel_loop3A_411 = arith.muli %parallel_loop3A_409, %parallel_loop3A_410 : i32
        %parallel_loop3A_412 = arith.index_cast %parallel_loop3A_393 : i32 to index
        %parallel_loop3A_413 = arith.index_cast %parallel_loop3A_411 : i32 to index
        %parallel_loop3A_414 = tpu.vector_load %arg6[%parallel_loop3A_412, %parallel_loop3A_413] {strides = array<i32>} : memref<64x512xf32, #tpu.memory_space<vmem>>, vector<16xf32>,
        %parallel_loop3A_415 = arith.mulf %parallel_loop3A_414, %div3A_183 : vector<16xf32>
        %parallel_loop3A_416 = arith.addf %parallel_loop3A_415, %sub3A_192 : vector<16xf32>
        %parallel_loop3A_417 = arith.fptosi %parallel_loop3A_416 : vector<16xf32> to vector<16xi32>
        tpu.vector_store_idx %arg7[%parallel_loop3A_417], %broadcast_in_dim3A_194 {add = true} : memref<4128xf32, #tpu.memory_space<vmem>>[vector<16xi32>], vector<16xf32>,
        %parallel_loop3A_418 = arith.constant 3 : i32
        %parallel_loop3A_419 = arith.addi %parallel_loop3A_267, %parallel_loop3A_418 : i32
        %parallel_loop3A_420 = arith.constant 32 : i32
        %parallel_loop3A_421 = arith.divsi %parallel_loop3A_419, %parallel_loop3A_420 : i32
        %parallel_loop3A_422 = arith.constant 0 : i32
        %parallel_loop3A_423 = arith.cmpi sgt, %parallel_loop3A_419, %parallel_loop3A_422 : i32
        %parallel_loop3A_424 = arith.extui %parallel_loop3A_423 : i1 to i32
        %parallel_loop3A_425 = arith.constant 0 : i32
        %parallel_loop3A_426 = arith.cmpi slt, %parallel_loop3A_419, %parallel_loop3A_425 : i32
        %parallel_loop3A_427 = arith.extui %parallel_loop3A_426 : i1 to i32
        %parallel_loop3A_428 = arith.subi %parallel_loop3A_424, %parallel_loop3A_427 : i32
        %parallel_loop3A_429 = arith.constant 0 : i32
        %parallel_loop3A_430 = arith.cmpi sgt, %parallel_loop3A_420, %parallel_loop3A_429 : i32
        %parallel_loop3A_431 = arith.extui %parallel_loop3A_430 : i1 to i32
        %parallel_loop3A_432 = arith.constant 0 : i32
        %parallel_loop3A_433 = arith.cmpi slt, %parallel_loop3A_420, %parallel_loop3A_432 : i32
        %parallel_loop3A_434 = arith.extui %parallel_loop3A_433 : i1 to i32
        %parallel_loop3A_435 = arith.subi %parallel_loop3A_431, %parallel_loop3A_434 : i32
        %parallel_loop3A_436 = arith.cmpi ne, %parallel_loop3A_428, %parallel_loop3A_435 : i32
        %parallel_loop3A_437 = arith.remsi %parallel_loop3A_419, %parallel_loop3A_420 : i32
        %parallel_loop3A_438 = arith.constant 0 : i32
        %parallel_loop3A_439 = arith.cmpi ne, %parallel_loop3A_437, %parallel_loop3A_438 : i32
        %parallel_loop3A_440 = arith.andi %parallel_loop3A_436, %parallel_loop3A_439 : i1
        %parallel_loop3A_441 = arith.constant 1 : i32
        %parallel_loop3A_442 = arith.subi %parallel_loop3A_421, %parallel_loop3A_441 : i32
        %parallel_loop3A_443 = arith.select %parallel_loop3A_440, %parallel_loop3A_442, %parallel_loop3A_421 : i32
        %parallel_loop3A_444 = arith.constant 32 : i32
        %parallel_loop3A_445 = arith.constant 0 : i32
        %parallel_loop3A_446 = arith.cmpi eq, %parallel_loop3A_444, %parallel_loop3A_445 : i32
        %parallel_loop3A_447 = arith.constant 1 : i32
        %parallel_loop3A_448 = arith.select %parallel_loop3A_446, %parallel_loop3A_447, %parallel_loop3A_444 : i32
        %parallel_loop3A_449 = arith.remsi %parallel_loop3A_419, %parallel_loop3A_448 : i32
        %parallel_loop3A_450 = arith.constant 0 : i32
        %parallel_loop3A_451 = arith.cmpi ne, %parallel_loop3A_449, %parallel_loop3A_450 : i32
        %parallel_loop3A_452 = arith.constant 0 : i32
        %parallel_loop3A_453 = arith.cmpi slt, %parallel_loop3A_449, %parallel_loop3A_452 : i32
        %parallel_loop3A_454 = arith.constant 0 : i32
        %parallel_loop3A_455 = arith.cmpi slt, %parallel_loop3A_448, %parallel_loop3A_454 : i32
        %parallel_loop3A_456 = arith.xori %parallel_loop3A_453, %parallel_loop3A_455 : i1
        %parallel_loop3A_457 = arith.andi %parallel_loop3A_456, %parallel_loop3A_451 : i1
        %parallel_loop3A_458 = arith.addi %parallel_loop3A_449, %parallel_loop3A_448 : i32
        %parallel_loop3A_459 = arith.select %parallel_loop3A_457, %parallel_loop3A_458, %parallel_loop3A_449 : i32
        %parallel_loop3A_460 = arith.constant 16 : i32
        %parallel_loop3A_461 = arith.muli %parallel_loop3A_459, %parallel_loop3A_460 : i32
        %parallel_loop3A_462 = arith.index_cast %parallel_loop3A_443 : i32 to index
        %parallel_loop3A_463 = arith.index_cast %parallel_loop3A_461 : i32 to index
        %parallel_loop3A_464 = tpu.vector_load %arg6[%parallel_loop3A_462, %parallel_loop3A_463] {strides = array<i32>} : memref<64x512xf32, #tpu.memory_space<vmem>>, vector<16xf32>,
        %parallel_loop3A_465 = arith.mulf %parallel_loop3A_464, %div3A_183 : vector<16xf32>
        %parallel_loop3A_466 = arith.addf %parallel_loop3A_465, %sub3A_192 : vector<16xf32>
        %parallel_loop3A_467 = arith.fptosi %parallel_loop3A_466 : vector<16xf32> to vector<16xi32>
        tpu.vector_store_idx %arg7[%parallel_loop3A_467], %broadcast_in_dim3A_194 {add = true} : memref<4128xf32, #tpu.memory_space<vmem>>[vector<16xi32>], vector<16xf32>,
      } {sc.loop_unroll_factor = 2 : i64, sc.parallel_access}
      %add3A_260 = arith.constant 1 : i32
      %add3A_261 = arith.addi %scan3A_223, %add3A_260 : i32
      %lt3A_262 = arith.constant 2 : i32
      %lt3A_263 = arith.cmpi slt, %add3A_261, %lt3A_262 : i32
      %convert_element_type3A_264 = arith.extui %lt3A_263 : i1 to i32
      %cond3A_265 = arith.constant 0 : i32
      %cond3A_266 = arith.cmpi ne, %convert_element_type3A_264, %cond3A_265 : i32
      scf.if %cond3A_266 {
        %add3A_267 = arith.constant 3 : i32
        %add3A_268 = arith.addi %mul3A_225, %add3A_267 : i32
        %mul3A_269 = arith.constant 64 : i32
        %mul3A_270 = arith.muli %add3A_268, %mul3A_269 : i32
        %add3A_271 = arith.addi %mul3A_32, %mul3A_270 : i32
        %dma_start3A_272 = arith.constant 0 : i32
        %dma_start3A_273 = arith.constant 0 : i32
        %dma_start3A_274 = tpu.memref_slice %arg2[%add3A, %dma_start3A_272, %add3A_271, %dma_start3A_273] : memref<16x1x512x512xf32, #tpu.memory_space<hbm>> -> memref<1x1x64x512xf32, #tpu.memory_space<hbm>>
        %dma_start3A_275 = tpu.memref_squeeze %dma_start3A_274 : memref<1x1x64x512xf32, #tpu.memory_space<hbm>> -> memref<64x512xf32, #tpu.memory_space<hbm>>
        %dma_start3A_276 = arith.constant 0 : i32
        %dma_start3A_277 = tpu.memref_slice %arg2[%add3A, %dma_start3A_272, %add3A_271, %dma_start3A_276] : memref<16x1x512x512xf32, #tpu.memory_space<hbm>> -> memref<1x1x64x512xf32, #tpu.memory_space<hbm>>
        %dma_start3A_278 = tpu.memref_squeeze %dma_start3A_277 : memref<1x1x64x512xf32, #tpu.memory_space<hbm>> -> memref<64x512xf32, #tpu.memory_space<hbm>>
        tpu.enqueue_dma source(%dma_start3A_278 : memref<64x512xf32, #tpu.memory_space<hbm>>) target(%arg6 : memref<64x512xf32, #tpu.memory_space<vmem>>) target_semaphore(%arg16 : memref<!tpu.dma_semaphore, #tpu.memory_space<semaphore_mem>>)
      } else {
      }
    }
    %scan3A_211 = arith.constant 2 : i32
    %scan3A_212 = arith.constant 0 : i32
    %scan3A_213 = arith.constant 0 : i32
    %scan3A_214 = arith.constant 16 : i32
    %scan3A_215 = arith.addi %scan3A_213, %scan3A_214 : i32
    %scan3A_216 = arith.constant 1 : i32
    scf.for %scan3A_223 = %scan3A_213 to %scan3A_215 step %scan3A_216  : i32 {
      %broadcast_in_dim3A_224 = arith.constant 0.000000e+00 : f32
      %broadcast_in_dim3A_225 = vector.broadcast %broadcast_in_dim3A_224 : f32 to vector<16xf32>
      %mul3A_226 = arith.constant 16 : i32
      %mul3A_227 = arith.muli %scan3A_223, %mul3A_226 : i32
      %add3A_228 = arith.constant 0 : i32
      %add3A_229 = arith.addi %add3A_228, %mul3A_227 : i32
      %get3A_230 = arith.index_cast %add3A_229 : i32 to index
      %get3A_231 = tpu.vector_load %arg7[%get3A_230] {strides = array<i32>} : memref<4128xf32, #tpu.memory_space<vmem>>, vector<16xf32>,
      %add3A_232 = arith.addf %broadcast_in_dim3A_225, %get3A_231 : vector<16xf32>
      %mul3A_233 = arith.constant 16 : i32
      %mul3A_234 = arith.muli %scan3A_223, %mul3A_233 : i32
      %add3A_235 = arith.constant 257 : i32
      %add3A_236 = arith.addi %add3A_235, %mul3A_234 : i32
      %get3A_237 = arith.index_cast %add3A_236 : i32 to index
      %get3A_238 = tpu.vector_load %arg7[%get3A_237] {strides = array<i32>} : memref<4128xf32, #tpu.memory_space<vmem>>, vector<16xf32>,
      %add3A_239 = arith.addf %add3A_232, %get3A_238 : vector<16xf32>
      %mul3A_240 = arith.constant 16 : i32
      %mul3A_241 = arith.muli %scan3A_223, %mul3A_240 : i32
      %add3A_242 = arith.constant 514 : i32
      %add3A_243 = arith.addi %add3A_242, %mul3A_241 : i32
      %get3A_244 = arith.index_cast %add3A_243 : i32 to index
      %get3A_245 = tpu.vector_load %arg7[%get3A_244] {strides = array<i32>} : memref<4128xf32, #tpu.memory_space<vmem>>, vector<16xf32>,
      %add3A_246 = arith.addf %add3A_239, %get3A_245 : vector<16xf32>
      %mul3A_247 = arith.constant 16 : i32
      %mul3A_248 = arith.muli %scan3A_223, %mul3A_247 : i32
      %add3A_249 = arith.constant 771 : i32
      %add3A_250 = arith.addi %add3A_249, %mul3A_248 : i32
      %get3A_251 = arith.index_cast %add3A_250 : i32 to index
      %get3A_252 = tpu.vector_load %arg7[%get3A_251] {strides = array<i32>} : memref<4128xf32, #tpu.memory_space<vmem>>, vector<16xf32>,
      %add3A_253 = arith.addf %add3A_246, %get3A_252 : vector<16xf32>
      %mul3A_254 = arith.constant 16 : i32
      %mul3A_255 = arith.muli %scan3A_223, %mul3A_254 : i32
      %add3A_256 = arith.constant 1028 : i32
      %add3A_257 = arith.addi %add3A_256, %mul3A_255 : i32
      %get3A_258 = arith.index_cast %add3A_257 : i32 to index
      %get3A_259 = tpu.vector_load %arg7[%get3A_258] {strides = array<i32>} : memref<4128xf32, #tpu.memory_space<vmem>>, vector<16xf32>,
      %add3A_260 = arith.addf %add3A_253, %get3A_259 : vector<16xf32>
      %mul3A_261 = arith.constant 16 : i32
      %mul3A_262 = arith.muli %scan3A_223, %mul3A_261 : i32
      %add3A_263 = arith.constant 1285 : i32
      %add3A_264 = arith.addi %add3A_263, %mul3A_262 : i32
      %get3A_265 = arith.index_cast %add3A_264 : i32 to index
      %get3A_266 = tpu.vector_load %arg7[%get3A_265] {strides = array<i32>} : memref<4128xf32, #tpu.memory_space<vmem>>, vector<16xf32>,
      %add3A_267 = arith.addf %add3A_260, %get3A_266 : vector<16xf32>
      %mul3A_268 = arith.constant 16 : i32
      %mul3A_269 = arith.muli %scan3A_223, %mul3A_268 : i32
      %add3A_270 = arith.constant 1542 : i32
      %add3A_271 = arith.addi %add3A_270, %mul3A_269 : i32
      %get3A_272 = arith.index_cast %add3A_271 : i32 to index
      %get3A_273 = tpu.vector_load %arg7[%get3A_272] {strides = array<i32>} : memref<4128xf32, #tpu.memory_space<vmem>>, vector<16xf32>,
      %add3A_274 = arith.addf %add3A_267, %get3A_273 : vector<16xf32>
      %mul3A_275 = arith.constant 16 : i32
      %mul3A_276 = arith.muli %scan3A_223, %mul3A_275 : i32
      %add3A_277 = arith.constant 1799 : i32
      %add3A_278 = arith.addi %add3A_277, %mul3A_276 : i32
      %get3A_279 = arith.index_cast %add3A_278 : i32 to index
      %get3A_280 = tpu.vector_load %arg7[%get3A_279] {strides = array<i32>} : memref<4128xf32, #tpu.memory_space<vmem>>, vector<16xf32>,
      %add3A_281 = arith.addf %add3A_274, %get3A_280 : vector<16xf32>
      %mul3A_282 = arith.constant 16 : i32
      %mul3A_283 = arith.muli %scan3A_223, %mul3A_282 : i32
      %add3A_284 = arith.constant 2056 : i32
      %add3A_285 = arith.addi %add3A_284, %mul3A_283 : i32
      %get3A_286 = arith.index_cast %add3A_285 : i32 to index
      %get3A_287 = tpu.vector_load %arg7[%get3A_286] {strides = array<i32>} : memref<4128xf32, #tpu.memory_space<vmem>>, vector<16xf32>,
      %add3A_288 = arith.addf %add3A_281, %get3A_287 : vector<16xf32>
      %mul3A_289 = arith.constant 16 : i32
      %mul3A_290 = arith.muli %scan3A_223, %mul3A_289 : i32
      %add3A_291 = arith.constant 2313 : i32
      %add3A_292 = arith.addi %add3A_291, %mul3A_290 : i32
      %get3A_293 = arith.index_cast %add3A_292 : i32 to index
      %get3A_294 = tpu.vector_load %arg7[%get3A_293] {strides = array<i32>} : memref<4128xf32, #tpu.memory_space<vmem>>, vector<16xf32>,
      %add3A_295 = arith.addf %add3A_288, %get3A_294 : vector<16xf32>
      %mul3A_296 = arith.constant 16 : i32
      %mul3A_297 = arith.muli %scan3A_223, %mul3A_296 : i32
      %add3A_298 = arith.constant 2570 : i32
      %add3A_299 = arith.addi %add3A_298, %mul3A_297 : i32
      %get3A_300 = arith.index_cast %add3A_299 : i32 to index
      %get3A_301 = tpu.vector_load %arg7[%get3A_300] {strides = array<i32>} : memref<4128xf32, #tpu.memory_space<vmem>>, vector<16xf32>,
      %add3A_302 = arith.addf %add3A_295, %get3A_301 : vector<16xf32>
      %mul3A_303 = arith.constant 16 : i32
      %mul3A_304 = arith.muli %scan3A_223, %mul3A_303 : i32
      %add3A_305 = arith.constant 2827 : i32
      %add3A_306 = arith.addi %add3A_305, %mul3A_304 : i32
      %get3A_307 = arith.index_cast %add3A_306 : i32 to index
      %get3A_308 = tpu.vector_load %arg7[%get3A_307] {strides = array<i32>} : memref<4128xf32, #tpu.memory_space<vmem>>, vector<16xf32>,
      %add3A_309 = arith.addf %add3A_302, %get3A_308 : vector<16xf32>
      %mul3A_310 = arith.constant 16 : i32
      %mul3A_311 = arith.muli %scan3A_223, %mul3A_310 : i32
      %add3A_312 = arith.constant 3084 : i32
      %add3A_313 = arith.addi %add3A_312, %mul3A_311 : i32
      %get3A_314 = arith.index_cast %add3A_313 : i32 to index
      %get3A_315 = tpu.vector_load %arg7[%get3A_314] {strides = array<i32>} : memref<4128xf32, #tpu.memory_space<vmem>>, vector<16xf32>,
      %add3A_316 = arith.addf %add3A_309, %get3A_315 : vector<16xf32>
      %mul3A_317 = arith.constant 16 : i32
      %mul3A_318 = arith.muli %scan3A_223, %mul3A_317 : i32
      %add3A_319 = arith.constant 3341 : i32
      %add3A_320 = arith.addi %add3A_319, %mul3A_318 : i32
      %get3A_321 = arith.index_cast %add3A_320 : i32 to index
      %get3A_322 = tpu.vector_load %arg7[%get3A_321] {strides = array<i32>} : memref<4128xf32, #tpu.memory_space<vmem>>, vector<16xf32>,
      %add3A_323 = arith.addf %add3A_316, %get3A_322 : vector<16xf32>
      %mul3A_324 = arith.constant 16 : i32
      %mul3A_325 = arith.muli %scan3A_223, %mul3A_324 : i32
      %add3A_326 = arith.constant 3598 : i32
      %add3A_327 = arith.addi %add3A_326, %mul3A_325 : i32
      %get3A_328 = arith.index_cast %add3A_327 : i32 to index
      %get3A_329 = tpu.vector_load %arg7[%get3A_328] {strides = array<i32>} : memref<4128xf32, #tpu.memory_space<vmem>>, vector<16xf32>,
      %add3A_330 = arith.addf %add3A_323, %get3A_329 : vector<16xf32>
      %mul3A_331 = arith.constant 16 : i32
      %mul3A_332 = arith.muli %scan3A_223, %mul3A_331 : i32
      %add3A_333 = arith.constant 3855 : i32
      %add3A_334 = arith.addi %add3A_333, %mul3A_332 : i32
      %get3A_335 = arith.index_cast %add3A_334 : i32 to index
      %get3A_336 = tpu.vector_load %arg7[%get3A_335] {strides = array<i32>} : memref<4128xf32, #tpu.memory_space<vmem>>, vector<16xf32>,
      %add3A_337 = arith.addf %add3A_330, %get3A_336 : vector<16xf32>
      %mul3A_338 = arith.constant 16 : i32
      %mul3A_339 = arith.muli %scan3A_223, %mul3A_338 : i32
      %swap3A_340 = arith.index_cast %mul3A_339 : i32 to index
      %swap3A_341 = tpu.vector_load %arg8[%swap3A_340] {strides = array<i32>} : memref<256xf32, #tpu.memory_space<vmem>>, vector<16xf32>,
      tpu.vector_store %arg8[%swap3A_340], %add3A_337 {strides = array<i32>} : memref<256xf32, #tpu.memory_space<vmem>>, vector<16xf32>,
    }
    %scan3A_217 = arith.constant 16 : i32
    "tpu.region"() ({
      %run_scoped3A = tpu.sem_alloc : memref<!tpu.dma_semaphore, #tpu.memory_space<semaphore_mem>>
      %dma_start3A_223 = arith.constant 0 : i32
      %dma_start3A_224 = tpu.memref_slice %arg14[%arg1, %dma_start3A_223] : memref<16x256xf32, #tpu.memory_space<vmem_shared>> -> memref<1x256xf32, #tpu.memory_space<vmem_shared>>
      %dma_start3A_225 = tpu.memref_squeeze %dma_start3A_224 : memref<1x256xf32, #tpu.memory_space<vmem_shared>> -> memref<256xf32, #tpu.memory_space<vmem_shared>>
      %dma_start3A_226 = arith.constant 0 : i32
      %dma_start3A_227 = tpu.memref_slice %arg14[%arg1, %dma_start3A_226] : memref<16x256xf32, #tpu.memory_space<vmem_shared>> -> memref<1x256xf32, #tpu.memory_space<vmem_shared>>
      %dma_start3A_228 = tpu.memref_squeeze %dma_start3A_227 : memref<1x256xf32, #tpu.memory_space<vmem_shared>> -> memref<256xf32, #tpu.memory_space<vmem_shared>>
      tpu.enqueue_dma source(%arg8 : memref<256xf32, #tpu.memory_space<vmem>>) target(%dma_start3A_228 : memref<256xf32, #tpu.memory_space<vmem_shared>>) target_semaphore(%run_scoped3A : memref<!tpu.dma_semaphore, #tpu.memory_space<semaphore_mem>>)
      %dma_wait3A = arith.constant 0 : i32
      %dma_wait3A_229 = tpu.memref_slice %arg14[%arg1, %dma_wait3A] : memref<16x256xf32, #tpu.memory_space<vmem_shared>> -> memref<1x256xf32, #tpu.memory_space<vmem_shared>>
      %dma_wait3A_230 = tpu.memref_squeeze %dma_wait3A_229 : memref<1x256xf32, #tpu.memory_space<vmem_shared>> -> memref<256xf32, #tpu.memory_space<vmem_shared>>
      %dma_wait3A_231 = arith.constant 0 : i32
      %dma_wait3A_232 = tpu.memref_slice %arg14[%arg1, %dma_wait3A_231] : memref<16x256xf32, #tpu.memory_space<vmem_shared>> -> memref<1x256xf32, #tpu.memory_space<vmem_shared>>
      %dma_wait3A_233 = tpu.memref_squeeze %dma_wait3A_232 : memref<1x256xf32, #tpu.memory_space<vmem_shared>> -> memref<256xf32, #tpu.memory_space<vmem_shared>>
      tpu.wait_dma2 semaphore(%run_scoped3A : memref<!tpu.dma_semaphore, #tpu.memory_space<semaphore_mem>>) src(%arg8 : memref<256xf32, #tpu.memory_space<vmem>>) dst(%dma_wait3A_233 : memref<256xf32, #tpu.memory_space<vmem_shared>>)
      tpu.yield
    }) : () -> ()
    %barrier3A_218 = arith.constant 0 : index
    tpu.barrier barrier_id(%barrier3A_218)
    %eq3A_219 = arith.constant 0 : i32
    %eq3A_220 = arith.cmpi eq, %select_n3A_30, %eq3A_219 : i32
    %convert_element_type3A_221 = arith.extui %eq3A_220 : i1 to i32
    %cond3A = arith.constant 0 : i32
    %cond3A_222 = arith.cmpi ne, %convert_element_type3A_221, %cond3A : i32
    scf.if %cond3A_222 {
      %add3A_223 = arith.constant 1 : i32
      %add3A_224 = arith.addi %arg1, %add3A_223 : i32
      "tpu.region"() ({
        %run_scoped3A = tpu.sem_alloc : memref<!tpu.dma_semaphore, #tpu.memory_space<semaphore_mem>>
        %dma_start3A_394 = arith.constant 0 : i32
        %dma_start3A_395 = tpu.memref_slice %arg14[%add3A_224, %dma_start3A_394] : memref<16x256xf32, #tpu.memory_space<vmem_shared>> -> memref<1x256xf32, #tpu.memory_space<vmem_shared>>
        %dma_start3A_396 = tpu.memref_squeeze %dma_start3A_395 : memref<1x256xf32, #tpu.memory_space<vmem_shared>> -> memref<256xf32, #tpu.memory_space<vmem_shared>>
        %dma_start3A_397 = arith.constant 0 : i32
        %dma_start3A_398 = tpu.memref_slice %arg14[%add3A_224, %dma_start3A_397] : memref<16x256xf32, #tpu.memory_space<vmem_shared>> -> memref<1x256xf32, #tpu.memory_space<vmem_shared>>
        %dma_start3A_399 = tpu.memref_squeeze %dma_start3A_398 : memref<1x256xf32, #tpu.memory_space<vmem_shared>> -> memref<256xf32, #tpu.memory_space<vmem_shared>>
        tpu.enqueue_dma source(%dma_start3A_399 : memref<256xf32, #tpu.memory_space<vmem_shared>>) target(%arg9 : memref<256xf32, #tpu.memory_space<vmem>>) target_semaphore(%run_scoped3A : memref<!tpu.dma_semaphore, #tpu.memory_space<semaphore_mem>>)
        %dma_wait3A = arith.constant 0 : i32
        %dma_wait3A_400 = tpu.memref_slice %arg14[%add3A_224, %dma_wait3A] : memref<16x256xf32, #tpu.memory_space<vmem_shared>> -> memref<1x256xf32, #tpu.memory_space<vmem_shared>>
        %dma_wait3A_401 = tpu.memref_squeeze %dma_wait3A_400 : memref<1x256xf32, #tpu.memory_space<vmem_shared>> -> memref<256xf32, #tpu.memory_space<vmem_shared>>
        %dma_wait3A_402 = arith.constant 0 : i32
        %dma_wait3A_403 = tpu.memref_slice %arg14[%add3A_224, %dma_wait3A_402] : memref<16x256xf32, #tpu.memory_space<vmem_shared>> -> memref<1x256xf32, #tpu.memory_space<vmem_shared>>
        %dma_wait3A_404 = tpu.memref_squeeze %dma_wait3A_403 : memref<1x256xf32, #tpu.memory_space<vmem_shared>> -> memref<256xf32, #tpu.memory_space<vmem_shared>>
        tpu.wait_dma2 semaphore(%run_scoped3A : memref<!tpu.dma_semaphore, #tpu.memory_space<semaphore_mem>>) src(%dma_wait3A_404 : memref<256xf32, #tpu.memory_space<vmem_shared>>) dst(%arg9 : memref<256xf32, #tpu.memory_space<vmem>>)
        tpu.yield
      }) : () -> ()
      %get3A_225 = arith.constant 0 : index
      %get3A_226 = tpu.vector_load %arg8[%get3A_225] {strides = array<i32>} : memref<256xf32, #tpu.memory_space<vmem>>, vector<16xf32>,
      %get3A_227 = arith.constant 0 : index
      %get3A_228 = tpu.vector_load %arg9[%get3A_227] {strides = array<i32>} : memref<256xf32, #tpu.memory_space<vmem>>, vector<16xf32>,
      %add3A_229 = arith.addf %get3A_226, %get3A_228 : vector<16xf32>
      %mul3A_230 = arith.constant 3.81469727E-6 : f32
      %mul3A_231 = vector.broadcast %mul3A_230 : f32 to vector<16xf32>
      %mul3A_232 = arith.mulf %add3A_229, %mul3A_231 : vector<16xf32>
      %swap3A_233 = arith.constant 0 : index
      %swap3A_234 = tpu.vector_load %arg8[%swap3A_233] {strides = array<i32>} : memref<256xf32, #tpu.memory_space<vmem>>, vector<16xf32>,
      tpu.vector_store %arg8[%swap3A_233], %mul3A_232 {strides = array<i32>} : memref<256xf32, #tpu.memory_space<vmem>>, vector<16xf32>,
      %get3A_235 = arith.constant 16 : index
      %get3A_236 = tpu.vector_load %arg8[%get3A_235] {strides = array<i32>} : memref<256xf32, #tpu.memory_space<vmem>>, vector<16xf32>,
      %get3A_237 = arith.constant 16 : index
      %get3A_238 = tpu.vector_load %arg9[%get3A_237] {strides = array<i32>} : memref<256xf32, #tpu.memory_space<vmem>>, vector<16xf32>,
      %add3A_239 = arith.addf %get3A_236, %get3A_238 : vector<16xf32>
      %mul3A_240 = arith.constant 3.81469727E-6 : f32
      %mul3A_241 = vector.broadcast %mul3A_240 : f32 to vector<16xf32>
      %mul3A_242 = arith.mulf %add3A_239, %mul3A_241 : vector<16xf32>
      %swap3A_243 = arith.constant 16 : index
      %swap3A_244 = tpu.vector_load %arg8[%swap3A_243] {strides = array<i32>} : memref<256xf32, #tpu.memory_space<vmem>>, vector<16xf32>,
      tpu.vector_store %arg8[%swap3A_243], %mul3A_242 {strides = array<i32>} : memref<256xf32, #tpu.memory_space<vmem>>, vector<16xf32>,
      %get3A_245 = arith.constant 32 : index
      %get3A_246 = tpu.vector_load %arg8[%get3A_245] {strides = array<i32>} : memref<256xf32, #tpu.memory_space<vmem>>, vector<16xf32>,
      %get3A_247 = arith.constant 32 : index
      %get3A_248 = tpu.vector_load %arg9[%get3A_247] {strides = array<i32>} : memref<256xf32, #tpu.memory_space<vmem>>, vector<16xf32>,
      %add3A_249 = arith.addf %get3A_246, %get3A_248 : vector<16xf32>
      %mul3A_250 = arith.constant 3.81469727E-6 : f32
      %mul3A_251 = vector.broadcast %mul3A_250 : f32 to vector<16xf32>
      %mul3A_252 = arith.mulf %add3A_249, %mul3A_251 : vector<16xf32>
      %swap3A_253 = arith.constant 32 : index
      %swap3A_254 = tpu.vector_load %arg8[%swap3A_253] {strides = array<i32>} : memref<256xf32, #tpu.memory_space<vmem>>, vector<16xf32>,
      tpu.vector_store %arg8[%swap3A_253], %mul3A_252 {strides = array<i32>} : memref<256xf32, #tpu.memory_space<vmem>>, vector<16xf32>,
      %get3A_255 = arith.constant 48 : index
      %get3A_256 = tpu.vector_load %arg8[%get3A_255] {strides = array<i32>} : memref<256xf32, #tpu.memory_space<vmem>>, vector<16xf32>,
      %get3A_257 = arith.constant 48 : index
      %get3A_258 = tpu.vector_load %arg9[%get3A_257] {strides = array<i32>} : memref<256xf32, #tpu.memory_space<vmem>>, vector<16xf32>,
      %add3A_259 = arith.addf %get3A_256, %get3A_258 : vector<16xf32>
      %mul3A_260 = arith.constant 3.81469727E-6 : f32
      %mul3A_261 = vector.broadcast %mul3A_260 : f32 to vector<16xf32>
      %mul3A_262 = arith.mulf %add3A_259, %mul3A_261 : vector<16xf32>
      %swap3A_263 = arith.constant 48 : index
      %swap3A_264 = tpu.vector_load %arg8[%swap3A_263] {strides = array<i32>} : memref<256xf32, #tpu.memory_space<vmem>>, vector<16xf32>,
      tpu.vector_store %arg8[%swap3A_263], %mul3A_262 {strides = array<i32>} : memref<256xf32, #tpu.memory_space<vmem>>, vector<16xf32>,
      %get3A_265 = arith.constant 64 : index
      %get3A_266 = tpu.vector_load %arg8[%get3A_265] {strides = array<i32>} : memref<256xf32, #tpu.memory_space<vmem>>, vector<16xf32>,
      %get3A_267 = arith.constant 64 : index
      %get3A_268 = tpu.vector_load %arg9[%get3A_267] {strides = array<i32>} : memref<256xf32, #tpu.memory_space<vmem>>, vector<16xf32>,
      %add3A_269 = arith.addf %get3A_266, %get3A_268 : vector<16xf32>
      %mul3A_270 = arith.constant 3.81469727E-6 : f32
      %mul3A_271 = vector.broadcast %mul3A_270 : f32 to vector<16xf32>
      %mul3A_272 = arith.mulf %add3A_269, %mul3A_271 : vector<16xf32>
      %swap3A_273 = arith.constant 64 : index
      %swap3A_274 = tpu.vector_load %arg8[%swap3A_273] {strides = array<i32>} : memref<256xf32, #tpu.memory_space<vmem>>, vector<16xf32>,
      tpu.vector_store %arg8[%swap3A_273], %mul3A_272 {strides = array<i32>} : memref<256xf32, #tpu.memory_space<vmem>>, vector<16xf32>,
      %get3A_275 = arith.constant 80 : index
      %get3A_276 = tpu.vector_load %arg8[%get3A_275] {strides = array<i32>} : memref<256xf32, #tpu.memory_space<vmem>>, vector<16xf32>,
      %get3A_277 = arith.constant 80 : index
      %get3A_278 = tpu.vector_load %arg9[%get3A_277] {strides = array<i32>} : memref<256xf32, #tpu.memory_space<vmem>>, vector<16xf32>,
      %add3A_279 = arith.addf %get3A_276, %get3A_278 : vector<16xf32>
      %mul3A_280 = arith.constant 3.81469727E-6 : f32
      %mul3A_281 = vector.broadcast %mul3A_280 : f32 to vector<16xf32>
      %mul3A_282 = arith.mulf %add3A_279, %mul3A_281 : vector<16xf32>
      %swap3A_283 = arith.constant 80 : index
      %swap3A_284 = tpu.vector_load %arg8[%swap3A_283] {strides = array<i32>} : memref<256xf32, #tpu.memory_space<vmem>>, vector<16xf32>,
      tpu.vector_store %arg8[%swap3A_283], %mul3A_282 {strides = array<i32>} : memref<256xf32, #tpu.memory_space<vmem>>, vector<16xf32>,
      %get3A_285 = arith.constant 96 : index
      %get3A_286 = tpu.vector_load %arg8[%get3A_285] {strides = array<i32>} : memref<256xf32, #tpu.memory_space<vmem>>, vector<16xf32>,
      %get3A_287 = arith.constant 96 : index
      %get3A_288 = tpu.vector_load %arg9[%get3A_287] {strides = array<i32>} : memref<256xf32, #tpu.memory_space<vmem>>, vector<16xf32>,
      %add3A_289 = arith.addf %get3A_286, %get3A_288 : vector<16xf32>
      %mul3A_290 = arith.constant 3.81469727E-6 : f32
      %mul3A_291 = vector.broadcast %mul3A_290 : f32 to vector<16xf32>
      %mul3A_292 = arith.mulf %add3A_289, %mul3A_291 : vector<16xf32>
      %swap3A_293 = arith.constant 96 : index
      %swap3A_294 = tpu.vector_load %arg8[%swap3A_293] {strides = array<i32>} : memref<256xf32, #tpu.memory_space<vmem>>, vector<16xf32>,
      tpu.vector_store %arg8[%swap3A_293], %mul3A_292 {strides = array<i32>} : memref<256xf32, #tpu.memory_space<vmem>>, vector<16xf32>,
      %get3A_295 = arith.constant 112 : index
      %get3A_296 = tpu.vector_load %arg8[%get3A_295] {strides = array<i32>} : memref<256xf32, #tpu.memory_space<vmem>>, vector<16xf32>,
      %get3A_297 = arith.constant 112 : index
      %get3A_298 = tpu.vector_load %arg9[%get3A_297] {strides = array<i32>} : memref<256xf32, #tpu.memory_space<vmem>>, vector<16xf32>,
      %add3A_299 = arith.addf %get3A_296, %get3A_298 : vector<16xf32>
      %mul3A_300 = arith.constant 3.81469727E-6 : f32
      %mul3A_301 = vector.broadcast %mul3A_300 : f32 to vector<16xf32>
      %mul3A_302 = arith.mulf %add3A_299, %mul3A_301 : vector<16xf32>
      %swap3A_303 = arith.constant 112 : index
      %swap3A_304 = tpu.vector_load %arg8[%swap3A_303] {strides = array<i32>} : memref<256xf32, #tpu.memory_space<vmem>>, vector<16xf32>,
      tpu.vector_store %arg8[%swap3A_303], %mul3A_302 {strides = array<i32>} : memref<256xf32, #tpu.memory_space<vmem>>, vector<16xf32>,
      %get3A_305 = arith.constant 128 : index
      %get3A_306 = tpu.vector_load %arg8[%get3A_305] {strides = array<i32>} : memref<256xf32, #tpu.memory_space<vmem>>, vector<16xf32>,
      %get3A_307 = arith.constant 128 : index
      %get3A_308 = tpu.vector_load %arg9[%get3A_307] {strides = array<i32>} : memref<256xf32, #tpu.memory_space<vmem>>, vector<16xf32>,
      %add3A_309 = arith.addf %get3A_306, %get3A_308 : vector<16xf32>
      %mul3A_310 = arith.constant 3.81469727E-6 : f32
      %mul3A_311 = vector.broadcast %mul3A_310 : f32 to vector<16xf32>
      %mul3A_312 = arith.mulf %add3A_309, %mul3A_311 : vector<16xf32>
      %swap3A_313 = arith.constant 128 : index
      %swap3A_314 = tpu.vector_load %arg8[%swap3A_313] {strides = array<i32>} : memref<256xf32, #tpu.memory_space<vmem>>, vector<16xf32>,
      tpu.vector_store %arg8[%swap3A_313], %mul3A_312 {strides = array<i32>} : memref<256xf32, #tpu.memory_space<vmem>>, vector<16xf32>,
      %get3A_315 = arith.constant 144 : index
      %get3A_316 = tpu.vector_load %arg8[%get3A_315] {strides = array<i32>} : memref<256xf32, #tpu.memory_space<vmem>>, vector<16xf32>,
      %get3A_317 = arith.constant 144 : index
      %get3A_318 = tpu.vector_load %arg9[%get3A_317] {strides = array<i32>} : memref<256xf32, #tpu.memory_space<vmem>>, vector<16xf32>,
      %add3A_319 = arith.addf %get3A_316, %get3A_318 : vector<16xf32>
      %mul3A_320 = arith.constant 3.81469727E-6 : f32
      %mul3A_321 = vector.broadcast %mul3A_320 : f32 to vector<16xf32>
      %mul3A_322 = arith.mulf %add3A_319, %mul3A_321 : vector<16xf32>
      %swap3A_323 = arith.constant 144 : index
      %swap3A_324 = tpu.vector_load %arg8[%swap3A_323] {strides = array<i32>} : memref<256xf32, #tpu.memory_space<vmem>>, vector<16xf32>,
      tpu.vector_store %arg8[%swap3A_323], %mul3A_322 {strides = array<i32>} : memref<256xf32, #tpu.memory_space<vmem>>, vector<16xf32>,
      %get3A_325 = arith.constant 160 : index
      %get3A_326 = tpu.vector_load %arg8[%get3A_325] {strides = array<i32>} : memref<256xf32, #tpu.memory_space<vmem>>, vector<16xf32>,
      %get3A_327 = arith.constant 160 : index
      %get3A_328 = tpu.vector_load %arg9[%get3A_327] {strides = array<i32>} : memref<256xf32, #tpu.memory_space<vmem>>, vector<16xf32>,
      %add3A_329 = arith.addf %get3A_326, %get3A_328 : vector<16xf32>
      %mul3A_330 = arith.constant 3.81469727E-6 : f32
      %mul3A_331 = vector.broadcast %mul3A_330 : f32 to vector<16xf32>
      %mul3A_332 = arith.mulf %add3A_329, %mul3A_331 : vector<16xf32>
      %swap3A_333 = arith.constant 160 : index
      %swap3A_334 = tpu.vector_load %arg8[%swap3A_333] {strides = array<i32>} : memref<256xf32, #tpu.memory_space<vmem>>, vector<16xf32>,
      tpu.vector_store %arg8[%swap3A_333], %mul3A_332 {strides = array<i32>} : memref<256xf32, #tpu.memory_space<vmem>>, vector<16xf32>,
      %get3A_335 = arith.constant 176 : index
      %get3A_336 = tpu.vector_load %arg8[%get3A_335] {strides = array<i32>} : memref<256xf32, #tpu.memory_space<vmem>>, vector<16xf32>,
      %get3A_337 = arith.constant 176 : index
      %get3A_338 = tpu.vector_load %arg9[%get3A_337] {strides = array<i32>} : memref<256xf32, #tpu.memory_space<vmem>>, vector<16xf32>,
      %add3A_339 = arith.addf %get3A_336, %get3A_338 : vector<16xf32>
      %mul3A_340 = arith.constant 3.81469727E-6 : f32
      %mul3A_341 = vector.broadcast %mul3A_340 : f32 to vector<16xf32>
      %mul3A_342 = arith.mulf %add3A_339, %mul3A_341 : vector<16xf32>
      %swap3A_343 = arith.constant 176 : index
      %swap3A_344 = tpu.vector_load %arg8[%swap3A_343] {strides = array<i32>} : memref<256xf32, #tpu.memory_space<vmem>>, vector<16xf32>,
      tpu.vector_store %arg8[%swap3A_343], %mul3A_342 {strides = array<i32>} : memref<256xf32, #tpu.memory_space<vmem>>, vector<16xf32>,
      %get3A_345 = arith.constant 192 : index
      %get3A_346 = tpu.vector_load %arg8[%get3A_345] {strides = array<i32>} : memref<256xf32, #tpu.memory_space<vmem>>, vector<16xf32>,
      %get3A_347 = arith.constant 192 : index
      %get3A_348 = tpu.vector_load %arg9[%get3A_347] {strides = array<i32>} : memref<256xf32, #tpu.memory_space<vmem>>, vector<16xf32>,
      %add3A_349 = arith.addf %get3A_346, %get3A_348 : vector<16xf32>
      %mul3A_350 = arith.constant 3.81469727E-6 : f32
      %mul3A_351 = vector.broadcast %mul3A_350 : f32 to vector<16xf32>
      %mul3A_352 = arith.mulf %add3A_349, %mul3A_351 : vector<16xf32>
      %swap3A_353 = arith.constant 192 : index
      %swap3A_354 = tpu.vector_load %arg8[%swap3A_353] {strides = array<i32>} : memref<256xf32, #tpu.memory_space<vmem>>, vector<16xf32>,
      tpu.vector_store %arg8[%swap3A_353], %mul3A_352 {strides = array<i32>} : memref<256xf32, #tpu.memory_space<vmem>>, vector<16xf32>,
      %get3A_355 = arith.constant 208 : index
      %get3A_356 = tpu.vector_load %arg8[%get3A_355] {strides = array<i32>} : memref<256xf32, #tpu.memory_space<vmem>>, vector<16xf32>,
      %get3A_357 = arith.constant 208 : index
      %get3A_358 = tpu.vector_load %arg9[%get3A_357] {strides = array<i32>} : memref<256xf32, #tpu.memory_space<vmem>>, vector<16xf32>,
      %add3A_359 = arith.addf %get3A_356, %get3A_358 : vector<16xf32>
      %mul3A_360 = arith.constant 3.81469727E-6 : f32
      %mul3A_361 = vector.broadcast %mul3A_360 : f32 to vector<16xf32>
      %mul3A_362 = arith.mulf %add3A_359, %mul3A_361 : vector<16xf32>
      %swap3A_363 = arith.constant 208 : index
      %swap3A_364 = tpu.vector_load %arg8[%swap3A_363] {strides = array<i32>} : memref<256xf32, #tpu.memory_space<vmem>>, vector<16xf32>,
      tpu.vector_store %arg8[%swap3A_363], %mul3A_362 {strides = array<i32>} : memref<256xf32, #tpu.memory_space<vmem>>, vector<16xf32>,
      %get3A_365 = arith.constant 224 : index
      %get3A_366 = tpu.vector_load %arg8[%get3A_365] {strides = array<i32>} : memref<256xf32, #tpu.memory_space<vmem>>, vector<16xf32>,
      %get3A_367 = arith.constant 224 : index
      %get3A_368 = tpu.vector_load %arg9[%get3A_367] {strides = array<i32>} : memref<256xf32, #tpu.memory_space<vmem>>, vector<16xf32>,
      %add3A_369 = arith.addf %get3A_366, %get3A_368 : vector<16xf32>
      %mul3A_370 = arith.constant 3.81469727E-6 : f32
      %mul3A_371 = vector.broadcast %mul3A_370 : f32 to vector<16xf32>
      %mul3A_372 = arith.mulf %add3A_369, %mul3A_371 : vector<16xf32>
      %swap3A_373 = arith.constant 224 : index
      %swap3A_374 = tpu.vector_load %arg8[%swap3A_373] {strides = array<i32>} : memref<256xf32, #tpu.memory_space<vmem>>, vector<16xf32>,
      tpu.vector_store %arg8[%swap3A_373], %mul3A_372 {strides = array<i32>} : memref<256xf32, #tpu.memory_space<vmem>>, vector<16xf32>,
      %get3A_375 = arith.constant 240 : index
      %get3A_376 = tpu.vector_load %arg8[%get3A_375] {strides = array<i32>} : memref<256xf32, #tpu.memory_space<vmem>>, vector<16xf32>,
      %get3A_377 = arith.constant 240 : index
      %get3A_378 = tpu.vector_load %arg9[%get3A_377] {strides = array<i32>} : memref<256xf32, #tpu.memory_space<vmem>>, vector<16xf32>,
      %add3A_379 = arith.addf %get3A_376, %get3A_378 : vector<16xf32>
      %mul3A_380 = arith.constant 3.81469727E-6 : f32
      %mul3A_381 = vector.broadcast %mul3A_380 : f32 to vector<16xf32>
      %mul3A_382 = arith.mulf %add3A_379, %mul3A_381 : vector<16xf32>
      %swap3A_383 = arith.constant 240 : index
      %swap3A_384 = tpu.vector_load %arg8[%swap3A_383] {strides = array<i32>} : memref<256xf32, #tpu.memory_space<vmem>>, vector<16xf32>,
      tpu.vector_store %arg8[%swap3A_383], %mul3A_382 {strides = array<i32>} : memref<256xf32, #tpu.memory_space<vmem>>, vector<16xf32>,
      "tpu.region"() ({
        %run_scoped3A = tpu.sem_alloc : memref<!tpu.dma_semaphore, #tpu.memory_space<semaphore_mem>>
        %dma_start3A_394 = arith.constant 0 : i32
        %dma_start3A_395 = tpu.memref_slice %arg3[%add3A, %dma_start3A_394] : memref<16x256xf32, #tpu.memory_space<hbm>> -> memref<1x256xf32, #tpu.memory_space<hbm>>
        %dma_start3A_396 = tpu.memref_squeeze %dma_start3A_395 : memref<1x256xf32, #tpu.memory_space<hbm>> -> memref<256xf32, #tpu.memory_space<hbm>>
        %dma_start3A_397 = arith.constant 0 : i32
        %dma_start3A_398 = tpu.memref_slice %arg3[%add3A, %dma_start3A_397] : memref<16x256xf32, #tpu.memory_space<hbm>> -> memref<1x256xf32, #tpu.memory_space<hbm>>
        %dma_start3A_399 = tpu.memref_squeeze %dma_start3A_398 : memref<1x256xf32, #tpu.memory_space<hbm>> -> memref<256xf32, #tpu.memory_space<hbm>>
        tpu.enqueue_dma source(%arg8 : memref<256xf32, #tpu.memory_space<vmem>>) target(%dma_start3A_399 : memref<256xf32, #tpu.memory_space<hbm>>) target_semaphore(%run_scoped3A : memref<!tpu.dma_semaphore, #tpu.memory_space<semaphore_mem>>)
        %dma_wait3A = arith.constant 0 : i32
        %dma_wait3A_400 = tpu.memref_slice %arg3[%add3A, %dma_wait3A] : memref<16x256xf32, #tpu.memory_space<hbm>> -> memref<1x256xf32, #tpu.memory_space<hbm>>
        %dma_wait3A_401 = tpu.memref_squeeze %dma_wait3A_400 : memref<1x256xf32, #tpu.memory_space<hbm>> -> memref<256xf32, #tpu.memory_space<hbm>>
        %dma_wait3A_402 = arith.constant 0 : i32
        %dma_wait3A_403 = tpu.memref_slice %arg3[%add3A, %dma_wait3A_402] : memref<16x256xf32, #tpu.memory_space<hbm>> -> memref<1x256xf32, #tpu.memory_space<hbm>>
        %dma_wait3A_404 = tpu.memref_squeeze %dma_wait3A_403 : memref<1x256xf32, #tpu.memory_space<hbm>> -> memref<256xf32, #tpu.memory_space<hbm>>
        tpu.wait_dma2 semaphore(%run_scoped3A : memref<!tpu.dma_semaphore, #tpu.memory_space<semaphore_mem>>) src(%arg8 : memref<256xf32, #tpu.memory_space<vmem>>) dst(%dma_wait3A_404 : memref<256xf32, #tpu.memory_space<hbm>>)
        tpu.yield
      }) : () -> ()
      %iota3A_385 = tpu.iota {dimensions = array<i32: 0>} : vector<16xi32>
      %eq3A_386 = arith.constant 0 : i32
      %eq3A_387 = vector.broadcast %eq3A_386 : i32 to vector<16xi32>
      %eq3A_388 = arith.cmpi eq, %iota3A_385, %eq3A_387 : vector<16xi32>
      %broadcast_in_dim3A_389 = vector.broadcast %min3A_168 : f32 to vector<16xf32>
      %broadcast_in_dim3A_390 = vector.broadcast %max3A_171 : f32 to vector<16xf32>
      %select_n3A_391 = arith.select %eq3A_388, %broadcast_in_dim3A_389, %broadcast_in_dim3A_390 : vector<16xi1>, vector<16xf32>
      %swap3A_392 = arith.constant 0 : index
      %swap3A_393 = tpu.vector_load %arg12[%swap3A_392] {strides = array<i32>} : memref<16xf32, #tpu.memory_space<vmem>>, vector<16xf32>,
      tpu.vector_store %arg12[%swap3A_392], %select_n3A_391 {strides = array<i32>} : memref<16xf32, #tpu.memory_space<vmem>>, vector<16xf32>,
      "tpu.region"() ({
        %run_scoped3A = tpu.sem_alloc : memref<!tpu.dma_semaphore, #tpu.memory_space<semaphore_mem>>
        %dma_start3A_394 = arith.constant 0 : i32
        %dma_start3A_395 = tpu.memref_slice %arg4[%add3A, %dma_start3A_394] : memref<16x16xf32, #tpu.memory_space<hbm>> -> memref<1x16xf32, #tpu.memory_space<hbm>>
        %dma_start3A_396 = tpu.memref_squeeze %dma_start3A_395 : memref<1x16xf32, #tpu.memory_space<hbm>> -> memref<16xf32, #tpu.memory_space<hbm>>
        %dma_start3A_397 = arith.constant 0 : i32
        %dma_start3A_398 = tpu.memref_slice %arg4[%add3A, %dma_start3A_397] : memref<16x16xf32, #tpu.memory_space<hbm>> -> memref<1x16xf32, #tpu.memory_space<hbm>>
        %dma_start3A_399 = tpu.memref_squeeze %dma_start3A_398 : memref<1x16xf32, #tpu.memory_space<hbm>> -> memref<16xf32, #tpu.memory_space<hbm>>
        tpu.enqueue_dma source(%arg12 : memref<16xf32, #tpu.memory_space<vmem>>) target(%dma_start3A_399 : memref<16xf32, #tpu.memory_space<hbm>>) target_semaphore(%run_scoped3A : memref<!tpu.dma_semaphore, #tpu.memory_space<semaphore_mem>>)
        %dma_wait3A = arith.constant 0 : i32
        %dma_wait3A_400 = tpu.memref_slice %arg4[%add3A, %dma_wait3A] : memref<16x16xf32, #tpu.memory_space<hbm>> -> memref<1x16xf32, #tpu.memory_space<hbm>>
        %dma_wait3A_401 = tpu.memref_squeeze %dma_wait3A_400 : memref<1x16xf32, #tpu.memory_space<hbm>> -> memref<16xf32, #tpu.memory_space<hbm>>
        %dma_wait3A_402 = arith.constant 0 : i32
        %dma_wait3A_403 = tpu.memref_slice %arg4[%add3A, %dma_wait3A_402] : memref<16x16xf32, #tpu.memory_space<hbm>> -> memref<1x16xf32, #tpu.memory_space<hbm>>
        %dma_wait3A_404 = tpu.memref_squeeze %dma_wait3A_403 : memref<1x16xf32, #tpu.memory_space<hbm>> -> memref<16xf32, #tpu.memory_space<hbm>>
        tpu.wait_dma2 semaphore(%run_scoped3A : memref<!tpu.dma_semaphore, #tpu.memory_space<semaphore_mem>>) src(%arg12 : memref<16xf32, #tpu.memory_space<vmem>>) dst(%dma_wait3A_404 : memref<16xf32, #tpu.memory_space<hbm>>)
        tpu.yield
      }) : () -> ()
    } else {
    }
    return
  }
}

module attributes {stable_mosaic.version = 14 : i64} {
  func.func @_mlp_body(%arg0: memref<16x256xf32, #tpu.memory_space<vmem>>, %arg1: memref<16x16xf32, #tpu.memory_space<vmem>>, %arg2: memref<16x1xf32, #tpu.memory_space<vmem>>, %arg3: memref<256x64xf32, #tpu.memory_space<vmem>>, %arg4: memref<3x64xf32, #tpu.memory_space<vmem>>, %arg5: memref<1x64xf32, #tpu.memory_space<vmem>>, %arg6: memref<64x64xf32, #tpu.memory_space<vmem>>, %arg7: memref<1x64xf32, #tpu.memory_space<vmem>>, %arg8: memref<64x64xf32, #tpu.memory_space<vmem>>, %arg9: memref<256x64xf32, #tpu.memory_space<vmem>>, %arg10: memref<3x64xf32, #tpu.memory_space<vmem>>, %arg11: memref<1x64xf32, #tpu.memory_space<vmem>>, %arg12: memref<64x64xf32, #tpu.memory_space<vmem>>, %arg13: memref<1x64xf32, #tpu.memory_space<vmem>>, %arg14: memref<64x8xf32, #tpu.memory_space<vmem>>, %arg15: memref<1x8xf32, #tpu.memory_space<vmem>>, %arg16: memref<16x8xf32, #tpu.memory_space<vmem>>) attributes {dimension_semantics = [], scalar_prefetch = 0 : i64, scratch_operands = 0 : i64, tpu.core_type = #tpu.core_type<tc>} {
    %get3A = arith.constant 0 : index
    %get3A_0 = arith.constant 0 : index
    %get3A_1 = vector.load %arg0[%get3A, %get3A_0] : memref<16x256xf32, #tpu.memory_space<vmem>>, vector<16x256xf32>
    %get3A_2 = arith.constant 0 : index
    %get3A_3 = arith.constant 0 : index
    %get3A_4 = vector.load %arg1[%get3A_2, %get3A_3] : memref<16x16xf32, #tpu.memory_space<vmem>>, vector<16x1xf32>
    %get3A_5 = arith.constant 0 : index
    %get3A_6 = arith.constant 1 : index
    %get3A_7 = vector.load %arg1[%get3A_5, %get3A_6] : memref<16x16xf32, #tpu.memory_space<vmem>>, vector<16x1xf32>
    %get3A_8 = arith.constant 0 : index
    %get3A_9 = arith.constant 0 : index
    %get3A_10 = vector.load %arg2[%get3A_8, %get3A_9] : memref<16x1xf32, #tpu.memory_space<vmem>>, vector<16x1xf32>
    %get3A_11 = arith.constant 0 : index
    %get3A_12 = arith.constant 0 : index
    %get3A_13 = vector.load %arg3[%get3A_11, %get3A_12] : memref<256x64xf32, #tpu.memory_space<vmem>>, vector<256x64xf32>
    %dot_general3A = arith.constant dense<0.000000e+00> : vector<16x64xf32>
    %dot_general3A_14 = tpu.matmul %get3A_1, %get3A_13, %dot_general3A {dimension_numbers = #tpu.dot_dimension_numbers<[1], [0], [0], [1], [0, 0, 1, 1], [], []>, transpose_lhs_hint = false} : vector<16x256xf32>, vector<256x64xf32>, vector<16x64xf32> -> vector<16x64xf32>
    %get3A_15 = arith.constant 0 : index
    %get3A_16 = arith.constant 0 : index
    %get3A_17 = vector.load %arg4[%get3A_15, %get3A_16] : memref<3x64xf32, #tpu.memory_space<vmem>>, vector<1x64xf32>
    %mul3A = vector.broadcast %get3A_4 : vector<16x1xf32> to vector<16x64xf32>
    %mul3A_18 = vector.broadcast %get3A_17 : vector<1x64xf32> to vector<16x64xf32>
    %mul3A_19 = arith.mulf %mul3A, %mul3A_18 : vector<16x64xf32>
    %get3A_20 = arith.constant 1 : index
    %get3A_21 = arith.constant 0 : index
    %get3A_22 = vector.load %arg4[%get3A_20, %get3A_21] : memref<3x64xf32, #tpu.memory_space<vmem>>, vector<1x64xf32>
    %mul3A_23 = vector.broadcast %get3A_7 : vector<16x1xf32> to vector<16x64xf32>
    %mul3A_24 = vector.broadcast %get3A_22 : vector<1x64xf32> to vector<16x64xf32>
    %mul3A_25 = arith.mulf %mul3A_23, %mul3A_24 : vector<16x64xf32>
    %add3A = arith.addf %mul3A_19, %mul3A_25 : vector<16x64xf32>
    %get3A_26 = arith.constant 2 : index
    %get3A_27 = arith.constant 0 : index
    %get3A_28 = vector.load %arg4[%get3A_26, %get3A_27] : memref<3x64xf32, #tpu.memory_space<vmem>>, vector<1x64xf32>
    %mul3A_29 = vector.broadcast %get3A_10 : vector<16x1xf32> to vector<16x64xf32>
    %mul3A_30 = vector.broadcast %get3A_28 : vector<1x64xf32> to vector<16x64xf32>
    %mul3A_31 = arith.mulf %mul3A_29, %mul3A_30 : vector<16x64xf32>
    %add3A_32 = arith.addf %add3A, %mul3A_31 : vector<16x64xf32>
    %add3A_33 = arith.addf %dot_general3A_14, %add3A_32 : vector<16x64xf32>
    %get3A_34 = arith.constant 0 : index
    %get3A_35 = arith.constant 0 : index
    %get3A_36 = vector.load %arg5[%get3A_34, %get3A_35] : memref<1x64xf32, #tpu.memory_space<vmem>>, vector<1x64xf32>
    %add3A_37 = vector.broadcast %get3A_36 : vector<1x64xf32> to vector<16x64xf32>
    %add3A_38 = arith.addf %add3A_33, %add3A_37 : vector<16x64xf32>
    %ge3A = arith.constant 0.000000e+00 : f32
    %ge3A_39 = vector.broadcast %ge3A : f32 to vector<16x64xf32>
    %ge3A_40 = arith.cmpf oge, %add3A_38, %ge3A_39 : vector<16x64xf32>
    %mul3A_41 = arith.constant 0.00999999977 : f32
    %mul3A_42 = vector.broadcast %mul3A_41 : f32 to vector<16x64xf32>
    %mul3A_43 = arith.mulf %mul3A_42, %add3A_38 : vector<16x64xf32>
    %select_n3A = arith.select %ge3A_40, %add3A_38, %mul3A_43 : vector<16x64xi1>, vector<16x64xf32>
    %get3A_44 = arith.constant 0 : index
    %get3A_45 = arith.constant 0 : index
    %get3A_46 = vector.load %arg6[%get3A_44, %get3A_45] : memref<64x64xf32, #tpu.memory_space<vmem>>, vector<64x64xf32>
    %dot_general3A_47 = arith.constant dense<0.000000e+00> : vector<16x64xf32>
    %dot_general3A_48 = tpu.matmul %select_n3A, %get3A_46, %dot_general3A_47 {dimension_numbers = #tpu.dot_dimension_numbers<[1], [0], [0], [1], [0, 0, 1, 1], [], []>, transpose_lhs_hint = false} : vector<16x64xf32>, vector<64x64xf32>, vector<16x64xf32> -> vector<16x64xf32>
    %get3A_49 = arith.constant 0 : index
    %get3A_50 = arith.constant 0 : index
    %get3A_51 = vector.load %arg7[%get3A_49, %get3A_50] : memref<1x64xf32, #tpu.memory_space<vmem>>, vector<1x64xf32>
    %add3A_52 = vector.broadcast %get3A_51 : vector<1x64xf32> to vector<16x64xf32>
    %add3A_53 = arith.addf %dot_general3A_48, %add3A_52 : vector<16x64xf32>
    %ge3A_54 = arith.constant 0.000000e+00 : f32
    %ge3A_55 = vector.broadcast %ge3A_54 : f32 to vector<16x64xf32>
    %ge3A_56 = arith.cmpf oge, %add3A_53, %ge3A_55 : vector<16x64xf32>
    %mul3A_57 = arith.constant 0.00999999977 : f32
    %mul3A_58 = vector.broadcast %mul3A_57 : f32 to vector<16x64xf32>
    %mul3A_59 = arith.mulf %mul3A_58, %add3A_53 : vector<16x64xf32>
    %select_n3A_60 = arith.select %ge3A_56, %add3A_53, %mul3A_59 : vector<16x64xi1>, vector<16x64xf32>
    %get3A_61 = arith.constant 0 : index
    %get3A_62 = arith.constant 0 : index
    %get3A_63 = vector.load %arg8[%get3A_61, %get3A_62] : memref<64x64xf32, #tpu.memory_space<vmem>>, vector<64x64xf32>
    %dot_general3A_64 = arith.constant dense<0.000000e+00> : vector<16x64xf32>
    %dot_general3A_65 = tpu.matmul %select_n3A_60, %get3A_63, %dot_general3A_64 {dimension_numbers = #tpu.dot_dimension_numbers<[1], [0], [0], [1], [0, 0, 1, 1], [], []>, transpose_lhs_hint = false} : vector<16x64xf32>, vector<64x64xf32>, vector<16x64xf32> -> vector<16x64xf32>
    %get3A_66 = arith.constant 0 : index
    %get3A_67 = arith.constant 0 : index
    %get3A_68 = vector.load %arg9[%get3A_66, %get3A_67] : memref<256x64xf32, #tpu.memory_space<vmem>>, vector<256x64xf32>
    %dot_general3A_69 = arith.constant dense<0.000000e+00> : vector<16x64xf32>
    %dot_general3A_70 = tpu.matmul %get3A_1, %get3A_68, %dot_general3A_69 {dimension_numbers = #tpu.dot_dimension_numbers<[1], [0], [0], [1], [0, 0, 1, 1], [], []>, transpose_lhs_hint = false} : vector<16x256xf32>, vector<256x64xf32>, vector<16x64xf32> -> vector<16x64xf32>
    %add3A_71 = arith.addf %dot_general3A_65, %dot_general3A_70 : vector<16x64xf32>
    %get3A_72 = arith.constant 0 : index
    %get3A_73 = arith.constant 0 : index
    %get3A_74 = vector.load %arg10[%get3A_72, %get3A_73] : memref<3x64xf32, #tpu.memory_space<vmem>>, vector<1x64xf32>
    %mul3A_75 = vector.broadcast %get3A_4 : vector<16x1xf32> to vector<16x64xf32>
    %mul3A_76 = vector.broadcast %get3A_74 : vector<1x64xf32> to vector<16x64xf32>
    %mul3A_77 = arith.mulf %mul3A_75, %mul3A_76 : vector<16x64xf32>
    %get3A_78 = arith.constant 1 : index
    %get3A_79 = arith.constant 0 : index
    %get3A_80 = vector.load %arg10[%get3A_78, %get3A_79] : memref<3x64xf32, #tpu.memory_space<vmem>>, vector<1x64xf32>
    %mul3A_81 = vector.broadcast %get3A_7 : vector<16x1xf32> to vector<16x64xf32>
    %mul3A_82 = vector.broadcast %get3A_80 : vector<1x64xf32> to vector<16x64xf32>
    %mul3A_83 = arith.mulf %mul3A_81, %mul3A_82 : vector<16x64xf32>
    %add3A_84 = arith.addf %mul3A_77, %mul3A_83 : vector<16x64xf32>
    %get3A_85 = arith.constant 2 : index
    %get3A_86 = arith.constant 0 : index
    %get3A_87 = vector.load %arg10[%get3A_85, %get3A_86] : memref<3x64xf32, #tpu.memory_space<vmem>>, vector<1x64xf32>
    %mul3A_88 = vector.broadcast %get3A_10 : vector<16x1xf32> to vector<16x64xf32>
    %mul3A_89 = vector.broadcast %get3A_87 : vector<1x64xf32> to vector<16x64xf32>
    %mul3A_90 = arith.mulf %mul3A_88, %mul3A_89 : vector<16x64xf32>
    %add3A_91 = arith.addf %add3A_84, %mul3A_90 : vector<16x64xf32>
    %add3A_92 = arith.addf %add3A_71, %add3A_91 : vector<16x64xf32>
    %get3A_93 = arith.constant 0 : index
    %get3A_94 = arith.constant 0 : index
    %get3A_95 = vector.load %arg11[%get3A_93, %get3A_94] : memref<1x64xf32, #tpu.memory_space<vmem>>, vector<1x64xf32>
    %add3A_96 = vector.broadcast %get3A_95 : vector<1x64xf32> to vector<16x64xf32>
    %add3A_97 = arith.addf %add3A_92, %add3A_96 : vector<16x64xf32>
    %ge3A_98 = arith.constant 0.000000e+00 : f32
    %ge3A_99 = vector.broadcast %ge3A_98 : f32 to vector<16x64xf32>
    %ge3A_100 = arith.cmpf oge, %add3A_97, %ge3A_99 : vector<16x64xf32>
    %mul3A_101 = arith.constant 0.00999999977 : f32
    %mul3A_102 = vector.broadcast %mul3A_101 : f32 to vector<16x64xf32>
    %mul3A_103 = arith.mulf %mul3A_102, %add3A_97 : vector<16x64xf32>
    %select_n3A_104 = arith.select %ge3A_100, %add3A_97, %mul3A_103 : vector<16x64xi1>, vector<16x64xf32>
    %get3A_105 = arith.constant 0 : index
    %get3A_106 = arith.constant 0 : index
    %get3A_107 = vector.load %arg12[%get3A_105, %get3A_106] : memref<64x64xf32, #tpu.memory_space<vmem>>, vector<64x64xf32>
    %dot_general3A_108 = arith.constant dense<0.000000e+00> : vector<16x64xf32>
    %dot_general3A_109 = tpu.matmul %select_n3A_104, %get3A_107, %dot_general3A_108 {dimension_numbers = #tpu.dot_dimension_numbers<[1], [0], [0], [1], [0, 0, 1, 1], [], []>, transpose_lhs_hint = false} : vector<16x64xf32>, vector<64x64xf32>, vector<16x64xf32> -> vector<16x64xf32>
    %get3A_110 = arith.constant 0 : index
    %get3A_111 = arith.constant 0 : index
    %get3A_112 = vector.load %arg13[%get3A_110, %get3A_111] : memref<1x64xf32, #tpu.memory_space<vmem>>, vector<1x64xf32>
    %add3A_113 = vector.broadcast %get3A_112 : vector<1x64xf32> to vector<16x64xf32>
    %add3A_114 = arith.addf %dot_general3A_109, %add3A_113 : vector<16x64xf32>
    %ge3A_115 = arith.constant 0.000000e+00 : f32
    %ge3A_116 = vector.broadcast %ge3A_115 : f32 to vector<16x64xf32>
    %ge3A_117 = arith.cmpf oge, %add3A_114, %ge3A_116 : vector<16x64xf32>
    %mul3A_118 = arith.constant 0.00999999977 : f32
    %mul3A_119 = vector.broadcast %mul3A_118 : f32 to vector<16x64xf32>
    %mul3A_120 = arith.mulf %mul3A_119, %add3A_114 : vector<16x64xf32>
    %select_n3A_121 = arith.select %ge3A_117, %add3A_114, %mul3A_120 : vector<16x64xi1>, vector<16x64xf32>
    %get3A_122 = arith.constant 0 : index
    %get3A_123 = arith.constant 0 : index
    %get3A_124 = vector.load %arg14[%get3A_122, %get3A_123] : memref<64x8xf32, #tpu.memory_space<vmem>>, vector<64x8xf32>
    %dot_general3A_125 = arith.constant dense<0.000000e+00> : vector<16x8xf32>
    %dot_general3A_126 = tpu.matmul %select_n3A_121, %get3A_124, %dot_general3A_125 {dimension_numbers = #tpu.dot_dimension_numbers<[1], [0], [0], [1], [0, 0, 1, 1], [], []>, transpose_lhs_hint = false} : vector<16x64xf32>, vector<64x8xf32>, vector<16x8xf32> -> vector<16x8xf32>
    %get3A_127 = arith.constant 0 : index
    %get3A_128 = arith.constant 0 : index
    %get3A_129 = vector.load %arg15[%get3A_127, %get3A_128] : memref<1x8xf32, #tpu.memory_space<vmem>>, vector<1x8xf32>
    %add3A_130 = vector.broadcast %get3A_129 : vector<1x8xf32> to vector<16x8xf32>
    %add3A_131 = arith.addf %dot_general3A_126, %add3A_130 : vector<16x8xf32>
    %ge3A_132 = arith.constant 0.000000e+00 : f32
    %ge3A_133 = vector.broadcast %ge3A_132 : f32 to vector<16x8xf32>
    %ge3A_134 = arith.cmpf oge, %add3A_131, %ge3A_133 : vector<16x8xf32>
    %mul3A_135 = arith.constant 0.00999999977 : f32
    %mul3A_136 = vector.broadcast %mul3A_135 : f32 to vector<16x8xf32>
    %mul3A_137 = arith.mulf %mul3A_136, %add3A_131 : vector<16x8xf32>
    %select_n3A_138 = arith.select %ge3A_134, %add3A_131, %mul3A_137 : vector<16x8xi1>, vector<16x8xf32>
    %swap3A = arith.constant 0 : index
    %swap3A_139 = arith.constant 0 : index
    %swap3A_140 = vector.load %arg16[%swap3A, %swap3A_139] : memref<16x8xf32, #tpu.memory_space<vmem>>, vector<16x8xf32>
    tpu.vector_store %arg16[%swap3A, %swap3A_139], %select_n3A_138 {strides = array<i32>} : memref<16x8xf32, #tpu.memory_space<vmem>>, vector<16x8xf32>,
    return
  }
}

module attributes {stable_mosaic.version = 14 : i64} {
  func.func @_pix_body(%arg0: i32, %arg1: memref<16x8xf32, #tpu.memory_space<smem>>, %arg2: memref<4x1x512x512xf32, #tpu.memory_space<vmem>>, %arg3: memref<4x1x512x512xf32, #tpu.memory_space<vmem>>) attributes {dimension_semantics = [#tpu.dimension_semantics<arbitrary>], iteration_bounds = array<i64: 4>, scalar_prefetch = 0 : i64, scratch_operands = 0 : i64, tpu.core_type = #tpu.core_type<tc>, window_params = [{transform_indices = @transform_0, window_bounds = array<i64: 16, 8>}, {transform_indices = @transform_1, window_bounds = array<i64: 4, 1, 512, 512>}, {transform_indices = @transform_2, window_bounds = array<i64: 4, 1, 512, 512>}]} {
    %mul3A = arith.constant 4 : i32
    %mul3A_0 = arith.muli %arg0, %mul3A : i32
    %add3A = arith.constant 0 : i32
    %add3A_1 = arith.addi %mul3A_0, %add3A : i32
    %get3A = arith.constant 0 : index
    %get3A_2 = arith.constant 0 : index
    %get3A_3 = arith.constant 0 : index
    %get3A_4 = arith.constant 0 : index
    %get3A_5 = vector.load %arg2[%get3A, %get3A_2, %get3A_3, %get3A_4] : memref<4x1x512x512xf32, #tpu.memory_space<vmem>>, vector<1x1x512x512xf32>
    %get3A_6 = vector.shape_cast %get3A_5 : vector<1x1x512x512xf32> to vector<512x512xf32>
    %get3A_7 = arith.index_cast %add3A_1 : i32 to index
    %get3A_8 = arith.constant 0 : index
    %get3A_9 = memref.load %arg1[%get3A_7, %get3A_8] : memref<16x8xf32, #tpu.memory_space<smem>>
    %add3A_10 = arith.constant 1.000000e+00 : f32
    %add3A_11 = arith.addf %add3A_10, %get3A_9 : f32
    %mul3A_12 = vector.broadcast %get3A_9 : f32 to vector<512x512xf32>
    %mul3A_13 = arith.mulf %mul3A_12, %get3A_6 : vector<512x512xf32>
    %sub3A = vector.broadcast %add3A_11 : f32 to vector<512x512xf32>
    %sub3A_14 = arith.subf %sub3A, %mul3A_13 : vector<512x512xf32>
    %mul3A_15 = arith.mulf %get3A_6, %sub3A_14 : vector<512x512xf32>
    %get3A_16 = arith.index_cast %add3A_1 : i32 to index
    %get3A_17 = arith.constant 1 : index
    %get3A_18 = memref.load %arg1[%get3A_16, %get3A_17] : memref<16x8xf32, #tpu.memory_space<smem>>
    %add3A_19 = arith.constant 1.000000e+00 : f32
    %add3A_20 = arith.addf %add3A_19, %get3A_18 : f32
    %mul3A_21 = vector.broadcast %get3A_18 : f32 to vector<512x512xf32>
    %mul3A_22 = arith.mulf %mul3A_21, %mul3A_15 : vector<512x512xf32>
    %sub3A_23 = vector.broadcast %add3A_20 : f32 to vector<512x512xf32>
    %sub3A_24 = arith.subf %sub3A_23, %mul3A_22 : vector<512x512xf32>
    %mul3A_25 = arith.mulf %mul3A_15, %sub3A_24 : vector<512x512xf32>
    %get3A_26 = arith.index_cast %add3A_1 : i32 to index
    %get3A_27 = arith.constant 2 : index
    %get3A_28 = memref.load %arg1[%get3A_26, %get3A_27] : memref<16x8xf32, #tpu.memory_space<smem>>
    %add3A_29 = arith.constant 1.000000e+00 : f32
    %add3A_30 = arith.addf %add3A_29, %get3A_28 : f32
    %mul3A_31 = vector.broadcast %get3A_28 : f32 to vector<512x512xf32>
    %mul3A_32 = arith.mulf %mul3A_31, %mul3A_25 : vector<512x512xf32>
    %sub3A_33 = vector.broadcast %add3A_30 : f32 to vector<512x512xf32>
    %sub3A_34 = arith.subf %sub3A_33, %mul3A_32 : vector<512x512xf32>
    %mul3A_35 = arith.mulf %mul3A_25, %sub3A_34 : vector<512x512xf32>
    %get3A_36 = arith.index_cast %add3A_1 : i32 to index
    %get3A_37 = arith.constant 3 : index
    %get3A_38 = memref.load %arg1[%get3A_36, %get3A_37] : memref<16x8xf32, #tpu.memory_space<smem>>
    %add3A_39 = arith.constant 1.000000e+00 : f32
    %add3A_40 = arith.addf %add3A_39, %get3A_38 : f32
    %mul3A_41 = vector.broadcast %get3A_38 : f32 to vector<512x512xf32>
    %mul3A_42 = arith.mulf %mul3A_41, %mul3A_35 : vector<512x512xf32>
    %sub3A_43 = vector.broadcast %add3A_40 : f32 to vector<512x512xf32>
    %sub3A_44 = arith.subf %sub3A_43, %mul3A_42 : vector<512x512xf32>
    %mul3A_45 = arith.mulf %mul3A_35, %sub3A_44 : vector<512x512xf32>
    %get3A_46 = arith.index_cast %add3A_1 : i32 to index
    %get3A_47 = arith.constant 4 : index
    %get3A_48 = memref.load %arg1[%get3A_46, %get3A_47] : memref<16x8xf32, #tpu.memory_space<smem>>
    %add3A_49 = arith.constant 1.000000e+00 : f32
    %add3A_50 = arith.addf %add3A_49, %get3A_48 : f32
    %mul3A_51 = vector.broadcast %get3A_48 : f32 to vector<512x512xf32>
    %mul3A_52 = arith.mulf %mul3A_51, %mul3A_45 : vector<512x512xf32>
    %sub3A_53 = vector.broadcast %add3A_50 : f32 to vector<512x512xf32>
    %sub3A_54 = arith.subf %sub3A_53, %mul3A_52 : vector<512x512xf32>
    %mul3A_55 = arith.mulf %mul3A_45, %sub3A_54 : vector<512x512xf32>
    %get3A_56 = arith.index_cast %add3A_1 : i32 to index
    %get3A_57 = arith.constant 5 : index
    %get3A_58 = memref.load %arg1[%get3A_56, %get3A_57] : memref<16x8xf32, #tpu.memory_space<smem>>
    %add3A_59 = arith.constant 1.000000e+00 : f32
    %add3A_60 = arith.addf %add3A_59, %get3A_58 : f32
    %mul3A_61 = vector.broadcast %get3A_58 : f32 to vector<512x512xf32>
    %mul3A_62 = arith.mulf %mul3A_61, %mul3A_55 : vector<512x512xf32>
    %sub3A_63 = vector.broadcast %add3A_60 : f32 to vector<512x512xf32>
    %sub3A_64 = arith.subf %sub3A_63, %mul3A_62 : vector<512x512xf32>
    %mul3A_65 = arith.mulf %mul3A_55, %sub3A_64 : vector<512x512xf32>
    %get3A_66 = arith.index_cast %add3A_1 : i32 to index
    %get3A_67 = arith.constant 6 : index
    %get3A_68 = memref.load %arg1[%get3A_66, %get3A_67] : memref<16x8xf32, #tpu.memory_space<smem>>
    %add3A_69 = arith.constant 1.000000e+00 : f32
    %add3A_70 = arith.addf %add3A_69, %get3A_68 : f32
    %mul3A_71 = vector.broadcast %get3A_68 : f32 to vector<512x512xf32>
    %mul3A_72 = arith.mulf %mul3A_71, %mul3A_65 : vector<512x512xf32>
    %sub3A_73 = vector.broadcast %add3A_70 : f32 to vector<512x512xf32>
    %sub3A_74 = arith.subf %sub3A_73, %mul3A_72 : vector<512x512xf32>
    %mul3A_75 = arith.mulf %mul3A_65, %sub3A_74 : vector<512x512xf32>
    %get3A_76 = arith.index_cast %add3A_1 : i32 to index
    %get3A_77 = arith.constant 7 : index
    %get3A_78 = memref.load %arg1[%get3A_76, %get3A_77] : memref<16x8xf32, #tpu.memory_space<smem>>
    %add3A_79 = arith.constant 1.000000e+00 : f32
    %add3A_80 = arith.addf %add3A_79, %get3A_78 : f32
    %mul3A_81 = vector.broadcast %get3A_78 : f32 to vector<512x512xf32>
    %mul3A_82 = arith.mulf %mul3A_81, %mul3A_75 : vector<512x512xf32>
    %sub3A_83 = vector.broadcast %add3A_80 : f32 to vector<512x512xf32>
    %sub3A_84 = arith.subf %sub3A_83, %mul3A_82 : vector<512x512xf32>
    %mul3A_85 = arith.mulf %mul3A_75, %sub3A_84 : vector<512x512xf32>
    %swap3A = arith.constant 0 : index
    %swap3A_86 = arith.constant 0 : index
    %swap3A_87 = arith.constant 0 : index
    %swap3A_88 = arith.constant 0 : index
    %swap3A_89 = vector.load %arg3[%swap3A, %swap3A_86, %swap3A_87, %swap3A_88] : memref<4x1x512x512xf32, #tpu.memory_space<vmem>>, vector<1x1x512x512xf32>
    %swap3A_90 = vector.shape_cast %swap3A_89 : vector<1x1x512x512xf32> to vector<512x512xf32>
    %swap3A_91 = vector.shape_cast %mul3A_85 : vector<512x512xf32> to vector<1x1x512x512xf32>
    tpu.vector_store %arg3[%swap3A, %swap3A_86, %swap3A_87, %swap3A_88], %swap3A_91 {strides = array<i32>} : memref<4x1x512x512xf32, #tpu.memory_space<vmem>>, vector<1x1x512x512xf32>,
    %mul3A_92 = arith.constant 4 : i32
    %mul3A_93 = arith.muli %arg0, %mul3A_92 : i32
    %add3A_94 = arith.constant 1 : i32
    %add3A_95 = arith.addi %mul3A_93, %add3A_94 : i32
    %get3A_96 = arith.constant 1 : index
    %get3A_97 = arith.constant 0 : index
    %get3A_98 = arith.constant 0 : index
    %get3A_99 = arith.constant 0 : index
    %get3A_100 = vector.load %arg2[%get3A_96, %get3A_97, %get3A_98, %get3A_99] : memref<4x1x512x512xf32, #tpu.memory_space<vmem>>, vector<1x1x512x512xf32>
    %get3A_101 = vector.shape_cast %get3A_100 : vector<1x1x512x512xf32> to vector<512x512xf32>
    %get3A_102 = arith.index_cast %add3A_95 : i32 to index
    %get3A_103 = arith.constant 0 : index
    %get3A_104 = memref.load %arg1[%get3A_102, %get3A_103] : memref<16x8xf32, #tpu.memory_space<smem>>
    %add3A_105 = arith.constant 1.000000e+00 : f32
    %add3A_106 = arith.addf %add3A_105, %get3A_104 : f32
    %mul3A_107 = vector.broadcast %get3A_104 : f32 to vector<512x512xf32>
    %mul3A_108 = arith.mulf %mul3A_107, %get3A_101 : vector<512x512xf32>
    %sub3A_109 = vector.broadcast %add3A_106 : f32 to vector<512x512xf32>
    %sub3A_110 = arith.subf %sub3A_109, %mul3A_108 : vector<512x512xf32>
    %mul3A_111 = arith.mulf %get3A_101, %sub3A_110 : vector<512x512xf32>
    %get3A_112 = arith.index_cast %add3A_95 : i32 to index
    %get3A_113 = arith.constant 1 : index
    %get3A_114 = memref.load %arg1[%get3A_112, %get3A_113] : memref<16x8xf32, #tpu.memory_space<smem>>
    %add3A_115 = arith.constant 1.000000e+00 : f32
    %add3A_116 = arith.addf %add3A_115, %get3A_114 : f32
    %mul3A_117 = vector.broadcast %get3A_114 : f32 to vector<512x512xf32>
    %mul3A_118 = arith.mulf %mul3A_117, %mul3A_111 : vector<512x512xf32>
    %sub3A_119 = vector.broadcast %add3A_116 : f32 to vector<512x512xf32>
    %sub3A_120 = arith.subf %sub3A_119, %mul3A_118 : vector<512x512xf32>
    %mul3A_121 = arith.mulf %mul3A_111, %sub3A_120 : vector<512x512xf32>
    %get3A_122 = arith.index_cast %add3A_95 : i32 to index
    %get3A_123 = arith.constant 2 : index
    %get3A_124 = memref.load %arg1[%get3A_122, %get3A_123] : memref<16x8xf32, #tpu.memory_space<smem>>
    %add3A_125 = arith.constant 1.000000e+00 : f32
    %add3A_126 = arith.addf %add3A_125, %get3A_124 : f32
    %mul3A_127 = vector.broadcast %get3A_124 : f32 to vector<512x512xf32>
    %mul3A_128 = arith.mulf %mul3A_127, %mul3A_121 : vector<512x512xf32>
    %sub3A_129 = vector.broadcast %add3A_126 : f32 to vector<512x512xf32>
    %sub3A_130 = arith.subf %sub3A_129, %mul3A_128 : vector<512x512xf32>
    %mul3A_131 = arith.mulf %mul3A_121, %sub3A_130 : vector<512x512xf32>
    %get3A_132 = arith.index_cast %add3A_95 : i32 to index
    %get3A_133 = arith.constant 3 : index
    %get3A_134 = memref.load %arg1[%get3A_132, %get3A_133] : memref<16x8xf32, #tpu.memory_space<smem>>
    %add3A_135 = arith.constant 1.000000e+00 : f32
    %add3A_136 = arith.addf %add3A_135, %get3A_134 : f32
    %mul3A_137 = vector.broadcast %get3A_134 : f32 to vector<512x512xf32>
    %mul3A_138 = arith.mulf %mul3A_137, %mul3A_131 : vector<512x512xf32>
    %sub3A_139 = vector.broadcast %add3A_136 : f32 to vector<512x512xf32>
    %sub3A_140 = arith.subf %sub3A_139, %mul3A_138 : vector<512x512xf32>
    %mul3A_141 = arith.mulf %mul3A_131, %sub3A_140 : vector<512x512xf32>
    %get3A_142 = arith.index_cast %add3A_95 : i32 to index
    %get3A_143 = arith.constant 4 : index
    %get3A_144 = memref.load %arg1[%get3A_142, %get3A_143] : memref<16x8xf32, #tpu.memory_space<smem>>
    %add3A_145 = arith.constant 1.000000e+00 : f32
    %add3A_146 = arith.addf %add3A_145, %get3A_144 : f32
    %mul3A_147 = vector.broadcast %get3A_144 : f32 to vector<512x512xf32>
    %mul3A_148 = arith.mulf %mul3A_147, %mul3A_141 : vector<512x512xf32>
    %sub3A_149 = vector.broadcast %add3A_146 : f32 to vector<512x512xf32>
    %sub3A_150 = arith.subf %sub3A_149, %mul3A_148 : vector<512x512xf32>
    %mul3A_151 = arith.mulf %mul3A_141, %sub3A_150 : vector<512x512xf32>
    %get3A_152 = arith.index_cast %add3A_95 : i32 to index
    %get3A_153 = arith.constant 5 : index
    %get3A_154 = memref.load %arg1[%get3A_152, %get3A_153] : memref<16x8xf32, #tpu.memory_space<smem>>
    %add3A_155 = arith.constant 1.000000e+00 : f32
    %add3A_156 = arith.addf %add3A_155, %get3A_154 : f32
    %mul3A_157 = vector.broadcast %get3A_154 : f32 to vector<512x512xf32>
    %mul3A_158 = arith.mulf %mul3A_157, %mul3A_151 : vector<512x512xf32>
    %sub3A_159 = vector.broadcast %add3A_156 : f32 to vector<512x512xf32>
    %sub3A_160 = arith.subf %sub3A_159, %mul3A_158 : vector<512x512xf32>
    %mul3A_161 = arith.mulf %mul3A_151, %sub3A_160 : vector<512x512xf32>
    %get3A_162 = arith.index_cast %add3A_95 : i32 to index
    %get3A_163 = arith.constant 6 : index
    %get3A_164 = memref.load %arg1[%get3A_162, %get3A_163] : memref<16x8xf32, #tpu.memory_space<smem>>
    %add3A_165 = arith.constant 1.000000e+00 : f32
    %add3A_166 = arith.addf %add3A_165, %get3A_164 : f32
    %mul3A_167 = vector.broadcast %get3A_164 : f32 to vector<512x512xf32>
    %mul3A_168 = arith.mulf %mul3A_167, %mul3A_161 : vector<512x512xf32>
    %sub3A_169 = vector.broadcast %add3A_166 : f32 to vector<512x512xf32>
    %sub3A_170 = arith.subf %sub3A_169, %mul3A_168 : vector<512x512xf32>
    %mul3A_171 = arith.mulf %mul3A_161, %sub3A_170 : vector<512x512xf32>
    %get3A_172 = arith.index_cast %add3A_95 : i32 to index
    %get3A_173 = arith.constant 7 : index
    %get3A_174 = memref.load %arg1[%get3A_172, %get3A_173] : memref<16x8xf32, #tpu.memory_space<smem>>
    %add3A_175 = arith.constant 1.000000e+00 : f32
    %add3A_176 = arith.addf %add3A_175, %get3A_174 : f32
    %mul3A_177 = vector.broadcast %get3A_174 : f32 to vector<512x512xf32>
    %mul3A_178 = arith.mulf %mul3A_177, %mul3A_171 : vector<512x512xf32>
    %sub3A_179 = vector.broadcast %add3A_176 : f32 to vector<512x512xf32>
    %sub3A_180 = arith.subf %sub3A_179, %mul3A_178 : vector<512x512xf32>
    %mul3A_181 = arith.mulf %mul3A_171, %sub3A_180 : vector<512x512xf32>
    %swap3A_182 = arith.constant 1 : index
    %swap3A_183 = arith.constant 0 : index
    %swap3A_184 = arith.constant 0 : index
    %swap3A_185 = arith.constant 0 : index
    %swap3A_186 = vector.load %arg3[%swap3A_182, %swap3A_183, %swap3A_184, %swap3A_185] : memref<4x1x512x512xf32, #tpu.memory_space<vmem>>, vector<1x1x512x512xf32>
    %swap3A_187 = vector.shape_cast %swap3A_186 : vector<1x1x512x512xf32> to vector<512x512xf32>
    %swap3A_188 = vector.shape_cast %mul3A_181 : vector<512x512xf32> to vector<1x1x512x512xf32>
    tpu.vector_store %arg3[%swap3A_182, %swap3A_183, %swap3A_184, %swap3A_185], %swap3A_188 {strides = array<i32>} : memref<4x1x512x512xf32, #tpu.memory_space<vmem>>, vector<1x1x512x512xf32>,
    %mul3A_189 = arith.constant 4 : i32
    %mul3A_190 = arith.muli %arg0, %mul3A_189 : i32
    %add3A_191 = arith.constant 2 : i32
    %add3A_192 = arith.addi %mul3A_190, %add3A_191 : i32
    %get3A_193 = arith.constant 2 : index
    %get3A_194 = arith.constant 0 : index
    %get3A_195 = arith.constant 0 : index
    %get3A_196 = arith.constant 0 : index
    %get3A_197 = vector.load %arg2[%get3A_193, %get3A_194, %get3A_195, %get3A_196] : memref<4x1x512x512xf32, #tpu.memory_space<vmem>>, vector<1x1x512x512xf32>
    %get3A_198 = vector.shape_cast %get3A_197 : vector<1x1x512x512xf32> to vector<512x512xf32>
    %get3A_199 = arith.index_cast %add3A_192 : i32 to index
    %get3A_200 = arith.constant 0 : index
    %get3A_201 = memref.load %arg1[%get3A_199, %get3A_200] : memref<16x8xf32, #tpu.memory_space<smem>>
    %add3A_202 = arith.constant 1.000000e+00 : f32
    %add3A_203 = arith.addf %add3A_202, %get3A_201 : f32
    %mul3A_204 = vector.broadcast %get3A_201 : f32 to vector<512x512xf32>
    %mul3A_205 = arith.mulf %mul3A_204, %get3A_198 : vector<512x512xf32>
    %sub3A_206 = vector.broadcast %add3A_203 : f32 to vector<512x512xf32>
    %sub3A_207 = arith.subf %sub3A_206, %mul3A_205 : vector<512x512xf32>
    %mul3A_208 = arith.mulf %get3A_198, %sub3A_207 : vector<512x512xf32>
    %get3A_209 = arith.index_cast %add3A_192 : i32 to index
    %get3A_210 = arith.constant 1 : index
    %get3A_211 = memref.load %arg1[%get3A_209, %get3A_210] : memref<16x8xf32, #tpu.memory_space<smem>>
    %add3A_212 = arith.constant 1.000000e+00 : f32
    %add3A_213 = arith.addf %add3A_212, %get3A_211 : f32
    %mul3A_214 = vector.broadcast %get3A_211 : f32 to vector<512x512xf32>
    %mul3A_215 = arith.mulf %mul3A_214, %mul3A_208 : vector<512x512xf32>
    %sub3A_216 = vector.broadcast %add3A_213 : f32 to vector<512x512xf32>
    %sub3A_217 = arith.subf %sub3A_216, %mul3A_215 : vector<512x512xf32>
    %mul3A_218 = arith.mulf %mul3A_208, %sub3A_217 : vector<512x512xf32>
    %get3A_219 = arith.index_cast %add3A_192 : i32 to index
    %get3A_220 = arith.constant 2 : index
    %get3A_221 = memref.load %arg1[%get3A_219, %get3A_220] : memref<16x8xf32, #tpu.memory_space<smem>>
    %add3A_222 = arith.constant 1.000000e+00 : f32
    %add3A_223 = arith.addf %add3A_222, %get3A_221 : f32
    %mul3A_224 = vector.broadcast %get3A_221 : f32 to vector<512x512xf32>
    %mul3A_225 = arith.mulf %mul3A_224, %mul3A_218 : vector<512x512xf32>
    %sub3A_226 = vector.broadcast %add3A_223 : f32 to vector<512x512xf32>
    %sub3A_227 = arith.subf %sub3A_226, %mul3A_225 : vector<512x512xf32>
    %mul3A_228 = arith.mulf %mul3A_218, %sub3A_227 : vector<512x512xf32>
    %get3A_229 = arith.index_cast %add3A_192 : i32 to index
    %get3A_230 = arith.constant 3 : index
    %get3A_231 = memref.load %arg1[%get3A_229, %get3A_230] : memref<16x8xf32, #tpu.memory_space<smem>>
    %add3A_232 = arith.constant 1.000000e+00 : f32
    %add3A_233 = arith.addf %add3A_232, %get3A_231 : f32
    %mul3A_234 = vector.broadcast %get3A_231 : f32 to vector<512x512xf32>
    %mul3A_235 = arith.mulf %mul3A_234, %mul3A_228 : vector<512x512xf32>
    %sub3A_236 = vector.broadcast %add3A_233 : f32 to vector<512x512xf32>
    %sub3A_237 = arith.subf %sub3A_236, %mul3A_235 : vector<512x512xf32>
    %mul3A_238 = arith.mulf %mul3A_228, %sub3A_237 : vector<512x512xf32>
    %get3A_239 = arith.index_cast %add3A_192 : i32 to index
    %get3A_240 = arith.constant 4 : index
    %get3A_241 = memref.load %arg1[%get3A_239, %get3A_240] : memref<16x8xf32, #tpu.memory_space<smem>>
    %add3A_242 = arith.constant 1.000000e+00 : f32
    %add3A_243 = arith.addf %add3A_242, %get3A_241 : f32
    %mul3A_244 = vector.broadcast %get3A_241 : f32 to vector<512x512xf32>
    %mul3A_245 = arith.mulf %mul3A_244, %mul3A_238 : vector<512x512xf32>
    %sub3A_246 = vector.broadcast %add3A_243 : f32 to vector<512x512xf32>
    %sub3A_247 = arith.subf %sub3A_246, %mul3A_245 : vector<512x512xf32>
    %mul3A_248 = arith.mulf %mul3A_238, %sub3A_247 : vector<512x512xf32>
    %get3A_249 = arith.index_cast %add3A_192 : i32 to index
    %get3A_250 = arith.constant 5 : index
    %get3A_251 = memref.load %arg1[%get3A_249, %get3A_250] : memref<16x8xf32, #tpu.memory_space<smem>>
    %add3A_252 = arith.constant 1.000000e+00 : f32
    %add3A_253 = arith.addf %add3A_252, %get3A_251 : f32
    %mul3A_254 = vector.broadcast %get3A_251 : f32 to vector<512x512xf32>
    %mul3A_255 = arith.mulf %mul3A_254, %mul3A_248 : vector<512x512xf32>
    %sub3A_256 = vector.broadcast %add3A_253 : f32 to vector<512x512xf32>
    %sub3A_257 = arith.subf %sub3A_256, %mul3A_255 : vector<512x512xf32>
    %mul3A_258 = arith.mulf %mul3A_248, %sub3A_257 : vector<512x512xf32>
    %get3A_259 = arith.index_cast %add3A_192 : i32 to index
    %get3A_260 = arith.constant 6 : index
    %get3A_261 = memref.load %arg1[%get3A_259, %get3A_260] : memref<16x8xf32, #tpu.memory_space<smem>>
    %add3A_262 = arith.constant 1.000000e+00 : f32
    %add3A_263 = arith.addf %add3A_262, %get3A_261 : f32
    %mul3A_264 = vector.broadcast %get3A_261 : f32 to vector<512x512xf32>
    %mul3A_265 = arith.mulf %mul3A_264, %mul3A_258 : vector<512x512xf32>
    %sub3A_266 = vector.broadcast %add3A_263 : f32 to vector<512x512xf32>
    %sub3A_267 = arith.subf %sub3A_266, %mul3A_265 : vector<512x512xf32>
    %mul3A_268 = arith.mulf %mul3A_258, %sub3A_267 : vector<512x512xf32>
    %get3A_269 = arith.index_cast %add3A_192 : i32 to index
    %get3A_270 = arith.constant 7 : index
    %get3A_271 = memref.load %arg1[%get3A_269, %get3A_270] : memref<16x8xf32, #tpu.memory_space<smem>>
    %add3A_272 = arith.constant 1.000000e+00 : f32
    %add3A_273 = arith.addf %add3A_272, %get3A_271 : f32
    %mul3A_274 = vector.broadcast %get3A_271 : f32 to vector<512x512xf32>
    %mul3A_275 = arith.mulf %mul3A_274, %mul3A_268 : vector<512x512xf32>
    %sub3A_276 = vector.broadcast %add3A_273 : f32 to vector<512x512xf32>
    %sub3A_277 = arith.subf %sub3A_276, %mul3A_275 : vector<512x512xf32>
    %mul3A_278 = arith.mulf %mul3A_268, %sub3A_277 : vector<512x512xf32>
    %swap3A_279 = arith.constant 2 : index
    %swap3A_280 = arith.constant 0 : index
    %swap3A_281 = arith.constant 0 : index
    %swap3A_282 = arith.constant 0 : index
    %swap3A_283 = vector.load %arg3[%swap3A_279, %swap3A_280, %swap3A_281, %swap3A_282] : memref<4x1x512x512xf32, #tpu.memory_space<vmem>>, vector<1x1x512x512xf32>
    %swap3A_284 = vector.shape_cast %swap3A_283 : vector<1x1x512x512xf32> to vector<512x512xf32>
    %swap3A_285 = vector.shape_cast %mul3A_278 : vector<512x512xf32> to vector<1x1x512x512xf32>
    tpu.vector_store %arg3[%swap3A_279, %swap3A_280, %swap3A_281, %swap3A_282], %swap3A_285 {strides = array<i32>} : memref<4x1x512x512xf32, #tpu.memory_space<vmem>>, vector<1x1x512x512xf32>,
    %mul3A_286 = arith.constant 4 : i32
    %mul3A_287 = arith.muli %arg0, %mul3A_286 : i32
    %add3A_288 = arith.constant 3 : i32
    %add3A_289 = arith.addi %mul3A_287, %add3A_288 : i32
    %get3A_290 = arith.constant 3 : index
    %get3A_291 = arith.constant 0 : index
    %get3A_292 = arith.constant 0 : index
    %get3A_293 = arith.constant 0 : index
    %get3A_294 = vector.load %arg2[%get3A_290, %get3A_291, %get3A_292, %get3A_293] : memref<4x1x512x512xf32, #tpu.memory_space<vmem>>, vector<1x1x512x512xf32>
    %get3A_295 = vector.shape_cast %get3A_294 : vector<1x1x512x512xf32> to vector<512x512xf32>
    %get3A_296 = arith.index_cast %add3A_289 : i32 to index
    %get3A_297 = arith.constant 0 : index
    %get3A_298 = memref.load %arg1[%get3A_296, %get3A_297] : memref<16x8xf32, #tpu.memory_space<smem>>
    %add3A_299 = arith.constant 1.000000e+00 : f32
    %add3A_300 = arith.addf %add3A_299, %get3A_298 : f32
    %mul3A_301 = vector.broadcast %get3A_298 : f32 to vector<512x512xf32>
    %mul3A_302 = arith.mulf %mul3A_301, %get3A_295 : vector<512x512xf32>
    %sub3A_303 = vector.broadcast %add3A_300 : f32 to vector<512x512xf32>
    %sub3A_304 = arith.subf %sub3A_303, %mul3A_302 : vector<512x512xf32>
    %mul3A_305 = arith.mulf %get3A_295, %sub3A_304 : vector<512x512xf32>
    %get3A_306 = arith.index_cast %add3A_289 : i32 to index
    %get3A_307 = arith.constant 1 : index
    %get3A_308 = memref.load %arg1[%get3A_306, %get3A_307] : memref<16x8xf32, #tpu.memory_space<smem>>
    %add3A_309 = arith.constant 1.000000e+00 : f32
    %add3A_310 = arith.addf %add3A_309, %get3A_308 : f32
    %mul3A_311 = vector.broadcast %get3A_308 : f32 to vector<512x512xf32>
    %mul3A_312 = arith.mulf %mul3A_311, %mul3A_305 : vector<512x512xf32>
    %sub3A_313 = vector.broadcast %add3A_310 : f32 to vector<512x512xf32>
    %sub3A_314 = arith.subf %sub3A_313, %mul3A_312 : vector<512x512xf32>
    %mul3A_315 = arith.mulf %mul3A_305, %sub3A_314 : vector<512x512xf32>
    %get3A_316 = arith.index_cast %add3A_289 : i32 to index
    %get3A_317 = arith.constant 2 : index
    %get3A_318 = memref.load %arg1[%get3A_316, %get3A_317] : memref<16x8xf32, #tpu.memory_space<smem>>
    %add3A_319 = arith.constant 1.000000e+00 : f32
    %add3A_320 = arith.addf %add3A_319, %get3A_318 : f32
    %mul3A_321 = vector.broadcast %get3A_318 : f32 to vector<512x512xf32>
    %mul3A_322 = arith.mulf %mul3A_321, %mul3A_315 : vector<512x512xf32>
    %sub3A_323 = vector.broadcast %add3A_320 : f32 to vector<512x512xf32>
    %sub3A_324 = arith.subf %sub3A_323, %mul3A_322 : vector<512x512xf32>
    %mul3A_325 = arith.mulf %mul3A_315, %sub3A_324 : vector<512x512xf32>
    %get3A_326 = arith.index_cast %add3A_289 : i32 to index
    %get3A_327 = arith.constant 3 : index
    %get3A_328 = memref.load %arg1[%get3A_326, %get3A_327] : memref<16x8xf32, #tpu.memory_space<smem>>
    %add3A_329 = arith.constant 1.000000e+00 : f32
    %add3A_330 = arith.addf %add3A_329, %get3A_328 : f32
    %mul3A_331 = vector.broadcast %get3A_328 : f32 to vector<512x512xf32>
    %mul3A_332 = arith.mulf %mul3A_331, %mul3A_325 : vector<512x512xf32>
    %sub3A_333 = vector.broadcast %add3A_330 : f32 to vector<512x512xf32>
    %sub3A_334 = arith.subf %sub3A_333, %mul3A_332 : vector<512x512xf32>
    %mul3A_335 = arith.mulf %mul3A_325, %sub3A_334 : vector<512x512xf32>
    %get3A_336 = arith.index_cast %add3A_289 : i32 to index
    %get3A_337 = arith.constant 4 : index
    %get3A_338 = memref.load %arg1[%get3A_336, %get3A_337] : memref<16x8xf32, #tpu.memory_space<smem>>
    %add3A_339 = arith.constant 1.000000e+00 : f32
    %add3A_340 = arith.addf %add3A_339, %get3A_338 : f32
    %mul3A_341 = vector.broadcast %get3A_338 : f32 to vector<512x512xf32>
    %mul3A_342 = arith.mulf %mul3A_341, %mul3A_335 : vector<512x512xf32>
    %sub3A_343 = vector.broadcast %add3A_340 : f32 to vector<512x512xf32>
    %sub3A_344 = arith.subf %sub3A_343, %mul3A_342 : vector<512x512xf32>
    %mul3A_345 = arith.mulf %mul3A_335, %sub3A_344 : vector<512x512xf32>
    %get3A_346 = arith.index_cast %add3A_289 : i32 to index
    %get3A_347 = arith.constant 5 : index
    %get3A_348 = memref.load %arg1[%get3A_346, %get3A_347] : memref<16x8xf32, #tpu.memory_space<smem>>
    %add3A_349 = arith.constant 1.000000e+00 : f32
    %add3A_350 = arith.addf %add3A_349, %get3A_348 : f32
    %mul3A_351 = vector.broadcast %get3A_348 : f32 to vector<512x512xf32>
    %mul3A_352 = arith.mulf %mul3A_351, %mul3A_345 : vector<512x512xf32>
    %sub3A_353 = vector.broadcast %add3A_350 : f32 to vector<512x512xf32>
    %sub3A_354 = arith.subf %sub3A_353, %mul3A_352 : vector<512x512xf32>
    %mul3A_355 = arith.mulf %mul3A_345, %sub3A_354 : vector<512x512xf32>
    %get3A_356 = arith.index_cast %add3A_289 : i32 to index
    %get3A_357 = arith.constant 6 : index
    %get3A_358 = memref.load %arg1[%get3A_356, %get3A_357] : memref<16x8xf32, #tpu.memory_space<smem>>
    %add3A_359 = arith.constant 1.000000e+00 : f32
    %add3A_360 = arith.addf %add3A_359, %get3A_358 : f32
    %mul3A_361 = vector.broadcast %get3A_358 : f32 to vector<512x512xf32>
    %mul3A_362 = arith.mulf %mul3A_361, %mul3A_355 : vector<512x512xf32>
    %sub3A_363 = vector.broadcast %add3A_360 : f32 to vector<512x512xf32>
    %sub3A_364 = arith.subf %sub3A_363, %mul3A_362 : vector<512x512xf32>
    %mul3A_365 = arith.mulf %mul3A_355, %sub3A_364 : vector<512x512xf32>
    %get3A_366 = arith.index_cast %add3A_289 : i32 to index
    %get3A_367 = arith.constant 7 : index
    %get3A_368 = memref.load %arg1[%get3A_366, %get3A_367] : memref<16x8xf32, #tpu.memory_space<smem>>
    %add3A_369 = arith.constant 1.000000e+00 : f32
    %add3A_370 = arith.addf %add3A_369, %get3A_368 : f32
    %mul3A_371 = vector.broadcast %get3A_368 : f32 to vector<512x512xf32>
    %mul3A_372 = arith.mulf %mul3A_371, %mul3A_365 : vector<512x512xf32>
    %sub3A_373 = vector.broadcast %add3A_370 : f32 to vector<512x512xf32>
    %sub3A_374 = arith.subf %sub3A_373, %mul3A_372 : vector<512x512xf32>
    %mul3A_375 = arith.mulf %mul3A_365, %sub3A_374 : vector<512x512xf32>
    %swap3A_376 = arith.constant 3 : index
    %swap3A_377 = arith.constant 0 : index
    %swap3A_378 = arith.constant 0 : index
    %swap3A_379 = arith.constant 0 : index
    %swap3A_380 = vector.load %arg3[%swap3A_376, %swap3A_377, %swap3A_378, %swap3A_379] : memref<4x1x512x512xf32, #tpu.memory_space<vmem>>, vector<1x1x512x512xf32>
    %swap3A_381 = vector.shape_cast %swap3A_380 : vector<1x1x512x512xf32> to vector<512x512xf32>
    %swap3A_382 = vector.shape_cast %mul3A_375 : vector<512x512xf32> to vector<1x1x512x512xf32>
    tpu.vector_store %arg3[%swap3A_376, %swap3A_377, %swap3A_378, %swap3A_379], %swap3A_382 {strides = array<i32>} : memref<4x1x512x512xf32, #tpu.memory_space<vmem>>, vector<1x1x512x512xf32>,
    return
  }
  func.func @transform_0(%arg0: i32) -> (i32, i32) {
    %c0_i32 = arith.constant 0 : i32
    %c0_i32_0 = arith.constant 0 : i32
    %c0_i32_1 = arith.constant 0 : i32
    return %c0_i32, %c0_i32_0 : i32, i32
  }
  func.func @transform_1(%arg0: i32) -> (i32, i32, i32, i32) {
    %c0_i32 = arith.constant 0 : i32
    %c0_i32_0 = arith.constant 0 : i32
    %c0_i32_1 = arith.constant 0 : i32
    %c0_i32_2 = arith.constant 0 : i32
    return %arg0, %c0_i32, %c0_i32_0, %c0_i32_1 : i32, i32, i32, i32
  }
  func.func @transform_2(%arg0: i32) -> (i32, i32, i32, i32) {
    %c0_i32 = arith.constant 0 : i32
    %c0_i32_0 = arith.constant 0 : i32
    %c0_i32_1 = arith.constant 0 : i32
    %c0_i32_2 = arith.constant 0 : i32
    return %arg0, %c0_i32, %c0_i32_0, %c0_i32_1 : i32, i32, i32, i32
  }
}

</mosaic_0001>

<sc_bundles>
// kernel: kernel.5.cloned.1.call-start
scs
__scs_entry_jumppad:
0x0: {  	(pc) =	sbr.rel $0x88, $3  }
0x1: {  	(tag) =	ssettag $0x0;
	lr =	simm.s32 $0x1  }
0x2: {  	[smem:$0x3F95] =	sst lr;
	_ =	strace $0xD0000000  }
0x3: {  	_ = 	snop  }
0x4: {  	_ = 	snop  }
0x5: {  	_ = 	snop  }
0x6: {  	_ = 	snop  }
0x7: {  	_ = 	snop  }
__scs_overlays_trampoline_lowered:
0x8: {  	[smem:$0x3FA4] =	sst s0  }
0x9: {  	[smem:$0x3FA5] =	sst s1  }
0xa: {  	[smem:$0x3FA6] =	sst s2  }
0xb: {  	[smem:$0x3FA7] =	sst s3  }
0xc: {  	[smem:$0x3FA8] =	sst s4  }
0xd: {  	[smem:$0x3FA9] =	sst s5  }
0xe: {  	[smem:$0x3FAA] =	sst s6  }
0xf: {  	[smem:$0x3FAB] =	sst s7  }
0x10: {  	[smem:$0x3FAC] =	sst s8  }
0x11: {  	[smem:$0x3FAD] =	sst s9;
	s0 =	simm.s32 @!p0 $0x0  }
0x12: {  	s1 =	sld [smem:$0x3F93];
	s0 =	simm.s32 @p0 $0x1  }
0x13: {  	[smem:$0x3FAE] =	sst s0;
	s0 =	simm.s32 @!p1 $0x0  }
0x14: {  	s2 =	sld [smem:$0x3F92];
	s0 =	simm.s32 @p1 $0x1  }
0x15: {  	[smem:$0x3FAF] =	sst s0;
	s0 =	simm.s32 @!p2 $0x0  }
0x16: {  	s3 =	sld [smem:$0x3FDB];
	s0 =	simm.s32 @p2 $0x1  }
0x17: {  	s4 =	simm.s32 $0x1BF5;
	[smem:$0x3FB1] =	sst s0  }
0x18: {  	s0 =	sld [smem:$0x3F94];
	_ =	swait.ge [sflag:s4], $0x0  }
0x19: {  	s7 =	sld [smem:$0x3F95]  }
0x1a: {  	s8 =	sadd.s32 $0xFFFFE003, lr  }
0x1b: {  	s9 =	sadd.s32 $0xFFFFFEF7, lr;
	s5 =	simm.s32 $0xFFFFFFFF;
	p2 =	slt.u32 s8, $0xFFFFF086  }
0x1c: {  	p1 =	slt.u32 s9, $0xF7A;
	s5 =	simm.s32 @!p2 $0x0  }
0x1d: {  	s5 =	simm.s32 @p1 $0x1;
	p0 =	seq.s32 s7, s2  }
0x1e: {  	s7 =	smul.u32 @!p0 $0xF7A, s2;
	p2 =	seq.s32 @!p0 s5, $0x0  }
0x1f: {  	s9 =	smul.u32 $0xF7A, s1;
	s8 =	simm.s32 @!p0 $0x1BF5;
	p2 =	por !p2, p0  }
0x20: {  	[sflag:s8] =	ssyncset.s32 @!p0 $0xFFFFF086;
	s6 =	sadd.s32 @!p0 s3, s7;
	s7 =	simm.s32 @!p0 $0x108  }
0x21: {  	s3 =	sadd.s32 s3, s9;
	s6 =	sadd.s32 @!p0 $0x88, s6;
	s7 =	simm.s32 @p2 $0x1082  }
0x22: {  	[simem:s7], [sflag:s8] =	dma.local @!p0 [hbm:s6], $0xF7A  }
0x23: {  	s9 =	sor.u32 $0xD0000000, s2;
	s6 =	simm.s32 $0x108;
	_ =	swait.ge @!p0 [sflag:s8], $0x0  }
0x24: {  	s3 =	sadd.s32 $0x88, s3;
	s6 =	simm.s32 @!p1 $0x1082;
	[sflag:s4] =	ssyncset.s32 $0xFFFFF086  }
0x25: {  	[simem:s6], [sflag:s4] =	dma.local [hbm:s3], $0xF7A  }
0x26: {  	[smem:$0x3F95] =	sst s1;
	(tag) =	ssettag s2;
	_ =	strace s9  }
0x27: {  	s1 =	sld [smem:$0x3FA5]  }
0x28: {  	s2 =	sld [smem:$0x3FA6]  }
0x29: {  	s4 =	sld [smem:$0x3FA8]  }
0x2a: {  	p0 =	seq.s32 s5, $0x0;
	s5 =	sld [smem:$0x3FA9]  }
0x2b: {  	s6 =	sld [smem:$0x3FAA]  }
0x2c: {  	s7 =	sld [smem:$0x3FAB]  }
0x2d: {  	s3 =	simm.s32 $0x108;
	s8 =	sld [smem:$0x3FAC]  }
0x2e: {  	s3 =	simm.s32 @!p0 $0x1082;
	s9 =	sld [smem:$0x3FAD]  }
0x2f: {  	lr =	sadd.s32 s0, s3;
	s0 =	sld [smem:$0x3FA4]  }
0x30: {  	s3 =	sld [smem:$0x3FA7]  }
0x31: {  	[smem:$0x3FB0] =	sst s10  }
0x32: {  	s10 =	sld [smem:$0x3FAE];
	_ =	sdelay $0x3  }
0x33: {  	p0 =	seq.s32 s10, $0x1;
	s10 =	sld [smem:$0x3FB0];
	_ =	sdelay $0x3  }
0x34: {  	[smem:$0x3FB0] =	sst s10  }
0x35: {  	s10 =	sld [smem:$0x3FAF];
	_ =	sdelay $0x3  }
0x36: {  	p1 =	seq.s32 s10, $0x1;
	s10 =	sld [smem:$0x3FB0];
	_ =	sdelay $0x3  }
0x37: {  	[smem:$0x3FB0] =	sst s10  }
0x38: {  	s10 =	sld [smem:$0x3FB1]  }
0x39: {  	_ = 	snop;
	(pc) =	sbr.ind lr, $3  }
0x3a: {  	_ = 	snop  }
0x3b: {  	_ = 	snop  }
0x3c: {  	p2 =	seq.s32 s10, $0x1;
	s10 =	sld [smem:$0x3FB0]  }
0x3d: {  	_ =	shalt  }
0x3e: {  	_ =	shalt  }
0x3f: {  	_ =	shalt  }
0x40: {  	_ =	shalt  }
0x41: {  	_ =	shalt  }
0x42: {  	_ =	shalt  }
0x43: {  	_ =	shalt  }
0x44: {  	_ =	shalt  }
0x45: {  	_ =	shalt  }
0x46: {  	_ =	shalt  }
0x47: {  	_ =	shalt  }
0x48: {  	_ =	shalt  }
0x49: {  	_ =	shalt  }
0x4a: {  	_ =	shalt  }
0x4b: {  	_ =	shalt  }
0x4c: {  	_ =	shalt  }
0x4d: {  	_ =	shalt  }
0x4e: {  	_ =	shalt  }
0x4f: {  	_ =	shalt  }
0x50: {  	_ =	shalt  }
0x51: {  	_ =	shalt  }
0x52: {  	_ =	shalt  }
0x53: {  	_ =	shalt  }
0x54: {  	_ =	shalt  }
0x55: {  	_ =	shalt  }
0x56: {  	_ =	shalt  }
0x57: {  	_ =	shalt  }
0x58: {  	_ =	shalt  }
0x59: {  	_ =	shalt  }
0x5a: {  	_ =	shalt  }
0x5b: {  	_ =	shalt  }
0x5c: {  	_ =	shalt  }
0x5d: {  	_ =	shalt  }
0x5e: {  	_ =	shalt  }
0x5f: {  	_ =	shalt  }
0x60: {  	_ =	shalt  }
0x61: {  	_ =	shalt  }
0x62: {  	_ =	shalt  }
0x63: {  	_ =	shalt  }
0x64: {  	_ =	shalt  }
0x65: {  	_ =	shalt  }
0x66: {  	_ =	shalt  }
0x67: {  	_ =	shalt  }
0x68: {  	_ =	shalt  }
0x69: {  	_ =	shalt  }
0x6a: {  	_ =	shalt  }
0x6b: {  	_ =	shalt  }
0x6c: {  	_ =	shalt  }
0x6d: {  	_ =	shalt  }
0x6e: {  	_ =	shalt  }
0x6f: {  	_ =	shalt  }
0x70: {  	_ =	shalt  }
0x71: {  	_ =	shalt  }
0x72: {  	_ =	shalt  }
0x73: {  	_ =	shalt  }
0x74: {  	_ =	shalt  }
0x75: {  	_ =	shalt  }
0x76: {  	_ =	shalt  }
0x77: {  	_ =	shalt  }
0x78: {  	_ =	shalt  }
0x79: {  	_ =	shalt  }
0x7a: {  	_ =	shalt  }
0x7b: {  	_ =	shalt  }
0x7c: {  	_ =	shalt  }
0x7d: {  	_ =	shalt  }
0x7e: {  	_ =	shalt  }
0x7f: {  	_ =	shalt  }
0x80: {  	_ =	shalt  }
0x81: {  	_ =	shalt  }
0x82: {  	_ =	shalt  }
0x83: {  	_ =	shalt  }
0x84: {  	_ =	shalt  }
0x85: {  	_ =	shalt  }
0x86: {  	_ =	shalt  }
0x87: {  	_ =	shalt  }
.Lfunc_end0:
.L_simem_size_0:
called_computation_lowered:
.L_overlay_start_0:
0x88: {  	s2 =	sld [smem:$0x3FD9]  }
0x89: {  	s3 =	sld [smem:$0x3FFE];
	_ =	sdelay $0x1  }
0x8a: {  	s1 =	srdreg.scid  }
0x8b: {  	s0 =	sand.u32 $0x1, s1  }
0x8c: {  	s17 =	sshll.u32 s0, $0xA;
	s2 =	sadd.s32 s3, s2  }
0x8d: {  	s2 =	sadd.s32 s2, s17  }
0x8e: {  	[smem:$0x3FBC] =	sst s2  }
0x8f: {  	_ = 	snop  }
0x90: {  	s2 =	sld [smem:$0x3FC9]  }
0x91: {  	s18 =	sld [smem:$0x3FD0];
	(tm) =	ssettm $0x1  }
0x92: {  	s4 =	sld [smem:$0x3FFB];
	_ =	sdelay $0x3  }
0x93: {  	_ =	strace s4  }
0x94: {  	s4 =	sld [smem:$0x3FFC];
	_ =	sdelay $0x3  }
0x95: {  	_ =	strace s4  }
0x96: {  	s4 =	sld [smem:$0x3FFD];
	_ =	sdelay $0x3  }
0x97: {  	_ =	strace s4  }
0x98: {  	_ =	strace $0x8FFFFFFF  }
0x99: {  	s19 =	sld [smem:$0x3FDB];
	_ =	sdelay $0x1  }
0x9a: {  	s5 =	simm.s32 $_scs_section_size  }
0x9b: {  	s6 =	simm.s32 $_size__tile_overlayer_lowered;
	s7 =	simm.s32 $_tile_overlayer_lowered  }
0x9c: {  	s22 =	simm.s32 $0x1BFF;
	s21 =	sshll.u32 s7, $0x1;
	s4 =	sadd.s32 s5, s19  }
0x9d: {  	s8 =	simm.s32 $0x0;
	s20 =	sshll.u32 s6, $0x1;
	s6 =	sadd.s32 s21, s4  }
0x9e: {  	[timem:s8], [sflag:s22] =	dma.local [hbm:s6], s20  }
0x9f: {  	_ =	swait.ge [sflag:s22], s20  }
0xa0: {  	s5 =	ssub.s32 $0x0, s20;
	[sflag:s22] =	ssyncset.done $0x0  }
0xa1: {  	[sflag:s22] =	ssyncadd.s32 s5;
	_ =	sdelay $0x1  }
0xa2: {  	s23 =	simm.s32 $0x1B8B  }
0xa3: {  	_ =	swait.ge [sflag:s23], $0x1  }
0xa4: {  	[sflag:s23] =	ssyncset.done $0x0  }
0xa5: {  	s25 =	simm.s32 $0x1B8E;
	s24 =	sld [smem:$0x3FFE];
	[sflag:s23] =	ssyncadd.s32 $0xFFFFFFFF  }
0xa6: {  	s26 =	simm.s32 $execute0_lowered;
	[smem:$0x3FD2] =	sst s25  }
0xa7: {  	s6 =	sshll.u32 s26, $0x1;
	_ =	strace $0x80000046;
	[dreg:$0x1] =	wrdreg $0xFFFFFFFF  }
0xa8: {  	s28 =	simm.s32 $_size_execute0_lowered;
	s4 =	sadd.s32 s4, s6;
	[dreg:$0x0] =	wrdreg $0x0  }
0xa9: {  	s6 =	sshll.u32 s28, $0x1;
	[dreg:$0x2] =	wrdreg s4  }
0xaa: {  	[dreg:$0x3] =	wrdreg s6  }
0xab: {  	[dreg:$0x4] =	wrdreg $0xC0  }
0xac: {  	_ =	task [dreg:s8], $0x5FFFF  }
0xad: {  	[dreg:$0x1] =	wrdreg $0xFFFFFFFF  }
0xae: {  	[dreg:$0x0] =	wrdreg $0x60  }
0xaf: {  	[dreg:$0x2] =	wrdreg s2  }
0xb0: {  	[dreg:$0x3] =	wrdreg s18  }
0xb1: {  	[dreg:$0x4] =	wrdreg s24  }
0xb2: {  	[dreg:$0x5] =	wrdreg $0x114000  }
0xb3: {  	[dreg:$0x6] =	wrdreg $0x114200  }
0xb4: {  	[dreg:$0x7] =	wrdreg $0x9  }
0xb5: {  	_ =	task.clear_ibuf [dreg:s8], $0x8FFFF;
	_ =	strace $0x90000046  }
0xb6: {  	s29 =	simm.s32 $0x9;
	_ =	strace $0x80000048  }
0xb7: {  	_ =	swait.ge [sflag:s29], $0x1  }
0xb8: {  	[sflag:s29] =	ssyncadd.s32 $0xFFFFFFFF  }
0xb9: {  	_ =	strace $0x90000048  }
0xba: {  	_ =	sfence  }
0xbb: {  	s30 =	sld [smem:$0x0];
	_ =	sdelay $0x2  }
0xbc: {  	s31 =	sshll.u32 s1, $0xD;
	s1 =	sshrl.u32 s1, $0x2  }
0xbd: {  	s3 =	sand.u32 $0x4000, s31;
	s1 =	sadd.s32 s1, s30  }
0xbe: {  	s0 =	sor.u32 s3, s0;
	s1 =	sshll.u32 s1, $0x11  }
0xbf: {  	s0 =	sor.u32 s1, s0  }
0xc0: {  	s0 =	sadd.s32 $0x8F2B, s0  }
0xc1: {  	[sflag:s0] =	ssyncadd.remote.s32 $0x1  }
0xc2: {  	_ =	sfence.sel $0xFFFF  }
0xc3: {  	[dreg:$0x0] =	wrdreg $0xFFFFFFFF;
	(pc) =	sbr.abs _section_cstart, $3  }
0xc4: {  	[dreg:$0x1] =	wrdreg $0xFFFFFFFF  }
0xc5: {  	_ =	task.clear_ibuf [dreg:s8], $0x2FFFF;
	_ =	strace $0x9FFFFFFF  }
0xc6: {  	(tm) =	ssettm $0x7FFFFFFF  }
0xc7: {  	_ =	shalt  }
tec
execute0_lowered:
.L_overlay_start_1:
0x0: {  	(tag) =	ssettag $0x1  }
0x1: {  	s0 =	rddreg [dreg:$0x0]  }
0x2: {  	s2 =	rddreg [dreg:$0x1]  }
0x3: {  	s4 =	rddreg [dreg:$0x2]  }
0x4: {  	s8 =	rddreg [dreg:$0x3]  }
0x5: {  	s11 =	rddreg [dreg:$0x4];
	s1 =	srdreg.scid  }
0x6: {  	s17 =	stileid.u32;
	s3 =	simm.s32 $0x0;
	s20 =	simm.s32 $0x3  }
0x7: {  	s22 =	simm.s32 $0x10000;
	s23 =	simm.s32 $0x80;
	s29 =	simm.s32 $0x0  }
0x8: {  	s12 =	sand.u32 $0x1, s1;
	s5 =	sshrl.u32 s17, $0x1;
	[smem:$0x7FF] =	sst s3  }
0x9: {  	v0 =	vimm.f32 $3.855000000e+03;
	vm0 =	vcmask $0x300;
	s24 =	sand.u32 $0x1, s17;
	s16 =	sshll.u32 s17, $0x7;
	s17 =	sshll.u32 s17, $0x8  }
0xa: {  	v0 =	vsel vm0, $0x0, v0;
	vm0 =	vcmask $0x704;
	s13 =	sshll.u32 s5, $0x7;
	s1 =	sshll.u32 s12, $0xA;
	_ =	strace $0x80000047  }
0xb: {  	s7 =	sshll.u32 s12, $0x15;
	s5 =	sshll.u32 s5, $0x12;
	s9 =	ssub.s32 $0x2, s12;
	v0 =	vsel vm0, $0x43808000, v0;
	vm0 =	vcmask $0xB08  }
0xc: {  	s10 =	sshll.u32 s24, $0x11;
	s26 =	sxor.u32 $0x80, s16;
	s17 =	sand.u32 $0x800, s17;
	v0 =	vsel vm0, $0x44008000, v0;
	vm0 =	vcmask $0xF0C  }
0xd: {  	s18 =	sand.u32 $0x380, s16;
	s12 =	sshll.u32 s12, $0xB;
	p0 =	sne.s32 s24, $0x0;
	v0 =	vsel vm0, $0x4440C000, v0;
	vm0 =	vcmask $0x1310  }
0xe: {  	s24 =	simm.s32 $0x400;
	s1 =	sor.u32 s1, s13;
	s5 =	sor.u32 s7, s5;
	v0 =	vsel vm0, $0x44808000, v0;
	vm0 =	vcmask $0x1714  }
0xf: {  	s25 =	sshrl.u32 s9, $0x1;
	s7 =	sadd.s32 s16, s8;
	s8 =	sadd.s32 s26, s8;
	v0 =	vsel vm0, $0x44A0A000, v0;
	vm0 =	vcmask $0x1B18  }
0x10: {  	s17 =	sadd.s32 s17, s11;
	s16 =	sand.u32 $0x300, s16;
	s12 =	sor.u32 s12, s13;
	v0 =	vsel vm0, $0x44C0C000, v0;
	vm0 =	vcmask $0x1F1C  }
0x11: {  	s6 =	sshrl.u32 s1, $0x3;
	s5 =	sor.u32 s10, s5;
	s15 =	ssub.s32 s9, s25;
	v0 =	vsel vm0, $0x44E0E000, v0;
	vm0 =	vcmask $0x2320  }
0x12: {  	s11 =	sadd.s32 s18, s17;
	s28 =	sadd.s32 s16, s17;
	s30 =	sshrl.u32 s12, $0x3;
	v0 =	vsel vm0, $0x45008000, v0;
	vm0 =	vcmask $0x2724  }
0x13: {  	s16 =	simm.s32 $0x8000;
	s17 =	simm.s32 $0x1;
	s18 =	simm.s32 $0x2;
	v0 =	vsel vm0, $0x45109000, v0;
	vm0 =	vcmask $0x2B28  }
.Ltmp0:
0x14: {  	s25 =	simm.s32 $0x11080;
	s14 =	sadd.s32 s6, s4;
	v0 =	vsel vm0, $0x4520A000, v0;
	vm0 =	vcmask $0x2F2C;
	(pc) =	sbr.rel .LBB2_1-.Ltmp0, $4  }
0x15: {  	s10 =	sshrl.u32 s5, $0x3;
	s5 =	sor.u32 $0x8000, s5;
	s31 =	sadd.s32 $0x80, s28;
	v0 =	vsel vm0, $0x4530B000, v0;
	vm0 =	vcmask $0x3330  }
0x16: {  	s2 =	sadd.s32 s2, s30;
	s15 =	smax.u32 s15, $0x1;
	s4 =	sadd.s32 s0, s10;
	v1 =	vsel vm0, $0x4540C000, v0;
	vm0 =	vcmask $0x3734  }
0x17: {  	v2 =	vimm.f32 $1.000000000e+00;
	s9 =	sor.u32 $0x1000, s10;
	s10 =	sor.u32 $0x3000, s10;
	[dreg:$0x6] =	wrdreg s31;
	v1 =	vsel vm0, $0x4550D000, v1;
	vm0 =	vcmask $0x3B38  }
0x18: {  	[dreg:$0x7] =	wrdreg s2;
	s14 =	sadd.s32 $0x2E00, s14;
	s6 =	sadd.s32 $0x2000, s4;
	v0 =	vimm.f32 $0.0e+00;
	v1 =	vsel vm0, $0x4560E000, v1;
	vm0 =	vcmask $0x3F04  }
.LBB2_22:
0x19: {  	s29 =	sadd.s32 $0x1, s29  }
0x1a: {  	p1 =	sne.s32 s29, s15  }
.Ltmp1:
0x1b: {  	_ = 	snop;
	(pc) =	sbr.rel @!p1 .LBB2_23-.Ltmp1, $1  }
0x1c: {  	_ =	sdelay $0x3  }
.LBB2_1:
0x1d: {  	v5 =	vimm.f32 $+Inf;
	v3 =	vimm.f32 $-Inf  }
0x1e: {  	[tilespmem:s3], [sflag:$0x1] =	stream.linear.gather [hbm4b:s4+s3], $0x8000, $0x38;
	v4 =	vimm.f32 $-Inf;
	v13 =	vimm.f32 $+Inf;
	v9 =	vimm.f32 $-Inf;
	[tilespmem:$0x11520] =	vst v63  }
0x1f: {  	p2 =	por $0x1, $0x1;
	v14 =	vimm.f32 $+Inf;
	v6 =	vimm.f32 $-Inf;
	v10 =	vimm.f32 $+Inf;
	s1 =	simm.s32 $0x0  }
.LBB2_3:
0x20: {  	s1 =	sor.u32 s5, s1  }
0x21: {  	s2 =	simm.s32 $0x0;
	s1 =	sshrl.u32 s1, $0x3  }
0x22: {  	s30 =	simm.s32 $0x0;
	s19 =	simm.s32 $0x0;
	s1 =	sadd.s32 s0, s1  }
0x23: {  	[tilespmem:s16], [sflag:$0x2] =	stream.linear.gather [hbm4b:s1+s2], $0x8000, $0x38;
	[tilespmem:$0x11520] =	vst v63  }
0x24: {  	s1 =	sand.u32 $0x7000, s30;
	s2 =	sand.u32 $0xC00, s2;
	_ =	swait.ge [sflag:s17], $0x8000  }
0x25: {  	s19 =	sand.u32 $0x380, s19;
	s1 =	sor.u32 s2, s1;
	[sflag:s17] =	ssyncset.done $0x0  }
0x26: {  	s19 =	sor.u32 s19, s1;
	[sflag:s17] =	ssyncadd.s32 $0xFFFF8000  }
0x27: {  	v12 =	vld [tilespmem:s19+$0x40]  }
0x28: {  	v18 =	vld [tilespmem:s19+$0x50]  }
0x29: {  	v11 =	vld [tilespmem:s19+$0x0]  }
0x2a: {  	v17 =	vld [tilespmem:s19+$0x10]  }
0x2b: {  	s31 =	simm.s32 $0x80;
	s1 =	simm.s32 $0x400;
	v7 =	vld [tilespmem:s19+$0x20]  }
0x2c: {  	s28 =	simm.s32 $0x20;
	s2 =	sand.u32 $0x7000, s31;
	s26 =	sand.u32 $0xC00, s1;
	v8 =	vld [tilespmem:s19+$0x60]  }
0x2d: {  	s28 =	sand.u32 $0x380, s28;
	s2 =	sor.u32 s26, s2;
	v16 =	vld [tilespmem:s19+$0x30]  }
0x2e: {  	v15 =	vld [tilespmem:s19+$0x70];
	s2 =	sor.u32 s28, s2;
	v10 =	vmin.f32 v10, v11  }
0x2f: {  	v19 =	vmax.f32 v6, v11;
	v6 =	vld [tilespmem:s2+$0x40];
	v14 =	vmin.f32 v14, v17;
	v9 =	vmax.f32 v9, v17  }
0x30: {  	v11 =	vmin.f32 v10, v12;
	v12 =	vmax.f32 v19, v12;
	v10 =	vld [tilespmem:s2+$0x50];
	v19 =	vmin.f32 v13, v7  }
0x31: {  	p1 =	por p2, p2;
	s19 =	simm.s32 $0x8;
	v17 =	vld [tilespmem:s2+$0x0];
	v13 =	vmin.f32 v14, v18;
	v14 =	vmax.f32 v9, v18;
	v9 =	vmin.f32 v19, v8  }
.LBB2_4:
0x32: {  	s19 =	sadd.s32 $0x8, s19;
	v18 =	vld [tilespmem:s2+$0x10];
	v4 =	vmax.f32 v4, v7;
	v5 =	vmin.f32 v5, v16;
	v3 =	vmax.f32 v3, v16;
	s1 =	sadd.s32 $0x400, s1  }
0x33: {  	s26 =	sshll.u32 s19, $0x4;
	v7 =	vld [tilespmem:s2+$0x20];
	v4 =	vmax.f32 v4, v8;
	v5 =	vmin.f32 v5, v15;
	v3 =	vmax.f32 v3, v15;
	s28 =	sand.u32 $0xC00, s1  }
0x34: {  	s30 =	sshll.u32 s19, $0x2;
	p2 =	slt.u32 s19, $0x7F8;
	s26 =	sand.u32 $0x7000, s26;
	v8 =	vld [tilespmem:s2+$0x60]  }
.Ltmp2:
0x35: {  	s30 =	sand.u32 $0x380, s30;
	s26 =	sor.u32 s28, s26;
	v16 =	vld [tilespmem:s2+$0x30];
	v19 =	vmov v10;
	(pc) =	sbr.rel @p2 .LBB2_4-.Ltmp2, $4  }
0x36: {  	v10 =	vmin.f32 v11, v17;
	v12 =	vmax.f32 v12, v17;
	v15 =	vld [tilespmem:s2+$0x70];
	s2 =	sor.u32 s30, s26  }
0x37: {  	v11 =	vmin.f32 v10, v6;
	v12 =	vmax.f32 v12, v6;
	v6 =	vld [tilespmem:s2+$0x40]  }
0x38: {  	v13 =	vmin.f32 v13, v18;
	v14 =	vmax.f32 v14, v18;
	v10 =	vld [tilespmem:s2+$0x50];
	v9 =	vmin.f32 v9, v7  }
0x39: {  	v13 =	vmin.f32 v13, v19;
	v14 =	vmax.f32 v14, v19;
	v17 =	vld [tilespmem:s2+$0x0];
	v9 =	vmin.f32 v9, v8  }
0x3a: {  	v18 =	vld [tilespmem:s2+$0x10]  }
0x3b: {  	v19 =	vld [tilespmem:s2+$0x20]  }
0x3c: {  	v20 =	vld [tilespmem:s2+$0x60];
	s1 =	simm.s32 @p1 $0x0  }
0x3d: {  	v21 =	vld [tilespmem:s2+$0x30];
	s28 =	simm.s32 $0x0;
	s30 =	simm.s32 $0x0;
	s19 =	simm.s32 $0x0  }
0x3e: {  	v22 =	vld [tilespmem:s2+$0x70];
	[tilespmem:s1], [sflag:$0x1] =	stream.linear.gather @p1 [hbm4b:s6+s1], $0x8000, $0x38  }
0x3f: {  	s2 =	sand.u32 $0x7000, s30;
	s1 =	sand.u32 $0xC00, s28;
	_ =	swait.ge [sflag:s18], $0x8000  }
0x40: {  	s19 =	sand.u32 $0x380, s19;
	s1 =	sor.u32 s1, s2;
	[sflag:s18] =	ssyncset.done $0x0  }
0x41: {  	s19 =	sor.u32 s19, s1;
	[sflag:s18] =	ssyncadd.s32 $0xFFFF8000  }
0x42: {  	v4 =	vmax.f32 v4, v7;
	v5 =	vmin.f32 v5, v16;
	v7 =	vld [tilespmem:s19+$0x8040]  }
0x43: {  	v3 =	vmax.f32 v3, v16;
	v4 =	vmax.f32 v4, v8;
	v5 =	vmin.f32 v5, v15;
	v23 =	vld [tilespmem:s19+$0x8050]  }
0x44: {  	v8 =	vmax.f32 v3, v15;
	v3 =	vmin.f32 v11, v17;
	v11 =	vmax.f32 v12, v17;
	v12 =	vld [tilespmem:s19+$0x8000]  }
0x45: {  	v15 =	vmin.f32 v3, v6;
	v3 =	vmin.f32 v13, v18;
	v13 =	vmax.f32 v14, v18;
	v17 =	vld [tilespmem:s19+$0x8010]  }
0x46: {  	s31 =	simm.s32 $0x80;
	s1 =	simm.s32 $0x400;
	v11 =	vmax.f32 v11, v6;
	v6 =	vmin.f32 v9, v19;
	v18 =	vmin.f32 v3, v10;
	v3 =	vld [tilespmem:s19+$0x8020]  }
0x47: {  	s28 =	simm.s32 $0x20;
	s2 =	sand.u32 $0x7000, s31;
	s26 =	sand.u32 $0xC00, s1;
	v4 =	vmax.f32 v4, v19;
	v9 =	vmin.f32 v5, v21;
	v5 =	vld [tilespmem:s19+$0x8060];
	v13 =	vmax.f32 v13, v10  }
0x48: {  	s28 =	sand.u32 $0x380, s28;
	s2 =	sor.u32 s26, s2;
	v16 =	vld [tilespmem:s19+$0x8030];
	v10 =	vmax.f32 v8, v21;
	v19 =	vmin.f32 v6, v20;
	v6 =	vmax.f32 v4, v20  }
0x49: {  	v14 =	vld [tilespmem:s19+$0x8070];
	v8 =	vmin.f32 v9, v22;
	s2 =	sor.u32 s28, s2;
	v9 =	vmin.f32 v15, v12;
	v11 =	vmax.f32 v11, v12  }
0x4a: {  	v4 =	vld [tilespmem:s2+$0x8040];
	v15 =	vmax.f32 v10, v22;
	v12 =	vmax.f32 v13, v17;
	v9 =	vmin.f32 v9, v7  }
0x4b: {  	v10 =	vmax.f32 v11, v7;
	v7 =	vld [tilespmem:s2+$0x8050];
	v11 =	vmin.f32 v18, v17;
	v13 =	vmin.f32 v19, v3  }
0x4c: {  	s19 =	simm.s32 $0x8;
	v17 =	vld [tilespmem:s2+$0x8000];
	v12 =	vmax.f32 v12, v23;
	v11 =	vmin.f32 v11, v23;
	v13 =	vmin.f32 v13, v5  }
.LBB2_6:
0x4d: {  	s19 =	sadd.s32 $0x8, s19;
	v18 =	vld [tilespmem:s2+$0x8010];
	v6 =	vmax.f32 v6, v3;
	v8 =	vmin.f32 v8, v16;
	v15 =	vmax.f32 v15, v16;
	s1 =	sadd.s32 $0x400, s1  }
0x4e: {  	s26 =	sshll.u32 s19, $0x4;
	v3 =	vld [tilespmem:s2+$0x8020];
	v6 =	vmax.f32 v6, v5;
	v8 =	vmin.f32 v8, v14;
	v15 =	vmax.f32 v15, v14;
	s28 =	sand.u32 $0xC00, s1  }
0x4f: {  	s30 =	sshll.u32 s19, $0x2;
	p2 =	slt.u32 s19, $0x7F8;
	s26 =	sand.u32 $0x7000, s26;
	v5 =	vld [tilespmem:s2+$0x8060]  }
.Ltmp3:
0x50: {  	s30 =	sand.u32 $0x380, s30;
	s26 =	sor.u32 s28, s26;
	v16 =	vld [tilespmem:s2+$0x8030];
	v19 =	vmov v7;
	(pc) =	sbr.rel @p2 .LBB2_6-.Ltmp3, $4  }
0x51: {  	v7 =	vmin.f32 v9, v17;
	v10 =	vmax.f32 v10, v17;
	v14 =	vld [tilespmem:s2+$0x8070];
	s2 =	sor.u32 s30, s26  }
0x52: {  	v9 =	vmin.f32 v7, v4;
	v10 =	vmax.f32 v10, v4;
	v4 =	vld [tilespmem:s2+$0x8040]  }
0x53: {  	v11 =	vmin.f32 v11, v18;
	v12 =	vmax.f32 v12, v18;
	v7 =	vld [tilespmem:s2+$0x8050];
	v13 =	vmin.f32 v13, v3  }
0x54: {  	v11 =	vmin.f32 v11, v19;
	v12 =	vmax.f32 v12, v19;
	v17 =	vld [tilespmem:s2+$0x8000];
	v13 =	vmin.f32 v13, v5  }
0x55: {  	v18 =	vld [tilespmem:s2+$0x8010]  }
0x56: {  	v19 =	vld [tilespmem:s2+$0x8020]  }
0x57: {  	v3 =	vmax.f32 v6, v3;
	v20 =	vld [tilespmem:s2+$0x8060]  }
0x58: {  	v6 =	vmin.f32 v8, v16;
	v8 =	vmax.f32 v15, v16;
	v3 =	vmax.f32 v3, v5;
	v5 =	vld [tilespmem:s2+$0x8030]  }
0x59: {  	v63 =	vld [tilespmem:s2+$0x8070];
	v15 =	vmin.f32 v6, v14;
	v6 =	vmin.f32 v9, v17;
	v9 =	vmax.f32 v10, v17  }
0x5a: {  	v8 =	vmax.f32 v8, v14;
	v10 =	vmin.f32 v6, v4;
	v6 =	vmax.f32 v9, v4  }
0x5b: {  	v4 =	vmin.f32 v11, v18;
	v9 =	vmax.f32 v12, v18;
	v11 =	vmin.f32 v13, v19  }
0x5c: {  	v3 =	vmax.f32 v3, v19;
	v14 =	vmin.f32 v4, v7;
	v9 =	vmax.f32 v9, v7  }
0x5d: {  	v13 =	vmin.f32 v11, v20;
	v7 =	vmin.f32 v15, v5;
	v8 =	vmax.f32 v8, v5  }
0x5e: {  	v4 =	vmax.f32 v3, v20;
	v5 =	vmin.f32 v7, v63;
	v3 =	vmax.f32 v8, v63  }
.Ltmp4:
0x5f: {  	(pc) =	sbr.rel @p1 .LBB2_3-.Ltmp4, $2  }
0x60: {  	_ =	sdelay $0x2  }
0x61: {  	s1 =	simm.s32 $0x10000;
	p2 =	por $0x0, $0x0  }
0x62: {  	v7 =	vmin.f32 v10, v14;
	v5 =	vmin.f32 v13, v5  }
0x63: {  	v6 =	vmax.f32 v6, v9;
	v3 =	vmax.f32 v4, v3;
	[tilespmem:s3], [sflag:$0x1] =	stream.linear.gather [hbm4b:s4+s3], $0x8000, $0x38;
	v5 =	vmin.f32 v7, v5;
	[tilespmem:$0x11520] =	vst v63  }
0x64: {  	v3 =	vmax.f32 v6, v3;
	[tilespmem:$0x11280] =	vst v5  }
0x65: {  	s1 =	simm.s32 $0x11280;
	[tilespmem:$0x11290] =	vst v3  }
0x66: {  	[spmem:s7] =	stream.linear.scatter [tilespmem:s1], [sflag:$0x3], $0x80, $0x38;
	[tilespmem:$0x11520] =	vst v63  }
0x67: {  	_ =	swait.ge [sflag:s20], $0x80  }
0x68: {  	[sflag:s20] =	ssyncset.done $0x0  }
0x69: {  	[sflag:s20] =	ssyncadd.s32 $0xFFFFFF80  }
0x6a: {  	s31 =	simm.s32 $0x11300;
	[bflag:$0x0] =	sbarrier.arrive $0xFFFF  }
0x6b: {  	[tilespmem:s31], [sflag:$0x3] =	stream.linear.gather [spmem:s8], $0x80, $0x38;
	[tilespmem:$0x11520] =	vst v63  }
0x6c: {  	_ =	swait.ge [sflag:s20], $0x80  }
0x6d: {  	[sflag:s20] =	ssyncset.done $0x0  }
0x6e: {  	[sflag:s20] =	ssyncadd.s32 $0xFFFFFF80  }
0x6f: {  	s1 =	simm.s32 $0x10020;
	v4 =	vld [tilespmem:$0x11300]  }
0x70: {  	v6 =	vld [tilespmem:$0x11310];
	[tilespmem:s1+$0xFFFFFFE0] =	vst v0  }
0x71: {  	[tilespmem:s1+$0x10] =	vst v0  }
0x72: {  	s2 =	simm.s32 $0x0;
	[tilespmem:s1+$0x0] =	vst v0  }
.LBB2_9:
0x73: {  	s2 =	sadd.s32 $0x4, s2  }
0x74: {  	[tilespmem:s1+$0xFFFFFFF0] =	vst v0;
	s1 =	sadd.s32 $0x40, s1;
	p1 =	slt.u32 s2, $0xFC  }
.Ltmp5:
0x75: {  	[tilespmem:s1+$0xFFFFFFE0] =	vst v0;
	(pc) =	sbr.rel @p1 .LBB2_9-.Ltmp5, $3  }
0x76: {  	_ =	sdelay $0x1  }
0x77: {  	[tilespmem:s1+$0x10] =	vst v0  }
0x78: {  	[tilespmem:s1+$0x0] =	vst v0  }
0x79: {  	[tilespmem:s1+$0xFFFFFFF0] =	vst v0;
	s1 =	simm.s32 $0x0  }
.LBB2_11:
0x7a: {  	p1 =	sne.s32 s1, $0x40  }
.Ltmp6:
0x7b: {  	_ = 	snop;
	(pc) =	sbr.rel @p1 .LBB2_11-.Ltmp6, $3  }
0x7c: {  	_ =	sdelay $0x1  }
0x7d: {  	s2 =	sshra.s32 s1, $0x2  }
0x7e: {  	s1 =	sadd.s32 $0x40, s1;
	[tilespmem:s2+$0x11000] =	vst v0  }
0x7f: {  	v4 =	vmin.f32 v5, v4  }
0x80: {  	v3 =	vmax.f32 v3, v6;
	(v2sf) =	vpush v4, $0x0  }
0x81: {  	(v2sf) =	vpush v3, $0x0  }
0x82: {  	(v2sf) =	vpush v4, $0x1  }
0x83: {  	(v2sf) =	vpush v3, $0x1  }
0x84: {  	(v2sf) =	vpush v4, $0x2  }
0x85: {  	(v2sf) =	vpush v3, $0x2  }
0x86: {  	(v2sf) =	vpush v4, $0x3  }
0x87: {  	(v2sf) =	vpush v3, $0x3  }
0x88: {  	(v2sf) =	vpush v4, $0x4  }
0x89: {  	(v2sf) =	vpush v3, $0x4  }
0x8a: {  	(v2sf) =	vpush v4, $0x5  }
0x8b: {  	(v2sf) =	vpush v3, $0x5  }
0x8c: {  	(v2sf) =	vpush v4, $0x6  }
0x8d: {  	(v2sf) =	vpush v3, $0x6  }
0x8e: {  	(v2sf) =	vpush v4, $0x7  }
0x8f: {  	s1 =	spop (v2sf);
	(v2sf) =	vpush v3, $0x7  }
0x90: {  	s2 =	spop (v2sf);
	(v2sf) =	vpush v4, $0x8  }
0x91: {  	s19 =	spop (v2sf);
	(v2sf) =	vpush v3, $0x8  }
0x92: {  	s26 =	spop (v2sf);
	(v2sf) =	vpush v4, $0x9  }
0x93: {  	s1 =	smin.f32 s1, s19;
	s21 =	spop (v2sf);
	(v2sf) =	vpush v3, $0x9  }
0x94: {  	s2 =	smax.f32 s2, s26;
	s28 =	spop (v2sf);
	(v2sf) =	vpush v4, $0xA  }
0x95: {  	s1 =	smin.f32 s1, s21;
	s31 =	spop (v2sf);
	(v2sf) =	vpush v3, $0xA  }
0x96: {  	s2 =	smax.f32 s2, s28;
	s12 =	spop (v2sf);
	(v2sf) =	vpush v4, $0xB  }
0x97: {  	s1 =	smin.f32 s1, s31;
	s13 =	spop (v2sf);
	(v2sf) =	vpush v3, $0xB  }
0x98: {  	s2 =	smax.f32 s2, s12;
	s21 =	spop (v2sf);
	(v2sf) =	vpush v4, $0xC  }
0x99: {  	s1 =	smin.f32 s1, s13;
	s28 =	spop (v2sf);
	(v2sf) =	vpush v3, $0xC  }
0x9a: {  	s2 =	smax.f32 s2, s21;
	s31 =	spop (v2sf);
	(v2sf) =	vpush v4, $0xD  }
0x9b: {  	s1 =	smin.f32 s1, s28;
	s12 =	spop (v2sf);
	(v2sf) =	vpush v3, $0xD  }
0x9c: {  	s2 =	smax.f32 s2, s31;
	s13 =	spop (v2sf);
	(v2sf) =	vpush v4, $0xE  }
0x9d: {  	s1 =	smin.f32 s1, s12;
	s21 =	spop (v2sf);
	(v2sf) =	vpush v3, $0xE  }
0x9e: {  	s2 =	smax.f32 s2, s13;
	s28 =	spop (v2sf);
	(v2sf) =	vpush v4, $0xF  }
0x9f: {  	s1 =	smin.f32 s1, s21;
	s31 =	spop (v2sf);
	(v2sf) =	vpush v3, $0xF  }
0xa0: {  	s2 =	smax.f32 s2, s28;
	s12 =	spop (v2sf)  }
0xa1: {  	s1 =	smin.f32 s1, s31;
	s13 =	spop (v2sf)  }
0xa2: {  	s2 =	smax.f32 s2, s12;
	s21 =	spop (v2sf)  }
0xa3: {  	s1 =	smin.f32 s1, s13;
	s28 =	spop (v2sf)  }
0xa4: {  	s2 =	smax.f32 s2, s21;
	s31 =	spop (v2sf)  }
0xa5: {  	s1 =	smin.f32 s1, s28;
	s12 =	spop (v2sf)  }
0xa6: {  	s2 =	smax.f32 s2, s31;
	s13 =	spop (v2sf)  }
0xa7: {  	s1 =	smin.f32 s1, s12;
	s21 =	spop (v2sf)  }
0xa8: {  	s2 =	smax.f32 s2, s13;
	s28 =	spop (v2sf)  }
0xa9: {  	s1 =	smin.f32 s1, s21;
	s31 =	spop (v2sf)  }
0xaa: {  	s2 =	smax.f32 s2, s28;
	s12 =	spop (v2sf)  }
0xab: {  	s1 =	smin.f32 s1, s31;
	s13 =	spop (v2sf)  }
0xac: {  	s2 =	smax.f32 s2, s12;
	s21 =	spop (v2sf)  }
0xad: {  	s1 =	smin.f32 s1, s13;
	s28 =	spop (v2sf)  }
0xae: {  	s2 =	smax.f32 s2, s21;
	s31 =	spop (v2sf)  }
0xaf: {  	s1 =	smin.f32 s1, s28;
	s30 =	smax.f32 s2, s31  }
0xb0: {  	s2 =	ssub.f32 s30, s1;
	_ =	sdelay $0x1  }
0xb1: {  	p1 =	seq.f32 s2, $0.0e+00;
	_ =	sdelay $0x1  }
0xb2: {  	s2 =	simm.s32 @p1 $0x3F800000  }
0xb3: {  	v3 =	vmov s2  }
0xb4: {  	(erf) = vrcp.f32 v3;
	_ =	sdelay $0x8  }
0xb5: {  	v3 =	vpop (erf)  }
0xb6: {  	v4 =	vmul.f32 $2.560000000e+02, v3;
	_ =	sdelay $0x1  }
0xb7: {  	v5 =	vmul.f32 s1, v4;
	_ =	sdelay $0x1  }
0xb8: {  	p2 =	por $0x1, $0x1;
	v3 =	vmov s1;
	s1 =	smov.u32 s9;
	v5 =	vsub.f32 v1, v5  }
.LBB2_13:
0xb9: {  	s1 =	sadd.s32 s0, s1  }
0xba: {  	s2 =	simm.s32 $0x0;
	s13 =	simm.s32 $0x0;
	s19 =	simm.s32 $0x0  }
0xbb: {  	[tilespmem:s16], [sflag:$0x2] =	stream.linear.gather [hbm4b:s1+s2], $0x8000, $0x38;
	[tilespmem:$0x11520] =	vst v63  }
0xbc: {  	s1 =	sand.u32 $0x7000, s13;
	s2 =	sand.u32 $0xC00, s2;
	_ =	swait.ge [sflag:s17], $0x8000  }
0xbd: {  	s19 =	sand.u32 $0x380, s19;
	s1 =	sor.u32 s2, s1;
	[sflag:s17] =	ssyncset.done $0x0  }
0xbe: {  	s26 =	sor.u32 s19, s1;
	[sflag:s17] =	ssyncadd.s32 $0xFFFF8000  }
0xbf: {  	v6 =	vld [tilespmem:s26+$0x40];
	_ =	sdelay $0x4  }
0xc0: {  	v6 =	vmul.f32 v6, v4;
	_ =	sdelay $0x1  }
0xc1: {  	v6 =	vadd.f32 v6, v5  }
0xc2: {  	v7 =	vld [tilespmem:s26+$0x0]  }
0xc3: {  	v6 =	vtrunc.f32 v6  }
0xc4: {  	v6 =	vcvt.f32.s32 v6  }
0xc5: {  	s21 =	simm.s32 $0x400;
	s19 =	simm.s32 $0x80  }
0xc6: {  	s12 =	simm.s32 $0x20;
	s2 =	sand.u32 $0xC00, s21;
	s1 =	sand.u32 $0x7000, s19  }
0xc7: {  	s19 =	sand.u32 $0x380, s12;
	s1 =	sor.u32 s2, s1;
	v7 =	vmul.f32 v7, v4  }
0xc8: {  	s31 =	sor.u32 s19, s1  }
0xc9: {  	v8 =	vld [tilespmem:s31+$0x40];
	v7 =	vadd.f32 v7, v5  }
0xca: {  	[tilespmem:v6+s22+$0x0] =	vst.idx.add.f32.msk $0xffff, v2  }
0xcb: {  	v6 =	vtrunc.f32 v7;
	v7 =	vld [tilespmem:s26+$0x50]  }
0xcc: {  	v6 =	vcvt.f32.s32 v6;
	_ =	sdelay $0x1  }
0xcd: {  	v8 =	vmul.f32 v8, v4;
	_ =	sdelay $0x1  }
0xce: {  	v8 =	vadd.f32 v8, v5;
	v7 =	vmul.f32 v7, v4  }
0xcf: {  	v9 =	vld [tilespmem:s31+$0x0]  }
0xd0: {  	[tilespmem:v6+s22+$0x0] =	vst.idx.add.f32.msk $0xffff, v2;
	v6 =	vtrunc.f32 v8;
	v7 =	vadd.f32 v7, v5  }
0xd1: {  	v8 =	vld [tilespmem:s26+$0x10];
	v6 =	vcvt.f32.s32 v6  }
0xd2: {  	s13 =	simm.s32 $0x100;
	s19 =	simm.s32 $0x800;
	v7 =	vtrunc.f32 v7  }
0xd3: {  	s21 =	simm.s32 $0x40;
	s1 =	sand.u32 $0x7000, s13;
	s2 =	sand.u32 $0xC00, s19;
	v7 =	vcvt.f32.s32 v7  }
0xd4: {  	s19 =	sand.u32 $0x380, s21;
	s1 =	sor.u32 s2, s1;
	v9 =	vmul.f32 v9, v4  }
0xd5: {  	s1 =	sor.u32 s19, s1  }
0xd6: {  	v10 =	vld [tilespmem:s1+$0x40];
	v9 =	vadd.f32 v9, v5;
	v8 =	vmul.f32 v8, v4  }
0xd7: {  	[tilespmem:v6+s22+$0x0] =	vst.idx.add.f32.msk $0xffff, v2  }
0xd8: {  	v6 =	vtrunc.f32 v9;
	v8 =	vadd.f32 v8, v5;
	v9 =	vld [tilespmem:s31+$0x50]  }
0xd9: {  	v6 =	vcvt.f32.s32 v6;
	[tilespmem:v7+s22+$0x0] =	vst.idx.add.f32.msk $0xffff, v2  }
0xda: {  	v7 =	vtrunc.f32 v8;
	v8 =	vld [tilespmem:s26+$0x60]  }
0xdb: {  	v10 =	vmul.f32 v10, v4;
	v7 =	vcvt.f32.s32 v7;
	_ =	sdelay $0x1  }
0xdc: {  	v10 =	vadd.f32 v10, v5;
	v9 =	vmul.f32 v9, v4  }
0xdd: {  	v11 =	vld [tilespmem:s1+$0x0]  }
0xde: {  	[tilespmem:v6+s22+$0x0] =	vst.idx.add.f32.msk $0xffff, v2;
	v6 =	vtrunc.f32 v10;
	v9 =	vadd.f32 v9, v5;
	v8 =	vmul.f32 v8, v4  }
0xdf: {  	v10 =	vld [tilespmem:s31+$0x10];
	v6 =	vcvt.f32.s32 v6  }
0xe0: {  	s12 =	simm.s32 $0x180;
	s13 =	simm.s32 $0xC00;
	[tilespmem:v7+s22+$0x0] =	vst.idx.add.f32.msk $0xffff, v2;
	v7 =	vtrunc.f32 v9;
	v8 =	vadd.f32 v8, v5  }
0xe1: {  	s28 =	simm.s32 $0x60;
	s2 =	sand.u32 $0x7000, s12;
	s19 =	sand.u32 $0xC00, s13;
	v9 =	vld [tilespmem:s26+$0x20];
	v7 =	vcvt.f32.s32 v7  }
0xe2: {  	s28 =	sand.u32 $0x380, s28;
	s2 =	sor.u32 s19, s2;
	v11 =	vmul.f32 v11, v4;
	v8 =	vtrunc.f32 v8  }
0xe3: {  	s2 =	sor.u32 s28, s2;
	v8 =	vcvt.f32.s32 v8  }
0xe4: {  	v12 =	vld [tilespmem:s2+$0x40];
	v11 =	vadd.f32 v11, v5;
	v10 =	vmul.f32 v10, v4  }
0xe5: {  	[tilespmem:v6+s22+$0x0] =	vst.idx.add.f32.msk $0xffff, v2  }
0xe6: {  	v6 =	vtrunc.f32 v11;
	v10 =	vadd.f32 v10, v5;
	v11 =	vld [tilespmem:s1+$0x50];
	v9 =	vmul.f32 v9, v4  }
0xe7: {  	v6 =	vcvt.f32.s32 v6;
	[tilespmem:v7+s22+$0x0] =	vst.idx.add.f32.msk $0xffff, v2  }
0xe8: {  	v7 =	vtrunc.f32 v10;
	v10 =	vld [tilespmem:s31+$0x60];
	v9 =	vadd.f32 v9, v5  }
0xe9: {  	v7 =	vcvt.f32.s32 v7;
	[tilespmem:v8+s22+$0x0] =	vst.idx.add.f32.msk $0xffff, v2;
	v8 =	vmul.f32 v12, v4  }
0xea: {  	v9 =	vtrunc.f32 v9;
	v12 =	vld [tilespmem:s26+$0x70]  }
0xeb: {  	v11 =	vmul.f32 v11, v4;
	v9 =	vcvt.f32.s32 v9;
	v8 =	vadd.f32 v8, v5  }
0xec: {  	v13 =	vld [tilespmem:s2+$0x0]  }
0xed: {  	[tilespmem:v6+s22+$0x0] =	vst.idx.add.f32.msk $0xffff, v2;
	v10 =	vmul.f32 v10, v4;
	v6 =	vtrunc.f32 v8;
	v8 =	vadd.f32 v11, v5  }
0xee: {  	v11 =	vld [tilespmem:s1+$0x10];
	v6 =	vcvt.f32.s32 v6  }
0xef: {  	[tilespmem:v7+s22+$0x0] =	vst.idx.add.f32.msk $0xffff, v2;
	v7 =	vtrunc.f32 v8;
	v8 =	vadd.f32 v10, v5;
	v10 =	vmul.f32 v12, v4  }
0xf0: {  	v12 =	vld [tilespmem:s31+$0x20];
	v7 =	vcvt.f32.s32 v7  }
0xf1: {  	s21 =	simm.s32 $0x200;
	s28 =	simm.s32 $0x1000;
	[tilespmem:v9+s22+$0x0] =	vst.idx.add.f32.msk $0xffff, v2;
	v8 =	vtrunc.f32 v8;
	v9 =	vadd.f32 v10, v5  }
0xf2: {  	s12 =	simm.s32 $0x80;
	s19 =	sand.u32 $0x7000, s21;
	s21 =	sand.u32 $0xC00, s28;
	v13 =	vmul.f32 v13, v4;
	v10 =	vld [tilespmem:s26+$0x30];
	v8 =	vcvt.f32.s32 v8  }
0xf3: {  	s12 =	sand.u32 $0x380, s12;
	s19 =	sor.u32 s21, s19;
	v9 =	vtrunc.f32 v9  }
0xf4: {  	v13 =	vadd.f32 v13, v5;
	s26 =	sor.u32 s12, s19;
	[tilespmem:v6+s22+$0x0] =	vst.idx.add.f32.msk $0xffff, v2;
	v6 =	vcvt.f32.s32 v9;
	v9 =	vmul.f32 v11, v4  }
0xf5: {  	v14 =	vld [tilespmem:s26+$0x40]  }
0xf6: {  	v11 =	vtrunc.f32 v13;
	v12 =	vmul.f32 v12, v4;
	[tilespmem:v7+s22+$0x0] =	vst.idx.add.f32.msk $0xffff, v2;
	v7 =	vadd.f32 v9, v5  }
0xf7: {  	v13 =	vld [tilespmem:s2+$0x50];
	v11 =	vcvt.f32.s32 v11;
	v9 =	vmul.f32 v10, v4  }
0xf8: {  	v10 =	vadd.f32 v12, v5;
	[tilespmem:v8+s22+$0x0] =	vst.idx.add.f32.msk $0xffff, v2;
	v8 =	vtrunc.f32 v7  }
0xf9: {  	v15 =	vld [tilespmem:s1+$0x60];
	v12 =	vadd.f32 v9, v5;
	v9 =	vcvt.f32.s32 v8  }
0xfa: {  	v14 =	vmul.f32 v14, v4;
	v7 =	vld [tilespmem:s31+$0x70];
	v8 =	vtrunc.f32 v10  }
0xfb: {  	[tilespmem:v6+s22+$0x0] =	vst.idx.add.f32.msk $0xffff, v2;
	v8 =	vcvt.f32.s32 v8  }
0xfc: {  	v10 =	vadd.f32 v14, v5;
	v6 =	vtrunc.f32 v12;
	v12 =	vld [tilespmem:s26+$0x0];
	v13 =	vmul.f32 v13, v4  }
0xfd: {  	v6 =	vcvt.f32.s32 v6;
	[tilespmem:v11+s22+$0x0] =	vst.idx.add.f32.msk $0xffff, v2  }
0xfe: {  	p1 =	por p2, p2;
	s19 =	simm.s32 $0x20;
	v14 =	vtrunc.f32 v10;
	v10 =	vld [tilespmem:s2+$0x10];
	v13 =	vadd.f32 v13, v5;
	v11 =	vmul.f32 v15, v4  }
.LBB2_14:
0xff: {  	s19 =	sadd.s32 $0x8, s19;
	v14 =	vcvt.f32.s32 v14;
	[tilespmem:v9+s22+$0x0] =	vst.idx.add.f32.msk $0xffff, v2  }
0x100: {  	s28 =	sadd.s32 $0x400, s28;
	v7 =	vmul.f32 v7, v4;
	s12 =	sshll.u32 s19, $0x4;
	v9 =	vtrunc.f32 v13;
	v13 =	vld [tilespmem:s1+$0x20];
	v11 =	vadd.f32 v11, v5  }
0x101: {  	s21 =	sand.u32 $0xC00, s28;
	s13 =	sshll.u32 s19, $0x2;
	s12 =	sand.u32 $0x7000, s12;
	v12 =	vmul.f32 v12, v4;
	v9 =	vcvt.f32.s32 v9;
	[tilespmem:v8+s22+$0x0] =	vst.idx.add.f32.msk $0xffff, v2  }
0x102: {  	s13 =	sand.u32 $0x380, s13;
	v7 =	vadd.f32 v7, v5;
	s12 =	sor.u32 s21, s12;
	v8 =	vtrunc.f32 v11;
	v11 =	vld [tilespmem:s31+$0x30];
	s31 =	smov.u32 s1  }
0x103: {  	p2 =	slt.u32 s19, $0x7F8;
	s1 =	smov.u32 s2;
	s12 =	sor.u32 s13, s12;
	v12 =	vadd.f32 v12, v5;
	v10 =	vmul.f32 v10, v4;
	v8 =	vcvt.f32.s32 v8;
	[tilespmem:v6+s22+$0x0] =	vst.idx.add.f32.msk $0xffff, v2  }
0x104: {  	s2 =	smov.u32 s26;
	v7 =	vtrunc.f32 v7;
	v6 =	vld [tilespmem:s12+$0x40];
	s26 =	smov.u32 s12  }
0x105: {  	v12 =	vtrunc.f32 v12;
	[tilespmem:v14+s22+$0x0] =	vst.idx.add.f32.msk $0xffff, v2;
	v10 =	vadd.f32 v10, v5;
	v14 =	vcvt.f32.s32 v7  }
0x106: {  	v7 =	vmul.f32 v13, v4;
	v15 =	vcvt.f32.s32 v12;
	v16 =	vld [tilespmem:s2+$0x50]  }
0x107: {  	v10 =	vtrunc.f32 v10;
	[tilespmem:v9+s22+$0x0] =	vst.idx.add.f32.msk $0xffff, v2;
	v11 =	vmul.f32 v11, v4  }
0x108: {  	v7 =	vadd.f32 v7, v5;
	v9 =	vcvt.f32.s32 v10;
	v17 =	vld [tilespmem:s1+$0x60]  }
0x109: {  	[tilespmem:v8+s22+$0x0] =	vst.idx.add.f32.msk $0xffff, v2;
	v10 =	vadd.f32 v11, v5  }
.Ltmp7:
0x10a: {  	v6 =	vmul.f32 v6, v4;
	v8 =	vtrunc.f32 v7;
	v7 =	vld [tilespmem:s31+$0x70];
	(pc) =	sbr.rel @p2 .LBB2_14-.Ltmp7, $4  }
0x10b: {  	v8 =	vcvt.f32.s32 v8;
	v10 =	vtrunc.f32 v10;
	[tilespmem:v14+s22+$0x0] =	vst.idx.add.f32.msk $0xffff, v2  }
0x10c: {  	v11 =	vadd.f32 v6, v5;
	v13 =	vmul.f32 v16, v4;
	v12 =	vld [tilespmem:s26+$0x0];
	v6 =	vcvt.f32.s32 v10  }
0x10d: {  	[tilespmem:v15+s22+$0x0] =	vst.idx.add.f32.msk $0xffff, v2  }
0x10e: {  	v14 =	vtrunc.f32 v11;
	v13 =	vadd.f32 v13, v5;
	v11 =	vmul.f32 v17, v4;
	v10 =	vld [tilespmem:s2+$0x10]  }
0x10f: {  	_ =	sdelay $0x1  }
0x110: {  	v12 =	vmul.f32 v12, v4;
	_ =	sdelay $0x1  }
0x111: {  	v14 =	vcvt.f32.s32 v14;
	v12 =	vadd.f32 v12, v5;
	_ =	sdelay $0x1  }
0x112: {  	v12 =	vtrunc.f32 v12  }
0x113: {  	v12 =	vcvt.f32.s32 v12;
	_ =	sdelay $0x2  }
0x114: {  	[tilespmem:v14+s22+$0x0] =	vst.idx.add.f32.msk $0xffff, v2  }
0x115: {  	v14 =	vld [tilespmem:s26+$0x50]  }
0x116: {  	v10 =	vmul.f32 v10, v4  }
0x117: {  	[tilespmem:v12+s22+$0x0] =	vst.idx.add.f32.msk $0xffff, v2  }
0x118: {  	v13 =	vtrunc.f32 v13;
	v10 =	vadd.f32 v10, v5;
	v12 =	vld [tilespmem:s26+$0x10]  }
0x119: {  	v13 =	vcvt.f32.s32 v13  }
0x11a: {  	v10 =	vtrunc.f32 v10;
	v14 =	vmul.f32 v14, v4  }
0x11b: {  	v10 =	vcvt.f32.s32 v10  }
0x11c: {  	v14 =	vadd.f32 v14, v5  }
0x11d: {  	v12 =	vmul.f32 v12, v4  }
0x11e: {  	[tilespmem:v9+s22+$0x0] =	vst.idx.add.f32.msk $0xffff, v2;
	v14 =	vtrunc.f32 v14  }
0x11f: {  	[tilespmem:v13+s22+$0x0] =	vst.idx.add.f32.msk $0xffff, v2;
	v9 =	vcvt.f32.s32 v14;
	v12 =	vadd.f32 v12, v5  }
0x120: {  	v13 =	vld [tilespmem:s2+$0x60]  }
0x121: {  	[tilespmem:v10+s22+$0x0] =	vst.idx.add.f32.msk $0xffff, v2;
	v12 =	vtrunc.f32 v12  }
0x122: {  	v10 =	vld [tilespmem:s2+$0x20];
	v12 =	vcvt.f32.s32 v12  }
0x123: {  	v14 =	vld [tilespmem:s1+$0x20];
	_ =	sdelay $0x1  }
0x124: {  	v11 =	vadd.f32 v11, v5;
	v13 =	vmul.f32 v13, v4;
	[tilespmem:v9+s22+$0x0] =	vst.idx.add.f32.msk $0xffff, v2  }
0x125: {  	v9 =	vld [tilespmem:s26+$0x60]  }
0x126: {  	v11 =	vtrunc.f32 v11;
	v13 =	vadd.f32 v13, v5;
	v10 =	vmul.f32 v10, v4  }
0x127: {  	v11 =	vcvt.f32.s32 v11;
	v14 =	vmul.f32 v14, v4;
	[tilespmem:v12+s22+$0x0] =	vst.idx.add.f32.msk $0xffff, v2  }
0x128: {  	v13 =	vtrunc.f32 v13;
	v10 =	vadd.f32 v10, v5;
	v12 =	vld [tilespmem:s26+$0x20]  }
0x129: {  	[tilespmem:v8+s22+$0x0] =	vst.idx.add.f32.msk $0xffff, v2;
	v8 =	vcvt.f32.s32 v13;
	v14 =	vadd.f32 v14, v5  }
0x12a: {  	v10 =	vtrunc.f32 v10;
	v9 =	vmul.f32 v9, v4  }
0x12b: {  	v14 =	vtrunc.f32 v14;
	v10 =	vcvt.f32.s32 v10  }
0x12c: {  	v14 =	vcvt.f32.s32 v14;
	v9 =	vadd.f32 v9, v5  }
0x12d: {  	[tilespmem:v11+s22+$0x0] =	vst.idx.add.f32.msk $0xffff, v2;
	v12 =	vmul.f32 v12, v4  }
0x12e: {  	v11 =	vld [tilespmem:s1+$0x70];
	v9 =	vtrunc.f32 v9  }
0x12f: {  	v13 =	vld [tilespmem:s31+$0x30];
	v9 =	vcvt.f32.s32 v9;
	v12 =	vadd.f32 v12, v5  }
0x130: {  	[tilespmem:v8+s22+$0x0] =	vst.idx.add.f32.msk $0xffff, v2  }
0x131: {  	[tilespmem:v10+s22+$0x0] =	vst.idx.add.f32.msk $0xffff, v2;
	v12 =	vtrunc.f32 v12  }
0x132: {  	[tilespmem:v14+s22+$0x0] =	vst.idx.add.f32.msk $0xffff, v2;
	v8 =	vcvt.f32.s32 v12  }
0x133: {  	v10 =	vld [tilespmem:s2+$0x30]  }
0x134: {  	v7 =	vmul.f32 v7, v4;
	v14 =	vld [tilespmem:s1+$0x30]  }
0x135: {  	[tilespmem:v9+s22+$0x0] =	vst.idx.add.f32.msk $0xffff, v2  }
0x136: {  	v7 =	vadd.f32 v7, v5;
	v11 =	vmul.f32 v11, v4;
	v12 =	vld [tilespmem:s2+$0x70]  }
0x137: {  	v9 =	vld [tilespmem:s26+$0x70]  }
0x138: {  	v7 =	vtrunc.f32 v7;
	v11 =	vadd.f32 v11, v5;
	v13 =	vmul.f32 v13, v4;
	[tilespmem:v8+s22+$0x0] =	vst.idx.add.f32.msk $0xffff, v2  }
0x139: {  	v7 =	vcvt.f32.s32 v7;
	v8 =	vld [tilespmem:s26+$0x30]  }
0x13a: {  	v11 =	vtrunc.f32 v11;
	v13 =	vadd.f32 v13, v5;
	v10 =	vmul.f32 v10, v4  }
0x13b: {  	v11 =	vcvt.f32.s32 v11;
	v14 =	vmul.f32 v14, v4  }
0x13c: {  	v13 =	vtrunc.f32 v13;
	v10 =	vadd.f32 v10, v5;
	v12 =	vmul.f32 v12, v4  }
0x13d: {  	v13 =	vcvt.f32.s32 v13;
	v14 =	vadd.f32 v14, v5;
	v9 =	vmul.f32 v9, v4  }
0x13e: {  	v10 =	vtrunc.f32 v10;
	v12 =	vadd.f32 v12, v5;
	v8 =	vmul.f32 v8, v4  }
0x13f: {  	[tilespmem:v6+s22+$0x0] =	vst.idx.add.f32.msk $0xffff, v2;
	v14 =	vtrunc.f32 v14;
	v6 =	vcvt.f32.s32 v10;
	v9 =	vadd.f32 v9, v5  }
0x140: {  	v14 =	vcvt.f32.s32 v14;
	v12 =	vtrunc.f32 v12;
	v8 =	vadd.f32 v8, v5  }
0x141: {  	v9 =	vtrunc.f32 v9;
	v12 =	vcvt.f32.s32 v12  }
0x142: {  	[tilespmem:v7+s22+$0x0] =	vst.idx.add.f32.msk $0xffff, v2;
	v7 =	vcvt.f32.s32 v9;
	v8 =	vtrunc.f32 v8  }
0x143: {  	[tilespmem:v11+s22+$0x0] =	vst.idx.add.f32.msk $0xffff, v2;
	v8 =	vcvt.f32.s32 v8  }
0x144: {  	[tilespmem:v13+s22+$0x0] =	vst.idx.add.f32.msk $0xffff, v2  }
0x145: {  	[tilespmem:v6+s22+$0x0] =	vst.idx.add.f32.msk $0xffff, v2  }
0x146: {  	[tilespmem:v14+s22+$0x0] =	vst.idx.add.f32.msk $0xffff, v2  }
0x147: {  	[tilespmem:v12+s22+$0x0] =	vst.idx.add.f32.msk $0xffff, v2  }
0x148: {  	s12 =	simm.s32 $0x0;
	[tilespmem:v7+s22+$0x0] =	vst.idx.add.f32.msk $0xffff, v2  }
0x149: {  	s1 =	simm.s32 @p1 $0x0;
	s2 =	sand.u32 $0x7000, s12;
	s26 =	simm.s32 $0x0;
	[tilespmem:v8+s22+$0x0] =	vst.idx.add.f32.msk $0xffff, v2  }
0x14a: {  	[tilespmem:s1], [sflag:$0x1] =	stream.linear.gather @p1 [hbm4b:s6+s1], $0x8000, $0x38;
	[tilespmem:$0x11520] =	vst v63  }
0x14b: {  	s12 =	simm.s32 $0x0;
	s1 =	sand.u32 $0xC00, s26;
	_ =	swait.ge [sflag:s18], $0x8000  }
0x14c: {  	s12 =	sand.u32 $0x380, s12;
	s1 =	sor.u32 s1, s2;
	[sflag:s18] =	ssyncset.done $0x0  }
0x14d: {  	s26 =	sor.u32 s12, s1;
	[sflag:s18] =	ssyncadd.s32 $0xFFFF8000  }
0x14e: {  	v6 =	vld [tilespmem:s26+$0x8040];
	_ =	sdelay $0x4  }
0x14f: {  	v6 =	vmul.f32 v6, v4;
	_ =	sdelay $0x1  }
0x150: {  	v6 =	vadd.f32 v6, v5  }
0x151: {  	v7 =	vld [tilespmem:s26+$0x8000]  }
0x152: {  	v6 =	vtrunc.f32 v6  }
0x153: {  	v6 =	vcvt.f32.s32 v6  }
0x154: {  	s13 =	simm.s32 $0x80;
	s19 =	simm.s32 $0x400  }
0x155: {  	s21 =	simm.s32 $0x20;
	s2 =	sand.u32 $0xC00, s19;
	s1 =	sand.u32 $0x7000, s13  }
0x156: {  	s12 =	sand.u32 $0x380, s21;
	s1 =	sor.u32 s2, s1;
	v7 =	vmul.f32 v7, v4  }
0x157: {  	s31 =	sor.u32 s12, s1  }
0x158: {  	v8 =	vld [tilespmem:s31+$0x8040];
	v7 =	vadd.f32 v7, v5  }
0x159: {  	[tilespmem:v6+s22+$0x0] =	vst.idx.add.f32.msk $0xffff, v2  }
0x15a: {  	v6 =	vtrunc.f32 v7;
	v7 =	vld [tilespmem:s26+$0x8050]  }
0x15b: {  	v6 =	vcvt.f32.s32 v6;
	_ =	sdelay $0x1  }
0x15c: {  	v8 =	vmul.f32 v8, v4;
	_ =	sdelay $0x1  }
0x15d: {  	v8 =	vadd.f32 v8, v5;
	v7 =	vmul.f32 v7, v4  }
0x15e: {  	v9 =	vld [tilespmem:s31+$0x8000]  }
0x15f: {  	[tilespmem:v6+s22+$0x0] =	vst.idx.add.f32.msk $0xffff, v2;
	v6 =	vtrunc.f32 v8;
	v7 =	vadd.f32 v7, v5  }
0x160: {  	v8 =	vld [tilespmem:s26+$0x8010];
	v6 =	vcvt.f32.s32 v6  }
0x161: {  	s19 =	simm.s32 $0x800;
	s13 =	simm.s32 $0x100;
	v7 =	vtrunc.f32 v7  }
0x162: {  	s21 =	simm.s32 $0x40;
	s2 =	sand.u32 $0xC00, s19;
	s1 =	sand.u32 $0x7000, s13;
	v7 =	vcvt.f32.s32 v7  }
0x163: {  	s12 =	sand.u32 $0x380, s21;
	s1 =	sor.u32 s2, s1;
	v9 =	vmul.f32 v9, v4  }
0x164: {  	s1 =	sor.u32 s12, s1  }
0x165: {  	v10 =	vld [tilespmem:s1+$0x8040];
	v9 =	vadd.f32 v9, v5;
	v8 =	vmul.f32 v8, v4  }
0x166: {  	[tilespmem:v6+s22+$0x0] =	vst.idx.add.f32.msk $0xffff, v2  }
0x167: {  	v6 =	vtrunc.f32 v9;
	v8 =	vadd.f32 v8, v5;
	v9 =	vld [tilespmem:s31+$0x8050]  }
0x168: {  	v6 =	vcvt.f32.s32 v6;
	[tilespmem:v7+s22+$0x0] =	vst.idx.add.f32.msk $0xffff, v2  }
0x169: {  	v7 =	vtrunc.f32 v8;
	v8 =	vld [tilespmem:s26+$0x8060]  }
0x16a: {  	v10 =	vmul.f32 v10, v4;
	v7 =	vcvt.f32.s32 v7;
	_ =	sdelay $0x1  }
0x16b: {  	v10 =	vadd.f32 v10, v5;
	v9 =	vmul.f32 v9, v4  }
0x16c: {  	v11 =	vld [tilespmem:s1+$0x8000]  }
0x16d: {  	[tilespmem:v6+s22+$0x0] =	vst.idx.add.f32.msk $0xffff, v2;
	v6 =	vtrunc.f32 v10;
	v9 =	vadd.f32 v9, v5;
	v8 =	vmul.f32 v8, v4  }
0x16e: {  	v10 =	vld [tilespmem:s31+$0x8010];
	v6 =	vcvt.f32.s32 v6  }
0x16f: {  	s13 =	simm.s32 $0xC00;
	s12 =	simm.s32 $0x180;
	[tilespmem:v7+s22+$0x0] =	vst.idx.add.f32.msk $0xffff, v2;
	v7 =	vtrunc.f32 v9;
	v8 =	vadd.f32 v8, v5  }
0x170: {  	s2 =	sand.u32 $0x7000, s12;
	s12 =	sand.u32 $0xC00, s13;
	s13 =	simm.s32 $0x60;
	v9 =	vld [tilespmem:s26+$0x8020];
	v7 =	vcvt.f32.s32 v7  }
0x171: {  	s13 =	sand.u32 $0x380, s13;
	s2 =	sor.u32 s12, s2;
	v11 =	vmul.f32 v11, v4;
	v8 =	vtrunc.f32 v8  }
0x172: {  	s2 =	sor.u32 s13, s2;
	v8 =	vcvt.f32.s32 v8  }
0x173: {  	v12 =	vld [tilespmem:s2+$0x8040];
	v11 =	vadd.f32 v11, v5;
	v10 =	vmul.f32 v10, v4  }
0x174: {  	[tilespmem:v6+s22+$0x0] =	vst.idx.add.f32.msk $0xffff, v2  }
0x175: {  	v6 =	vtrunc.f32 v11;
	v10 =	vadd.f32 v10, v5;
	v11 =	vld [tilespmem:s1+$0x8050];
	v9 =	vmul.f32 v9, v4  }
0x176: {  	v6 =	vcvt.f32.s32 v6;
	[tilespmem:v7+s22+$0x0] =	vst.idx.add.f32.msk $0xffff, v2  }
0x177: {  	v7 =	vtrunc.f32 v10;
	v10 =	vld [tilespmem:s31+$0x8060];
	v9 =	vadd.f32 v9, v5  }
0x178: {  	v7 =	vcvt.f32.s32 v7;
	[tilespmem:v8+s22+$0x0] =	vst.idx.add.f32.msk $0xffff, v2;
	v8 =	vmul.f32 v12, v4  }
0x179: {  	v9 =	vtrunc.f32 v9;
	v12 =	vld [tilespmem:s26+$0x8070]  }
0x17a: {  	v11 =	vmul.f32 v11, v4;
	v9 =	vcvt.f32.s32 v9;
	v8 =	vadd.f32 v8, v5  }
0x17b: {  	v13 =	vld [tilespmem:s2+$0x8000]  }
0x17c: {  	[tilespmem:v6+s22+$0x0] =	vst.idx.add.f32.msk $0xffff, v2;
	v10 =	vmul.f32 v10, v4;
	v6 =	vtrunc.f32 v8;
	v8 =	vadd.f32 v11, v5  }
0x17d: {  	v11 =	vld [tilespmem:s1+$0x8010];
	v6 =	vcvt.f32.s32 v6  }
0x17e: {  	[tilespmem:v7+s22+$0x0] =	vst.idx.add.f32.msk $0xffff, v2;
	v7 =	vtrunc.f32 v8;
	v8 =	vadd.f32 v10, v5;
	v10 =	vmul.f32 v12, v4  }
0x17f: {  	v12 =	vld [tilespmem:s31+$0x8020];
	v7 =	vcvt.f32.s32 v7  }
0x180: {  	s28 =	simm.s32 $0x1000;
	s19 =	simm.s32 $0x200;
	[tilespmem:v9+s22+$0x0] =	vst.idx.add.f32.msk $0xffff, v2;
	v8 =	vtrunc.f32 v8;
	v9 =	vadd.f32 v10, v5  }
0x181: {  	s21 =	sand.u32 $0xC00, s28;
	s12 =	sand.u32 $0x7000, s19;
	s19 =	simm.s32 $0x80;
	v13 =	vmul.f32 v13, v4;
	v10 =	vld [tilespmem:s26+$0x8030];
	v8 =	vcvt.f32.s32 v8  }
0x182: {  	s19 =	sand.u32 $0x380, s19;
	s12 =	sor.u32 s21, s12;
	v9 =	vtrunc.f32 v9  }
0x183: {  	v13 =	vadd.f32 v13, v5;
	s26 =	sor.u32 s19, s12;
	[tilespmem:v6+s22+$0x0] =	vst.idx.add.f32.msk $0xffff, v2;
	v6 =	vcvt.f32.s32 v9;
	v9 =	vmul.f32 v11, v4  }
0x184: {  	v14 =	vld [tilespmem:s26+$0x8040]  }
0x185: {  	v11 =	vtrunc.f32 v13;
	v12 =	vmul.f32 v12, v4;
	[tilespmem:v7+s22+$0x0] =	vst.idx.add.f32.msk $0xffff, v2;
	v7 =	vadd.f32 v9, v5  }
0x186: {  	v13 =	vld [tilespmem:s2+$0x8050];
	v11 =	vcvt.f32.s32 v11;
	v9 =	vmul.f32 v10, v4  }
0x187: {  	v10 =	vadd.f32 v12, v5;
	[tilespmem:v8+s22+$0x0] =	vst.idx.add.f32.msk $0xffff, v2;
	v8 =	vtrunc.f32 v7  }
0x188: {  	v15 =	vld [tilespmem:s1+$0x8060];
	v12 =	vadd.f32 v9, v5;
	v9 =	vcvt.f32.s32 v8  }
0x189: {  	v14 =	vmul.f32 v14, v4;
	v7 =	vld [tilespmem:s31+$0x8070];
	v8 =	vtrunc.f32 v10  }
0x18a: {  	[tilespmem:v6+s22+$0x0] =	vst.idx.add.f32.msk $0xffff, v2;
	v8 =	vcvt.f32.s32 v8  }
0x18b: {  	v10 =	vadd.f32 v14, v5;
	v6 =	vtrunc.f32 v12;
	v12 =	vld [tilespmem:s26+$0x8000];
	v13 =	vmul.f32 v13, v4  }
0x18c: {  	v6 =	vcvt.f32.s32 v6;
	[tilespmem:v11+s22+$0x0] =	vst.idx.add.f32.msk $0xffff, v2  }
0x18d: {  	s19 =	simm.s32 $0x20;
	v14 =	vtrunc.f32 v10;
	v10 =	vld [tilespmem:s2+$0x8010];
	v13 =	vadd.f32 v13, v5;
	v11 =	vmul.f32 v15, v4  }
.LBB2_16:
0x18e: {  	s19 =	sadd.s32 $0x8, s19;
	v14 =	vcvt.f32.s32 v14;
	[tilespmem:v9+s22+$0x0] =	vst.idx.add.f32.msk $0xffff, v2  }
0x18f: {  	s28 =	sadd.s32 $0x400, s28;
	v7 =	vmul.f32 v7, v4;
	s12 =	sshll.u32 s19, $0x4;
	v9 =	vtrunc.f32 v13;
	v13 =	vld [tilespmem:s1+$0x8020];
	v11 =	vadd.f32 v11, v5  }
0x190: {  	s13 =	sand.u32 $0xC00, s28;
	s21 =	sshll.u32 s19, $0x2;
	s12 =	sand.u32 $0x7000, s12;
	v12 =	vmul.f32 v12, v4;
	v9 =	vcvt.f32.s32 v9;
	[tilespmem:v8+s22+$0x0] =	vst.idx.add.f32.msk $0xffff, v2  }
0x191: {  	s21 =	sand.u32 $0x380, s21;
	v7 =	vadd.f32 v7, v5;
	s12 =	sor.u32 s13, s12;
	v8 =	vtrunc.f32 v11;
	v11 =	vld [tilespmem:s31+$0x8030];
	s31 =	smov.u32 s1  }
0x192: {  	p2 =	slt.u32 s19, $0x7F8;
	s1 =	smov.u32 s2;
	s12 =	sor.u32 s21, s12;
	v12 =	vadd.f32 v12, v5;
	v10 =	vmul.f32 v10, v4;
	v8 =	vcvt.f32.s32 v8;
	[tilespmem:v6+s22+$0x0] =	vst.idx.add.f32.msk $0xffff, v2  }
0x193: {  	s2 =	smov.u32 s26;
	v7 =	vtrunc.f32 v7;
	v6 =	vld [tilespmem:s12+$0x8040];
	s26 =	smov.u32 s12  }
0x194: {  	v12 =	vtrunc.f32 v12;
	[tilespmem:v14+s22+$0x0] =	vst.idx.add.f32.msk $0xffff, v2;
	v10 =	vadd.f32 v10, v5;
	v14 =	vcvt.f32.s32 v7  }
0x195: {  	v7 =	vmul.f32 v13, v4;
	v15 =	vcvt.f32.s32 v12;
	v16 =	vld [tilespmem:s2+$0x8050]  }
0x196: {  	v10 =	vtrunc.f32 v10;
	[tilespmem:v9+s22+$0x0] =	vst.idx.add.f32.msk $0xffff, v2;
	v11 =	vmul.f32 v11, v4  }
0x197: {  	v7 =	vadd.f32 v7, v5;
	v9 =	vcvt.f32.s32 v10;
	v17 =	vld [tilespmem:s1+$0x8060]  }
0x198: {  	[tilespmem:v8+s22+$0x0] =	vst.idx.add.f32.msk $0xffff, v2;
	v10 =	vadd.f32 v11, v5  }
.Ltmp8:
0x199: {  	v6 =	vmul.f32 v6, v4;
	v8 =	vtrunc.f32 v7;
	v7 =	vld [tilespmem:s31+$0x8070];
	(pc) =	sbr.rel @p2 .LBB2_16-.Ltmp8, $4  }
0x19a: {  	v8 =	vcvt.f32.s32 v8;
	v10 =	vtrunc.f32 v10;
	[tilespmem:v14+s22+$0x0] =	vst.idx.add.f32.msk $0xffff, v2  }
0x19b: {  	v11 =	vadd.f32 v6, v5;
	v13 =	vmul.f32 v16, v4;
	v12 =	vld [tilespmem:s26+$0x8000];
	v6 =	vcvt.f32.s32 v10  }
0x19c: {  	[tilespmem:v15+s22+$0x0] =	vst.idx.add.f32.msk $0xffff, v2  }
0x19d: {  	v14 =	vtrunc.f32 v11;
	v13 =	vadd.f32 v13, v5;
	v11 =	vmul.f32 v17, v4;
	v10 =	vld [tilespmem:s2+$0x8010]  }
0x19e: {  	_ =	sdelay $0x1  }
0x19f: {  	v12 =	vmul.f32 v12, v4;
	_ =	sdelay $0x1  }
0x1a0: {  	v12 =	vadd.f32 v12, v5  }
0x1a1: {  	v14 =	vcvt.f32.s32 v14  }
0x1a2: {  	v12 =	vtrunc.f32 v12  }
0x1a3: {  	v12 =	vcvt.f32.s32 v12;
	_ =	sdelay $0x3  }
0x1a4: {  	[tilespmem:v14+s22+$0x0] =	vst.idx.add.f32.msk $0xffff, v2  }
0x1a5: {  	v14 =	vld [tilespmem:s26+$0x8050]  }
0x1a6: {  	[tilespmem:v12+s22+$0x0] =	vst.idx.add.f32.msk $0xffff, v2  }
0x1a7: {  	v12 =	vld [tilespmem:s26+$0x8010]  }
0x1a8: {  	v13 =	vtrunc.f32 v13;
	v10 =	vmul.f32 v10, v4  }
0x1a9: {  	v13 =	vcvt.f32.s32 v13  }
0x1aa: {  	v10 =	vadd.f32 v10, v5;
	v14 =	vmul.f32 v14, v4;
	_ =	sdelay $0x1  }
0x1ab: {  	v10 =	vtrunc.f32 v10;
	v14 =	vadd.f32 v14, v5;
	v12 =	vmul.f32 v12, v4  }
0x1ac: {  	v10 =	vcvt.f32.s32 v10  }
0x1ad: {  	v14 =	vtrunc.f32 v14;
	v12 =	vadd.f32 v12, v5  }
0x1ae: {  	[tilespmem:v13+s22+$0x0] =	vst.idx.add.f32.msk $0xffff, v2;
	v58 =	vcvt.f32.s32 v14  }
0x1af: {  	v13 =	vld [tilespmem:s2+$0x8060];
	v12 =	vtrunc.f32 v12  }
0x1b0: {  	[tilespmem:v9+s22+$0x0] =	vst.idx.add.f32.msk $0xffff, v2;
	v12 =	vcvt.f32.s32 v12  }
0x1b1: {  	v59 =	vld [tilespmem:s1+$0x8020]  }
0x1b2: {  	[tilespmem:v10+s22+$0x0] =	vst.idx.add.f32.msk $0xffff, v2  }
0x1b3: {  	v10 =	vld [tilespmem:s2+$0x8020]  }
0x1b4: {  	v11 =	vadd.f32 v11, v5;
	v13 =	vmul.f32 v13, v4;
	[tilespmem:v58+s22+$0x0] =	vst.idx.add.f32.msk $0xffff, v2  }
0x1b5: {  	v9 =	vld [tilespmem:s26+$0x8060]  }
0x1b6: {  	v11 =	vtrunc.f32 v11;
	v13 =	vadd.f32 v13, v5;
	v14 =	vmul.f32 v59, v4;
	[tilespmem:v12+s22+$0x0] =	vst.idx.add.f32.msk $0xffff, v2  }
0x1b7: {  	v11 =	vcvt.f32.s32 v11;
	v12 =	vld [tilespmem:s26+$0x8020]  }
0x1b8: {  	v13 =	vtrunc.f32 v13;
	v14 =	vadd.f32 v14, v5;
	v10 =	vmul.f32 v10, v4  }
0x1b9: {  	v60 =	vcvt.f32.s32 v13  }
0x1ba: {  	v14 =	vtrunc.f32 v14;
	v10 =	vadd.f32 v10, v5;
	v9 =	vmul.f32 v9, v4  }
0x1bb: {  	[tilespmem:v8+s22+$0x0] =	vst.idx.add.f32.msk $0xffff, v2;
	v14 =	vcvt.f32.s32 v14  }
0x1bc: {  	v61 =	vld [tilespmem:s31+$0x8030];
	v10 =	vtrunc.f32 v10;
	v9 =	vadd.f32 v9, v5;
	v12 =	vmul.f32 v12, v4  }
0x1bd: {  	[tilespmem:v11+s22+$0x0] =	vst.idx.add.f32.msk $0xffff, v2;
	v10 =	vcvt.f32.s32 v10  }
0x1be: {  	v11 =	vld [tilespmem:s1+$0x8070];
	v9 =	vtrunc.f32 v9;
	v12 =	vadd.f32 v12, v5  }
0x1bf: {  	[tilespmem:v60+s22+$0x0] =	vst.idx.add.f32.msk $0xffff, v2;
	v9 =	vcvt.f32.s32 v9  }
0x1c0: {  	v63 =	vld [tilespmem:s2+$0x8070];
	v12 =	vtrunc.f32 v12  }
0x1c1: {  	[tilespmem:v14+s22+$0x0] =	vst.idx.add.f32.msk $0xffff, v2;
	v62 =	vcvt.f32.s32 v12  }
0x1c2: {  	v14 =	vld [tilespmem:s1+$0x8030]  }
0x1c3: {  	v7 =	vmul.f32 v7, v4;
	[tilespmem:v10+s22+$0x0] =	vst.idx.add.f32.msk $0xffff, v2  }
0x1c4: {  	v10 =	vld [tilespmem:s2+$0x8030]  }
0x1c5: {  	v7 =	vadd.f32 v7, v5;
	v11 =	vmul.f32 v11, v4;
	[tilespmem:v9+s22+$0x0] =	vst.idx.add.f32.msk $0xffff, v2  }
0x1c6: {  	v9 =	vld [tilespmem:s26+$0x8070]  }
0x1c7: {  	v7 =	vtrunc.f32 v7;
	v11 =	vadd.f32 v11, v5;
	v13 =	vmul.f32 v61, v4;
	[tilespmem:v62+s22+$0x0] =	vst.idx.add.f32.msk $0xffff, v2  }
0x1c8: {  	v7 =	vcvt.f32.s32 v7;
	v8 =	vld [tilespmem:s26+$0x8030]  }
0x1c9: {  	v11 =	vtrunc.f32 v11;
	v13 =	vadd.f32 v13, v5;
	v14 =	vmul.f32 v14, v4  }
0x1ca: {  	v11 =	vcvt.f32.s32 v11;
	v10 =	vmul.f32 v10, v4  }
0x1cb: {  	v13 =	vtrunc.f32 v13;
	v14 =	vadd.f32 v14, v5;
	v12 =	vmul.f32 v63, v4  }
0x1cc: {  	v13 =	vcvt.f32.s32 v13;
	v10 =	vadd.f32 v10, v5;
	v9 =	vmul.f32 v9, v4  }
0x1cd: {  	v14 =	vtrunc.f32 v14;
	v12 =	vadd.f32 v12, v5;
	v8 =	vmul.f32 v8, v4  }
0x1ce: {  	v14 =	vcvt.f32.s32 v14;
	v10 =	vtrunc.f32 v10;
	v9 =	vadd.f32 v9, v5  }
0x1cf: {  	[tilespmem:v6+s22+$0x0] =	vst.idx.add.f32.msk $0xffff, v2;
	v6 =	vcvt.f32.s32 v10;
	v12 =	vtrunc.f32 v12;
	v8 =	vadd.f32 v8, v5  }
0x1d0: {  	v12 =	vcvt.f32.s32 v12;
	v9 =	vtrunc.f32 v9  }
0x1d1: {  	[tilespmem:v7+s22+$0x0] =	vst.idx.add.f32.msk $0xffff, v2;
	v7 =	vcvt.f32.s32 v9;
	v8 =	vtrunc.f32 v8  }
0x1d2: {  	[tilespmem:v11+s22+$0x0] =	vst.idx.add.f32.msk $0xffff, v2;
	v8 =	vcvt.f32.s32 v8  }
0x1d3: {  	[tilespmem:v13+s22+$0x0] =	vst.idx.add.f32.msk $0xffff, v2  }
.Ltmp9:
0x1d4: {  	[tilespmem:v14+s22+$0x0] =	vst.idx.add.f32.msk $0xffff, v2;
	(pc) =	sbr.rel @p1 .LBB2_13-.Ltmp9, $4  }
0x1d5: {  	[tilespmem:v6+s22+$0x0] =	vst.idx.add.f32.msk $0xffff, v2  }
0x1d6: {  	[tilespmem:v12+s22+$0x0] =	vst.idx.add.f32.msk $0xffff, v2  }
0x1d7: {  	[tilespmem:v7+s22+$0x0] =	vst.idx.add.f32.msk $0xffff, v2  }
0x1d8: {  	p2 =	por $0x0, $0x0;
	s1 =	smov.u32 s10;
	[tilespmem:v8+s22+$0x0] =	vst.idx.add.f32.msk $0xffff, v2  }
0x1d9: {  	s2 =	simm.s32 $0x0  }
0x1da: {  	v4 =	vld [tilespmem:s2+$0x10000];
	_ =	sdelay $0x1  }
0x1db: {  	v5 =	vld [tilespmem:s2+$0x10101];
	_ =	sdelay $0x1  }
0x1dc: {  	v6 =	vld [tilespmem:s2+$0x10202]  }
0x1dd: {  	v4 =	vadd.f32 $0.0e+00, v4  }
0x1de: {  	v7 =	vld [tilespmem:s2+$0x10303]  }
0x1df: {  	v4 =	vadd.f32 v5, v4  }
0x1e0: {  	v5 =	vld [tilespmem:s2+$0x10404]  }
0x1e1: {  	v4 =	vadd.f32 v6, v4  }
0x1e2: {  	v6 =	vld [tilespmem:s2+$0x10505]  }
0x1e3: {  	v4 =	vadd.f32 v7, v4  }
0x1e4: {  	v7 =	vld [tilespmem:s2+$0x10606]  }
0x1e5: {  	v4 =	vadd.f32 v5, v4  }
0x1e6: {  	s1 =	simm.s32 $0x10;
	v5 =	vld [tilespmem:s2+$0x10707]  }
0x1e7: {  	v8 =	vld [tilespmem:s1+$0x10000];
	v4 =	vadd.f32 v6, v4  }
0x1e8: {  	v6 =	vld [tilespmem:s2+$0x10808]  }
0x1e9: {  	v9 =	vld [tilespmem:s1+$0x10101];
	v4 =	vadd.f32 v7, v4  }
0x1ea: {  	v7 =	vld [tilespmem:s2+$0x10909]  }
0x1eb: {  	v10 =	vld [tilespmem:s1+$0x10202];
	v4 =	vadd.f32 v5, v4  }
0x1ec: {  	v5 =	vld [tilespmem:s2+$0x10A0A]  }
0x1ed: {  	v11 =	vld [tilespmem:s1+$0x10303];
	v8 =	vadd.f32 $0.0e+00, v8;
	v4 =	vadd.f32 v6, v4  }
0x1ee: {  	v6 =	vld [tilespmem:s2+$0x10B0B]  }
0x1ef: {  	v12 =	vld [tilespmem:s1+$0x10404];
	v8 =	vadd.f32 v9, v8;
	v4 =	vadd.f32 v7, v4  }
0x1f0: {  	v9 =	vld [tilespmem:s2+$0x10C0C]  }
0x1f1: {  	v13 =	vld [tilespmem:s1+$0x10505];
	v7 =	vadd.f32 v10, v8;
	v4 =	vadd.f32 v5, v4  }
0x1f2: {  	v10 =	vld [tilespmem:s2+$0x10D0D]  }
0x1f3: {  	v5 =	vadd.f32 v11, v7;
	v7 =	vld [tilespmem:s1+$0x10606];
	v6 =	vadd.f32 v6, v4  }
0x1f4: {  	v4 =	vld [tilespmem:s2+$0x10E0E]  }
0x1f5: {  	v8 =	vld [tilespmem:s1+$0x10707];
	v11 =	vadd.f32 v12, v5;
	v63 =	vadd.f32 v9, v6  }
0x1f6: {  	v5 =	vld [tilespmem:s2+$0x10F0F]  }
0x1f7: {  	s26 =	simm.s32 $0x20;
	s19 =	simm.s32 $0xC0;
	v9 =	vadd.f32 v13, v11;
	v6 =	vld [tilespmem:s1+$0x10808];
	v10 =	vadd.f32 v10, v63  }
.LBB2_19:
0x1f8: {  	p1 =	sne.s32 s19, $0x3C0;
	v11 =	vld [tilespmem:s26+$0x10000]  }
0x1f9: {  	v7 =	vadd.f32 v7, v9;
	v9 =	vld [tilespmem:s1+$0x10909];
	v4 =	vadd.f32 v4, v10  }
0x1fa: {  	v10 =	vld [tilespmem:s26+$0x10101]  }
0x1fb: {  	v7 =	vadd.f32 v8, v7;
	v8 =	vld [tilespmem:s1+$0x10A0A];
	v4 =	vadd.f32 v5, v4  }
0x1fc: {  	v5 =	vld [tilespmem:s26+$0x10202]  }
0x1fd: {  	v11 =	vadd.f32 $0.0e+00, v11;
	v6 =	vadd.f32 v6, v7;
	v7 =	vld [tilespmem:s1+$0x10B0B];
	[tilespmem:s2+$0x11080] =	vst v4;
	s2 =	smov.u32 s1;
	s1 =	smov.u32 s26  }
0x1fe: {  	v4 =	vld [tilespmem:s1+$0x10303]  }
0x1ff: {  	v10 =	vadd.f32 v10, v11;
	v6 =	vadd.f32 v9, v6;
	v9 =	vld [tilespmem:s2+$0x10C0C]  }
0x200: {  	v11 =	vld [tilespmem:s1+$0x10404]  }
0x201: {  	v5 =	vadd.f32 v5, v10;
	v6 =	vadd.f32 v8, v6;
	v10 =	vld [tilespmem:s2+$0x10D0D]  }
0x202: {  	v12 =	vld [tilespmem:s1+$0x10505]  }
.Ltmp10:
0x203: {  	v5 =	vadd.f32 v4, v5;
	v6 =	vadd.f32 v7, v6;
	v4 =	vld [tilespmem:s2+$0x10E0E];
	(pc) =	sbr.rel @p1 .LBB2_19-.Ltmp10, $4  }
0x204: {  	v7 =	vld [tilespmem:s1+$0x10606]  }
0x205: {  	v11 =	vadd.f32 v11, v5;
	v13 =	vadd.f32 v9, v6;
	v5 =	vld [tilespmem:s2+$0x10F0F]  }
0x206: {  	v8 =	vld [tilespmem:s1+$0x10707]  }
0x207: {  	s26 =	sshra.s32 s19, $0x2;
	s19 =	sadd.s32 $0x40, s19;
	v9 =	vadd.f32 v12, v11;
	v6 =	vld [tilespmem:s1+$0x10808];
	v10 =	vadd.f32 v10, v13  }
0x208: {  	v11 =	vld [tilespmem:s26+$0x10000]  }
0x209: {  	v12 =	vld [tilespmem:s1+$0x10909];
	v4 =	vadd.f32 v4, v10  }
0x20a: {  	v49 =	vld [tilespmem:s26+$0x10101]  }
0x20b: {  	v13 =	vld [tilespmem:s1+$0x10A0A];
	v7 =	vadd.f32 v7, v9;
	v4 =	vadd.f32 v5, v4  }
0x20c: {  	v5 =	vld [tilespmem:s26+$0x10202]  }
0x20d: {  	v50 =	vld [tilespmem:s1+$0x10B0B];
	v7 =	vadd.f32 v8, v7;
	v51 =	vadd.f32 $0.0e+00, v11;
	[tilespmem:s2+$0x11080] =	vst v4  }
0x20e: {  	v4 =	vld [tilespmem:s26+$0x10303]  }
0x20f: {  	v6 =	vadd.f32 v6, v7;
	v52 =	vadd.f32 v49, v51  }
0x210: {  	v53 =	vld [tilespmem:s26+$0x10404]  }
0x211: {  	v54 =	vld [tilespmem:s1+$0x10C0C];
	v6 =	vadd.f32 v12, v6;
	v5 =	vadd.f32 v5, v52  }
0x212: {  	v55 =	vld [tilespmem:s26+$0x10505]  }
0x213: {  	v56 =	vld [tilespmem:s1+$0x10D0D];
	v6 =	vadd.f32 v13, v6;
	v4 =	vadd.f32 v4, v5  }
0x214: {  	v5 =	vld [tilespmem:s26+$0x10606]  }
0x215: {  	v57 =	vld [tilespmem:s1+$0x10E0E];
	v6 =	vadd.f32 v50, v6;
	v4 =	vadd.f32 v53, v4  }
0x216: {  	v58 =	vld [tilespmem:s26+$0x10707]  }
0x217: {  	v59 =	vld [tilespmem:s1+$0x10F0F];
	v6 =	vadd.f32 v54, v6;
	v4 =	vadd.f32 v55, v4  }
0x218: {  	v60 =	vld [tilespmem:s26+$0x10808]  }
0x219: {  	v6 =	vadd.f32 v56, v6;
	v4 =	vadd.f32 v5, v4  }
0x21a: {  	v5 =	vld [tilespmem:s26+$0x10909]  }
0x21b: {  	v6 =	vadd.f32 v57, v6;
	v4 =	vadd.f32 v58, v4  }
0x21c: {  	v61 =	vld [tilespmem:s26+$0x10A0A]  }
0x21d: {  	v6 =	vadd.f32 v59, v6;
	v4 =	vadd.f32 v60, v4  }
0x21e: {  	v62 =	vld [tilespmem:s26+$0x10B0B]  }
0x21f: {  	[tilespmem:s1+$0x11080] =	vst v6;
	v4 =	vadd.f32 v5, v4  }
0x220: {  	v5 =	vld [tilespmem:s26+$0x10C0C]  }
0x221: {  	v4 =	vadd.f32 v61, v4  }
0x222: {  	v6 =	vld [tilespmem:s26+$0x10D0D]  }
0x223: {  	v4 =	vadd.f32 v62, v4  }
0x224: {  	v63 =	vld [tilespmem:s26+$0x10E0E]  }
0x225: {  	v4 =	vadd.f32 v5, v4  }
0x226: {  	v5 =	vld [tilespmem:s26+$0x10F0F]  }
0x227: {  	v4 =	vadd.f32 v6, v4;
	_ =	sdelay $0x1  }
0x228: {  	v4 =	vadd.f32 v63, v4;
	_ =	sdelay $0x1  }
0x229: {  	v4 =	vadd.f32 v5, v4;
	_ =	sdelay $0x1  }
0x22a: {  	[tilespmem:s26+$0x11080] =	vst v4  }
0x22b: {  	[spmem:s11] =	stream.strided.scatter [tilespmem:s25], [sflag:$0x3], $0x100, s24, s23, $0x38;
	[tilespmem:$0x11520] =	vst v63  }
.Ltmp11:
0x22c: {  	_ =	swait.ge [sflag:s20], $0x100;
	(pc) =	sbr.rel @p0 .LBB2_22-.Ltmp11, $3  }
0x22d: {  	[sflag:s20] =	ssyncset.done $0x0  }
0x22e: {  	[sflag:s20] =	ssyncadd.s32 $0xFFFFFF00  }
0x22f: {  	[bflag:$0x0] =	sbarrier.arrive $0xFFFF;
	_ =	sdelay $0x1  }
0x230: {  	s1 =	rddreg [dreg:$0x6];
	s2 =	simm.s32 $0x11180  }
0x231: {  	[tilespmem:s2], [sflag:$0x3] =	stream.strided.gather [spmem:s1], $0x100, s24, s23, $0x38;
	[tilespmem:$0x11520] =	vst v63  }
0x232: {  	_ =	swait.ge [sflag:s20], $0x100  }
0x233: {  	[sflag:s20] =	ssyncset.done $0x0  }
0x234: {  	[sflag:s20] =	ssyncadd.s32 $0xFFFFFF00  }
0x235: {  	v4 =	vld [tilespmem:$0x11080]  }
0x236: {  	v5 =	vld [tilespmem:$0x11180]  }
0x237: {  	v6 =	vld [tilespmem:$0x11090]  }
0x238: {  	v7 =	vld [tilespmem:$0x11190]  }
0x239: {  	v8 =	vld [tilespmem:$0x110A0]  }
0x23a: {  	v9 =	vld [tilespmem:$0x111A0]  }
0x23b: {  	v10 =	vld [tilespmem:$0x110B0]  }
0x23c: {  	v11 =	vld [tilespmem:$0x111B0]  }
0x23d: {  	v12 =	vld [tilespmem:$0x110C0]  }
0x23e: {  	v13 =	vld [tilespmem:$0x111C0]  }
0x23f: {  	v14 =	vld [tilespmem:$0x110D0]  }
0x240: {  	v15 =	vld [tilespmem:$0x111D0]  }
0x241: {  	v16 =	vld [tilespmem:$0x110E0]  }
0x242: {  	v17 =	vld [tilespmem:$0x111E0]  }
0x243: {  	v18 =	vld [tilespmem:$0x110F0]  }
0x244: {  	v19 =	vld [tilespmem:$0x111F0]  }
0x245: {  	v20 =	vld [tilespmem:$0x11100]  }
0x246: {  	v21 =	vld [tilespmem:$0x11200]  }
0x247: {  	v22 =	vld [tilespmem:$0x11110]  }
0x248: {  	v23 =	vld [tilespmem:$0x11210]  }
0x249: {  	v24 =	vld [tilespmem:$0x11120]  }
0x24a: {  	v32 =	vld [tilespmem:$0x11220];
	v4 =	vadd.f32 v5, v4  }
0x24b: {  	v33 =	vld [tilespmem:$0x11130];
	v6 =	vadd.f32 v7, v6  }
0x24c: {  	v34 =	vld [tilespmem:$0x11230];
	v8 =	vadd.f32 v9, v8;
	v4 =	vmul.f32 $3.814697270e-06, v4  }
0x24d: {  	v41 =	vld [tilespmem:$0x11150];
	v10 =	vadd.f32 v11, v10;
	v6 =	vmul.f32 $3.814697270e-06, v6  }
0x24e: {  	v44 =	vld [tilespmem:$0x11250];
	v37 =	vadd.f32 v13, v12;
	v36 =	vmul.f32 $3.814697270e-06, v8;
	[tilespmem:$0x11080] =	vst v4  }
0x24f: {  	v47 =	vld [tilespmem:$0x11160];
	v40 =	vadd.f32 v15, v14;
	v39 =	vmul.f32 $3.814697270e-06, v10;
	[tilespmem:$0x11090] =	vst v6  }
0x250: {  	v50 =	vld [tilespmem:$0x11260];
	v43 =	vadd.f32 v17, v16;
	v42 =	vmul.f32 $3.814697270e-06, v37;
	[tilespmem:$0x110A0] =	vst v36  }
0x251: {  	v53 =	vld [tilespmem:$0x11170];
	v46 =	vadd.f32 v19, v18;
	v45 =	vmul.f32 $3.814697270e-06, v40;
	[tilespmem:$0x110B0] =	vst v39  }
0x252: {  	v55 =	vld [tilespmem:$0x11270];
	v49 =	vadd.f32 v21, v20;
	v48 =	vmul.f32 $3.814697270e-06, v43;
	[tilespmem:$0x110C0] =	vst v42  }
0x253: {  	v35 =	vld [tilespmem:$0x11140];
	v52 =	vadd.f32 v23, v22;
	v51 =	vmul.f32 $3.814697270e-06, v46;
	[tilespmem:$0x110D0] =	vst v45  }
0x254: {  	v38 =	vld [tilespmem:$0x11240];
	v5 =	vadd.f32 v32, v24;
	v54 =	vmul.f32 $3.814697270e-06, v49;
	[tilespmem:$0x110E0] =	vst v48  }
0x255: {  	v59 =	vadd.f32 v44, v41;
	v57 =	vmul.f32 $3.814697270e-06, v52;
	[tilespmem:$0x110F0] =	vst v51  }
0x256: {  	v60 =	vadd.f32 v50, v47;
	v5 =	vmul.f32 $3.814697270e-06, v5;
	[tilespmem:$0x11100] =	vst v54  }
0x257: {  	v61 =	vadd.f32 v55, v53;
	v7 =	vmul.f32 $3.814697270e-06, v59;
	[tilespmem:$0x11110] =	vst v57  }
0x258: {  	v56 =	vadd.f32 v34, v33;
	v62 =	vmul.f32 $3.814697270e-06, v60;
	[tilespmem:$0x11120] =	vst v5  }
0x259: {  	v58 =	vadd.f32 v38, v35;
	v63 =	vmul.f32 $3.814697270e-06, v61;
	[tilespmem:$0x11150] =	vst v7  }
0x25a: {  	v6 =	vmul.f32 $3.814697270e-06, v56;
	[tilespmem:$0x11160] =	vst v62  }
0x25b: {  	v4 =	vmul.f32 $3.814697270e-06, v58;
	[tilespmem:$0x11170] =	vst v63  }
0x25c: {  	[tilespmem:$0x11130] =	vst v6  }
0x25d: {  	s28 =	rddreg [dreg:$0x7];
	[tilespmem:$0x11140] =	vst v4  }
0x25e: {  	[hbm4b:s28+s23] =	stream.strided.scatter [tilespmem:s25], [sflag:$0x3], $0x100, s24, s23, $0x38;
	[tilespmem:$0x11520] =	vst v63  }
0x25f: {  	_ =	swait.ge [sflag:s20], $0x100  }
0x260: {  	[sflag:s20] =	ssyncset.done $0x0  }
0x261: {  	v3 =	vsel vm0, s30, v3;
	[sflag:s20] =	ssyncadd.s32 $0xFFFFFF00  }
.Ltmp12:
0x262: {  	s31 =	simm.s32 $0x11380;
	[tilespmem:$0x11380] =	vst v3;
	(pc) =	sbr.rel .LBB2_22-.Ltmp12, $4  }
0x263: {  	[hbm4b:s14+s3] =	stream.linear.scatter [tilespmem:s31], [sflag:$0x3], $0x80, $0x38;
	[tilespmem:$0x11520] =	vst v63  }
0x264: {  	_ =	swait.ge [sflag:s20], $0x80  }
0x265: {  	[sflag:s20] =	ssyncset.done $0x0  }
0x266: {  	[sflag:s20] =	ssyncadd.s32 $0xFFFFFF80  }
.LBB2_23:
0x267: {  	_ =	sfence.sel $0x180000  }
0x268: {  	[bflag:$0x0] =	sbarrier.arrive $0xFFFF  }
0x269: {  	_ =	strace $0x90000047  }
0x26a: {  	s0 =	stileid.u32;
	[bflag:$0x2] =	sbarrier.arrive $0xFFFF  }
0x26b: {  	p0 =	sne.s32 s0, $0x0;
	s0 =	rddreg [dreg:$0x5]  }
0x26c: {  	s0 =	sadd.s32 @!p0 $0x100000, s0  }
0x26d: {  	[sflag:s0] =	ssyncadd.tile.s32 @!p0 $0x1;
	_ =	shalt  }
.Lfunc_end2:
_tile_overlayer_lowered:
.L_overlay_start_2:
0x26e: {  	(tag) =	ssettag $0x2  }
0x26f: {  	s0 =	rddreg [dreg:$0x0];
	s2 =	stileid.u32  }
0x270: {  	s1 =	rddreg [dreg:$0x1];
	p0 =	sne.s32 s2, $0x0  }
0x271: {  	s3 =	rddreg [dreg:$0x2];
	[bflag:$0x3] =	sbarrier.arrive $0xFFFF;
	s2 =	simm.s32 @!p0 $0x1C03  }
0x272: {  	[timem:s3], [sflag:s2] =	dma.local @!p0 [hbm:s0], s1  }
0x273: {  	s0 =	simm.s32 @!p0 $0x3  }
0x274: {  	_ =	swait.ge @!p0 [sflag:s0], s1  }
0x275: {  	s1 =	ssub.s32 @!p0 $0x0, s1;
	[sflag:s0] =	ssyncset.done @!p0 $0x0  }
0x276: {  	[sflag:s0] =	ssyncadd.s32 @!p0 s1  }
0x277: {  	[bflag:$0x3] =	sbarrier.arrive $0xFFFF  }
0x278: {  	_ =	shalt  }

</sc_bundles>
